<compile_context>
chip_gen: v7x
topology: tpu7x:2x2x1
jax: 0.10.2.dev20260603
libtpu: 0.0.44.dev20260713+nightly
codegen_flags: <defaults>
</compile_context>

<pallas_src>
import functools

import jax
import jax.numpy as jnp
import numpy as np
from jax import lax
from jax.experimental import pallas as pl
from jax.experimental.pallas import tpu as pltpu
from jax.experimental.pallas import tpu_sc as plsc

N_PTS = 10000
CH = 128
KNN = 8
NPAD = 10240
ROWS_A = 128
ROWS_C = 128
TBLW = 256
BIGF = 3.0e38
BIGI = 2**30


def _knn_body(a_ref, b_ref, idx_ref):
    p = jnp.dot(a_ref[:, 0:3].astype(jnp.bfloat16),
                b_ref[0:3, :].astype(jnp.bfloat16),
                preferred_element_type=jnp.float32)
    d = a_ref[:, 3:4] + b_ref[3:4, :] - 2.0 * p
    iota = lax.broadcasted_iota(jnp.int32, (ROWS_A, NPAD), 1).astype(
        jnp.float32)
    cols = []
    for _ in range(KNN):
        m = jnp.min(d, axis=1, keepdims=True)
        j = jnp.min(jnp.where(d == m, iota, BIGF), axis=1, keepdims=True)
        cols.append(j.astype(jnp.int32))
        d = jnp.where(iota == j, BIGF, d)
    idx_ref[...] = jnp.concatenate(cols, axis=1)


def _attn_body(tbl_ref, g_ref, wc_ref, wf_ref, wt_ref, vecs_ref, out_ref):
    x = tbl_ref[:, 0:CH]
    xc = tbl_ref[:, CH:CH + 8]
    b_coord = vecs_ref[0:1, :]
    b_feat = vecs_ref[1:2, :]
    b_ft = vecs_ref[2:3, :]
    ln_g = vecs_ref[3:4, :]
    ln_b = vecs_ref[4:5, :]
    scale = float(np.sqrt(float(KNN)))

    scores = []
    trans = []
    for k in range(KNN):
        nf = g_ref[k, :, 0:CH]
        nc = g_ref[k, :, CH:CH + 8]
        rel_c = nc - xc
        rel_f = nf - x
        s = (jnp.dot(rel_c, wc_ref[...], preferred_element_type=jnp.float32)
             + b_coord) * \
            (jnp.dot(rel_f, wf_ref[...], preferred_element_type=jnp.float32)
             + b_feat) / scale
        t = jnp.dot(nf, wt_ref[...], preferred_element_type=jnp.float32) + b_ft
        scores.append(s)
        trans.append(t)

    m = scores[0]
    for k in range(1, KNN):
        m = jnp.maximum(m, scores[k])
    es = [jnp.exp(s - m) for s in scores]
    z = es[0]
    for k in range(1, KNN):
        z = z + es[k]
    upd = (es[0] / z) * trans[0]
    for k in range(1, KNN):
        upd = upd + (es[k] / z) * trans[k]

    out = upd + x
    mu = jnp.mean(out, axis=-1, keepdims=True)
    var = jnp.mean((out - mu) ** 2, axis=-1, keepdims=True)
    out_ref[...] = (out - mu) / jnp.sqrt(var + 1e-5) * ln_g + ln_b


def _knn_call(a_mat, b_mat):
    grid = NPAD // ROWS_A
    return pl.pallas_call(
        _knn_body,
        grid=(grid,),
        in_specs=[
            pl.BlockSpec((ROWS_A, 8), lambda i: (i, 0)),
            pl.BlockSpec((8, NPAD), lambda i: (0, 0)),
        ],
        out_specs=pl.BlockSpec((ROWS_A, KNN), lambda i: (i, 0)),
        out_shape=jax.ShapeDtypeStruct((NPAD, KNN), jnp.int32),
    )(a_mat, b_mat)


def _attn_call(table, g3, wc, wf, wt, vecs):
    grid = NPAD // ROWS_C
    return pl.pallas_call(
        _attn_body,
        grid=(grid,),
        in_specs=[
            pl.BlockSpec((ROWS_C, TBLW), lambda i: (i, 0)),
            pl.BlockSpec((KNN, ROWS_C, TBLW), lambda i: (0, i, 0)),
            pl.BlockSpec((8, CH), lambda i: (0, 0)),
            pl.BlockSpec((CH, CH), lambda i: (0, 0)),
            pl.BlockSpec((CH, CH), lambda i: (0, 0)),
            pl.BlockSpec((8, CH), lambda i: (0, 0)),
        ],
        out_specs=pl.BlockSpec((ROWS_C, CH), lambda i: (i, 0)),
        out_shape=jax.ShapeDtypeStruct((NPAD, CH), jnp.float32),
    )(table, g3, wc, wf, wt, vecs)


_NW = 32
_GB = KNN * NPAD
_B_PER_W = _GB // _NW
_CHUNK = 128
_NCH = _B_PER_W // _CHUNK


def _gather_rows(table, idx_flat):
    mesh = plsc.VectorSubcoreMesh(core_axis_name="c", subcore_axis_name="s")

    @functools.partial(
        pl.kernel, mesh=mesh,
        out_type=jax.ShapeDtypeStruct((_GB, TBLW), jnp.float32),
        scratch_types=[
            pltpu.VMEM((_B_PER_W,), jnp.int32),
            pltpu.VMEM((_CHUNK, TBLW), jnp.float32),
            pltpu.VMEM((_CHUNK, TBLW), jnp.float32),
            pltpu.SemaphoreType.DMA,
            pltpu.SemaphoreType.DMA,
        ],
    )
    def gk(table_hbm, idx_hbm, out_hbm, idx_v, r0, r1, s0, s1):
        wid = lax.axis_index("s") * 2 + lax.axis_index("c")
        base = wid * _B_PER_W
        pltpu.sync_copy(idx_hbm.at[pl.ds(base, _B_PER_W)], idx_v)
        bufs = (r0, r1)
        sems = (s0, s1)
        cps = [None, None]
        for c in range(_NCH):
            b = c % 2
            cps[b] = pltpu.async_copy(
                table_hbm.at[idx_v.at[pl.ds(c * _CHUNK, _CHUNK)]],
                bufs[b], sems[b])
            if c > 0:
                pb = (c - 1) % 2
                cps[pb].wait()
                pltpu.sync_copy(
                    bufs[pb],
                    out_hbm.at[pl.ds(base + (c - 1) * _CHUNK, _CHUNK)])
        lb = (_NCH - 1) % 2
        cps[lb].wait()
        pltpu.sync_copy(
            bufs[lb], out_hbm.at[pl.ds(base + (_NCH - 1) * _CHUNK, _CHUNK)])

    return gk(table, idx_flat)


def kernel(features, coords, W_ft, b_ft, W_coord, b_coord, W_feat, b_feat,
           ln_g, ln_b):
    bc = coords[:, 1:]
    sq = jnp.sum(bc * bc, axis=-1)
    pad = NPAD - N_PTS

    bc_p = jnp.pad(bc, ((0, pad), (0, 0)))
    sq_p = jnp.pad(sq, (0, pad))
    feat_p = jnp.pad(features, ((0, pad), (0, 0)))

    zeros4 = jnp.zeros((NPAD, 4), jnp.float32)
    a_mat = jnp.concatenate([bc_p, sq_p[:, None], zeros4], axis=1)
    col_mask = jnp.where(jnp.arange(NPAD) >= N_PTS, jnp.float32(1e30),
                         jnp.float32(0.0))
    b_mat = jnp.concatenate(
        [bc_p.T, (sq_p + col_mask)[None, :], zeros4.T], axis=0)

    idx = _knn_call(a_mat, b_mat)
    idx_flat = idx.T.reshape(-1)

    table = jnp.concatenate(
        [feat_p, bc_p, jnp.zeros((NPAD, TBLW - CH - 3), jnp.float32)], axis=1)
    g = _gather_rows(table, idx_flat)
    g3 = g.reshape(KNN, NPAD, TBLW)

    wc = jnp.concatenate([W_coord, jnp.zeros((5, CH), jnp.float32)], axis=0)
    vecs = jnp.stack([b_coord, b_feat, b_ft, ln_g, ln_b,
                      jnp.zeros_like(b_ft), jnp.zeros_like(b_ft),
                      jnp.zeros_like(b_ft)], axis=0)

    out = _attn_call(table, g3, wc, W_feat, W_ft, vecs)
    return out[:N_PTS]

# --- scband reference (transcript-rebuilt; emitter-appended) ---
"""Pipeline reference for scband-cpg-encoder-56753697849883 (READ-ONLY COPY).

The authoritative reference and input builder live on the scoring server;
editing this copy changes nothing except your own understanding.
"""

import jax, jax.numpy as jnp
import numpy as np

N = 10000
C = 128
K = 8


def setup_inputs(seed: int = 0) -> dict:
    key = jax.random.key(seed)
    ks = jax.random.split(key, 10)
    features = jax.random.normal(ks[0], (N, C), dtype=jnp.float32)
    # coords: (N, 4); first column is batch_id (single batch -> all zeros), rest are xyz
    coords_xyz = jax.random.uniform(ks[1], (N, 3), dtype=jnp.float32) * 10.0
    coords = jnp.concatenate([jnp.zeros((N, 1), jnp.float32), coords_xyz], axis=1)
    # Linear layer params (PyTorch default init: U(-1/sqrt(fan_in), 1/sqrt(fan_in)))
    s_c = 1.0 / np.sqrt(C)
    s_3 = 1.0 / np.sqrt(3.0)
    W_ft = jax.random.uniform(ks[2], (C, C), jnp.float32, -s_c, s_c)
    b_ft = jax.random.uniform(ks[3], (C,), jnp.float32, -s_c, s_c)
    W_coord = jax.random.uniform(ks[4], (3, C), jnp.float32, -s_3, s_3)
    b_coord = jax.random.uniform(ks[5], (C,), jnp.float32, -s_3, s_3)
    W_feat = jax.random.uniform(ks[6], (C, C), jnp.float32, -s_c, s_c)
    b_feat = jax.random.uniform(ks[7], (C,), jnp.float32, -s_c, s_c)
    ln_g = jnp.ones((C,), jnp.float32)
    ln_b = jnp.zeros((C,), jnp.float32)
    return {
        "features": features, "coords": coords,
        "W_ft": W_ft, "b_ft": b_ft,
        "W_coord": W_coord, "b_coord": b_coord,
        "W_feat": W_feat, "b_feat": b_feat,
        "ln_g": ln_g, "ln_b": ln_b,
    }


def reference(features, coords, W_ft, b_ft, W_coord, b_coord, W_feat, b_feat, ln_g, ln_b):
    k = K
    scale = np.sqrt(float(k))
    # single batch: coords[:, 0] are all zero -> batch_size = 1, mask selects all rows
    bc = coords[:, 1:]  # (N, 3)
    # kNN via squared Euclidean distances (memory-bound N x N matrix)
    sq = jnp.sum(bc * bc, axis=-1)  # (N,)
    d2 = sq[:, None] + sq[None, :] - 2.0 * (bc @ bc.T)  # (N, N)
    _, idx = jax.lax.top_k(-d2, k)  # (N, k) nearest neighbor indices
    nb_coords = bc[idx]             # (N, k, 3) gather
    nb_feats = features[idx]        # (N, k, C) gather
    rel_c = nb_coords - bc[:, None, :]
    rel_f = nb_feats - features[:, None, :]
    score = (rel_c @ W_coord + b_coord) * (rel_f @ W_feat + b_feat) / scale  # (N, k, C)
    attn = jax.nn.softmax(score, axis=1)  # softmax over neighbor dim (dim=1)
    # dropout in eval mode -> identity
    trans = nb_feats @ W_ft + b_ft        # feature_transform(neighbor_features)
    updated = jnp.sum(attn * trans, axis=1)  # (N, C)
    out = updated + features
    # LayerNorm (biased variance, eps=1e-5, as in torch)
    mu = jnp.mean(out, axis=-1, keepdims=True)
    var = jnp.mean((out - mu) ** 2, axis=-1, keepdims=True)
    return (out - mu) / jnp.sqrt(var + 1e-5) * ln_g + ln_b

if __name__ == "__main__":
    import jax
    _d = setup_inputs()
    print(jax.jit(kernel)(*tuple(_d.values())))

</pallas_src>

<mosaic_0001>
#map = affine_map<(d0, d1) -> (0, 0)>
#map1 = affine_map<(d0, d1) -> (0)>
module attributes {stable_mosaic.version = 14 : i64} {
  func.func @gk(%arg0: i32, %arg1: i32, %arg2: memref<10240x256xf32, #tpu.memory_space<hbm>>, %arg3: memref<81920xi32, #tpu.memory_space<hbm>>, %arg4: memref<81920x256xf32, #tpu.memory_space<hbm>>, %arg5: memref<2560xi32, #tpu.memory_space<vmem>>, %arg6: memref<128x256xf32, #tpu.memory_space<vmem>>, %arg7: memref<128x256xf32, #tpu.memory_space<vmem>>, %arg8: memref<!tpu.dma_semaphore, #tpu.memory_space<semaphore_mem>>, %arg9: memref<!tpu.dma_semaphore, #tpu.memory_space<semaphore_mem>>) attributes {dimension_semantics = [#tpu.dimension_semantics<core_parallel>, #tpu.dimension_semantics<subcore_parallel>], iteration_bounds = array<i64: 2, 16>, scalar_prefetch = 0 : i64, scratch_operands = 5 : i64, tpu.core_type = #tpu.core_type<sc_vector_subcore>, window_params = [{transform_indices = #map}, {transform_indices = #map1}, {transform_indices = #map}]} {
    %mul3A = arith.constant 2 : i32
    %mul3A_0 = arith.muli %arg1, %mul3A : i32
    %add3A = arith.addi %mul3A_0, %arg0 : i32
    %mul3A_1 = arith.constant 2560 : i32
    %mul3A_2 = arith.muli %add3A, %mul3A_1 : i32
    "tpu.region"() ({
      %run_scoped3A = tpu.sem_alloc : memref<!tpu.dma_semaphore, #tpu.memory_space<semaphore_mem>>
      %dma_start3A_241 = tpu.memref_slice %arg3[%mul3A_2] : memref<81920xi32, #tpu.memory_space<hbm>> -> memref<2560xi32, #tpu.memory_space<hbm>>
      %dma_start3A_242 = tpu.memref_slice %arg3[%mul3A_2] : memref<81920xi32, #tpu.memory_space<hbm>> -> memref<2560xi32, #tpu.memory_space<hbm>>
      tpu.enqueue_dma source(%dma_start3A_242 : memref<2560xi32, #tpu.memory_space<hbm>>) target(%arg5 : memref<2560xi32, #tpu.memory_space<vmem>>) target_semaphore(%run_scoped3A : memref<!tpu.dma_semaphore, #tpu.memory_space<semaphore_mem>>)
      %dma_wait3A_243 = tpu.memref_slice %arg3[%mul3A_2] : memref<81920xi32, #tpu.memory_space<hbm>> -> memref<2560xi32, #tpu.memory_space<hbm>>
      %dma_wait3A_244 = tpu.memref_slice %arg3[%mul3A_2] : memref<81920xi32, #tpu.memory_space<hbm>> -> memref<2560xi32, #tpu.memory_space<hbm>>
      tpu.wait_dma2 semaphore(%run_scoped3A : memref<!tpu.dma_semaphore, #tpu.memory_space<semaphore_mem>>) src(%dma_wait3A_244 : memref<2560xi32, #tpu.memory_space<hbm>>) dst(%arg5 : memref<2560xi32, #tpu.memory_space<vmem>>)
      tpu.yield
    }) : () -> ()
    %dma_start3A = arith.constant 0 : i32
    %dma_start3A_3 = tpu.memref_slice %arg5[%dma_start3A] : memref<2560xi32, #tpu.memory_space<vmem>> -> memref<128xi32, #tpu.memory_space<vmem>>
    %dma_start3A_4 = arith.constant 0 : i32
    %dma_start3A_5 = arith.constant 0 : i32
    %dma_start3A_6 = tpu.memref_slice %arg2[%dma_start3A_4, %dma_start3A_5] : memref<10240x256xf32, #tpu.memory_space<hbm>> -> memref<10240x256xf32, #tpu.memory_space<hbm>>
    tpu.enqueue_indirect_dma source(%dma_start3A_6 : memref<10240x256xf32, #tpu.memory_space<hbm>>) target(%arg6 : memref<128x256xf32, #tpu.memory_space<vmem>>) offsets(%dma_start3A_3 : memref<128xi32, #tpu.memory_space<vmem>>) semaphore(%arg8 : memref<!tpu.dma_semaphore, #tpu.memory_space<semaphore_mem>>)
    %dma_start3A_7 = arith.constant 128 : i32
    %dma_start3A_8 = tpu.memref_slice %arg5[%dma_start3A_7] : memref<2560xi32, #tpu.memory_space<vmem>> -> memref<128xi32, #tpu.memory_space<vmem>>
    %dma_start3A_9 = arith.constant 0 : i32
    %dma_start3A_10 = arith.constant 0 : i32
    %dma_start3A_11 = tpu.memref_slice %arg2[%dma_start3A_9, %dma_start3A_10] : memref<10240x256xf32, #tpu.memory_space<hbm>> -> memref<10240x256xf32, #tpu.memory_space<hbm>>
    tpu.enqueue_indirect_dma source(%dma_start3A_11 : memref<10240x256xf32, #tpu.memory_space<hbm>>) target(%arg7 : memref<128x256xf32, #tpu.memory_space<vmem>>) offsets(%dma_start3A_8 : memref<128xi32, #tpu.memory_space<vmem>>) semaphore(%arg9 : memref<!tpu.dma_semaphore, #tpu.memory_space<semaphore_mem>>)
    %dma_wait3A = arith.constant 0 : i32
    %dma_wait3A_12 = tpu.memref_slice %arg5[%dma_wait3A] : memref<2560xi32, #tpu.memory_space<vmem>> -> memref<128xi32, #tpu.memory_space<vmem>>
    %dma_wait3A_13 = arith.constant 0 : i32
    %dma_wait3A_14 = arith.constant 0 : i32
    %dma_wait3A_15 = tpu.memref_slice %arg2[%dma_wait3A_13, %dma_wait3A_14] : memref<10240x256xf32, #tpu.memory_space<hbm>> -> memref<10240x256xf32, #tpu.memory_space<hbm>>
    tpu.wait_indirect_dma semaphore(%arg8 : memref<!tpu.dma_semaphore, #tpu.memory_space<semaphore_mem>>) src(%dma_wait3A_15 : memref<10240x256xf32, #tpu.memory_space<hbm>>) dst(%arg6 : memref<128x256xf32, #tpu.memory_space<vmem>>)
    %add3A_16 = arith.constant 0 : i32
    %add3A_17 = arith.addi %mul3A_2, %add3A_16 : i32
    "tpu.region"() ({
      %run_scoped3A = tpu.sem_alloc : memref<!tpu.dma_semaphore, #tpu.memory_space<semaphore_mem>>
      %dma_start3A_241 = arith.constant 0 : i32
      %dma_start3A_242 = tpu.memref_slice %arg4[%add3A_17, %dma_start3A_241] : memref<81920x256xf32, #tpu.memory_space<hbm>> -> memref<128x256xf32, #tpu.memory_space<hbm>>
      %dma_start3A_243 = arith.constant 0 : i32
      %dma_start3A_244 = tpu.memref_slice %arg4[%add3A_17, %dma_start3A_243] : memref<81920x256xf32, #tpu.memory_space<hbm>> -> memref<128x256xf32, #tpu.memory_space<hbm>>
      tpu.enqueue_dma source(%arg6 : memref<128x256xf32, #tpu.memory_space<vmem>>) target(%dma_start3A_244 : memref<128x256xf32, #tpu.memory_space<hbm>>) target_semaphore(%run_scoped3A : memref<!tpu.dma_semaphore, #tpu.memory_space<semaphore_mem>>)
      %dma_wait3A_245 = arith.constant 0 : i32
      %dma_wait3A_246 = tpu.memref_slice %arg4[%add3A_17, %dma_wait3A_245] : memref<81920x256xf32, #tpu.memory_space<hbm>> -> memref<128x256xf32, #tpu.memory_space<hbm>>
      %dma_wait3A_247 = arith.constant 0 : i32
      %dma_wait3A_248 = tpu.memref_slice %arg4[%add3A_17, %dma_wait3A_247] : memref<81920x256xf32, #tpu.memory_space<hbm>> -> memref<128x256xf32, #tpu.memory_space<hbm>>
      tpu.wait_dma2 semaphore(%run_scoped3A : memref<!tpu.dma_semaphore, #tpu.memory_space<semaphore_mem>>) src(%arg6 : memref<128x256xf32, #tpu.memory_space<vmem>>) dst(%dma_wait3A_248 : memref<128x256xf32, #tpu.memory_space<hbm>>)
      tpu.yield
    }) : () -> ()
    %dma_start3A_18 = arith.constant 256 : i32
    %dma_start3A_19 = tpu.memref_slice %arg5[%dma_start3A_18] : memref<2560xi32, #tpu.memory_space<vmem>> -> memref<128xi32, #tpu.memory_space<vmem>>
    %dma_start3A_20 = arith.constant 0 : i32
    %dma_start3A_21 = arith.constant 0 : i32
    %dma_start3A_22 = tpu.memref_slice %arg2[%dma_start3A_20, %dma_start3A_21] : memref<10240x256xf32, #tpu.memory_space<hbm>> -> memref<10240x256xf32, #tpu.memory_space<hbm>>
    tpu.enqueue_indirect_dma source(%dma_start3A_22 : memref<10240x256xf32, #tpu.memory_space<hbm>>) target(%arg6 : memref<128x256xf32, #tpu.memory_space<vmem>>) offsets(%dma_start3A_19 : memref<128xi32, #tpu.memory_space<vmem>>) semaphore(%arg8 : memref<!tpu.dma_semaphore, #tpu.memory_space<semaphore_mem>>)
    %dma_wait3A_23 = arith.constant 128 : i32
    %dma_wait3A_24 = tpu.memref_slice %arg5[%dma_wait3A_23] : memref<2560xi32, #tpu.memory_space<vmem>> -> memref<128xi32, #tpu.memory_space<vmem>>
    %dma_wait3A_25 = arith.constant 0 : i32
    %dma_wait3A_26 = arith.constant 0 : i32
    %dma_wait3A_27 = tpu.memref_slice %arg2[%dma_wait3A_25, %dma_wait3A_26] : memref<10240x256xf32, #tpu.memory_space<hbm>> -> memref<10240x256xf32, #tpu.memory_space<hbm>>
    tpu.wait_indirect_dma semaphore(%arg9 : memref<!tpu.dma_semaphore, #tpu.memory_space<semaphore_mem>>) src(%dma_wait3A_27 : memref<10240x256xf32, #tpu.memory_space<hbm>>) dst(%arg7 : memref<128x256xf32, #tpu.memory_space<vmem>>)
    %add3A_28 = arith.constant 128 : i32
    %add3A_29 = arith.addi %mul3A_2, %add3A_28 : i32
    "tpu.region"() ({
      %run_scoped3A = tpu.sem_alloc : memref<!tpu.dma_semaphore, #tpu.memory_space<semaphore_mem>>
      %dma_start3A_241 = arith.constant 0 : i32
      %dma_start3A_242 = tpu.memref_slice %arg4[%add3A_29, %dma_start3A_241] : memref<81920x256xf32, #tpu.memory_space<hbm>> -> memref<128x256xf32, #tpu.memory_space<hbm>>
      %dma_start3A_243 = arith.constant 0 : i32
      %dma_start3A_244 = tpu.memref_slice %arg4[%add3A_29, %dma_start3A_243] : memref<81920x256xf32, #tpu.memory_space<hbm>> -> memref<128x256xf32, #tpu.memory_space<hbm>>
      tpu.enqueue_dma source(%arg7 : memref<128x256xf32, #tpu.memory_space<vmem>>) target(%dma_start3A_244 : memref<128x256xf32, #tpu.memory_space<hbm>>) target_semaphore(%run_scoped3A : memref<!tpu.dma_semaphore, #tpu.memory_space<semaphore_mem>>)
      %dma_wait3A_245 = arith.constant 0 : i32
      %dma_wait3A_246 = tpu.memref_slice %arg4[%add3A_29, %dma_wait3A_245] : memref<81920x256xf32, #tpu.memory_space<hbm>> -> memref<128x256xf32, #tpu.memory_space<hbm>>
      %dma_wait3A_247 = arith.constant 0 : i32
      %dma_wait3A_248 = tpu.memref_slice %arg4[%add3A_29, %dma_wait3A_247] : memref<81920x256xf32, #tpu.memory_space<hbm>> -> memref<128x256xf32, #tpu.memory_space<hbm>>
      tpu.wait_dma2 semaphore(%run_scoped3A : memref<!tpu.dma_semaphore, #tpu.memory_space<semaphore_mem>>) src(%arg7 : memref<128x256xf32, #tpu.memory_space<vmem>>) dst(%dma_wait3A_248 : memref<128x256xf32, #tpu.memory_space<hbm>>)
      tpu.yield
    }) : () -> ()
    %dma_start3A_30 = arith.constant 384 : i32
    %dma_start3A_31 = tpu.memref_slice %arg5[%dma_start3A_30] : memref<2560xi32, #tpu.memory_space<vmem>> -> memref<128xi32, #tpu.memory_space<vmem>>
    %dma_start3A_32 = arith.constant 0 : i32
    %dma_start3A_33 = arith.constant 0 : i32
    %dma_start3A_34 = tpu.memref_slice %arg2[%dma_start3A_32, %dma_start3A_33] : memref<10240x256xf32, #tpu.memory_space<hbm>> -> memref<10240x256xf32, #tpu.memory_space<hbm>>
    tpu.enqueue_indirect_dma source(%dma_start3A_34 : memref<10240x256xf32, #tpu.memory_space<hbm>>) target(%arg7 : memref<128x256xf32, #tpu.memory_space<vmem>>) offsets(%dma_start3A_31 : memref<128xi32, #tpu.memory_space<vmem>>) semaphore(%arg9 : memref<!tpu.dma_semaphore, #tpu.memory_space<semaphore_mem>>)
    %dma_wait3A_35 = arith.constant 256 : i32
    %dma_wait3A_36 = tpu.memref_slice %arg5[%dma_wait3A_35] : memref<2560xi32, #tpu.memory_space<vmem>> -> memref<128xi32, #tpu.memory_space<vmem>>
    %dma_wait3A_37 = arith.constant 0 : i32
    %dma_wait3A_38 = arith.constant 0 : i32
    %dma_wait3A_39 = tpu.memref_slice %arg2[%dma_wait3A_37, %dma_wait3A_38] : memref<10240x256xf32, #tpu.memory_space<hbm>> -> memref<10240x256xf32, #tpu.memory_space<hbm>>
    tpu.wait_indirect_dma semaphore(%arg8 : memref<!tpu.dma_semaphore, #tpu.memory_space<semaphore_mem>>) src(%dma_wait3A_39 : memref<10240x256xf32, #tpu.memory_space<hbm>>) dst(%arg6 : memref<128x256xf32, #tpu.memory_space<vmem>>)
    %add3A_40 = arith.constant 256 : i32
    %add3A_41 = arith.addi %mul3A_2, %add3A_40 : i32
    "tpu.region"() ({
      %run_scoped3A = tpu.sem_alloc : memref<!tpu.dma_semaphore, #tpu.memory_space<semaphore_mem>>
      %dma_start3A_241 = arith.constant 0 : i32
      %dma_start3A_242 = tpu.memref_slice %arg4[%add3A_41, %dma_start3A_241] : memref<81920x256xf32, #tpu.memory_space<hbm>> -> memref<128x256xf32, #tpu.memory_space<hbm>>
      %dma_start3A_243 = arith.constant 0 : i32
      %dma_start3A_244 = tpu.memref_slice %arg4[%add3A_41, %dma_start3A_243] : memref<81920x256xf32, #tpu.memory_space<hbm>> -> memref<128x256xf32, #tpu.memory_space<hbm>>
      tpu.enqueue_dma source(%arg6 : memref<128x256xf32, #tpu.memory_space<vmem>>) target(%dma_start3A_244 : memref<128x256xf32, #tpu.memory_space<hbm>>) target_semaphore(%run_scoped3A : memref<!tpu.dma_semaphore, #tpu.memory_space<semaphore_mem>>)
      %dma_wait3A_245 = arith.constant 0 : i32
      %dma_wait3A_246 = tpu.memref_slice %arg4[%add3A_41, %dma_wait3A_245] : memref<81920x256xf32, #tpu.memory_space<hbm>> -> memref<128x256xf32, #tpu.memory_space<hbm>>
      %dma_wait3A_247 = arith.constant 0 : i32
      %dma_wait3A_248 = tpu.memref_slice %arg4[%add3A_41, %dma_wait3A_247] : memref<81920x256xf32, #tpu.memory_space<hbm>> -> memref<128x256xf32, #tpu.memory_space<hbm>>
      tpu.wait_dma2 semaphore(%run_scoped3A : memref<!tpu.dma_semaphore, #tpu.memory_space<semaphore_mem>>) src(%arg6 : memref<128x256xf32, #tpu.memory_space<vmem>>) dst(%dma_wait3A_248 : memref<128x256xf32, #tpu.memory_space<hbm>>)
      tpu.yield
    }) : () -> ()
    %dma_start3A_42 = arith.constant 512 : i32
    %dma_start3A_43 = tpu.memref_slice %arg5[%dma_start3A_42] : memref<2560xi32, #tpu.memory_space<vmem>> -> memref<128xi32, #tpu.memory_space<vmem>>
    %dma_start3A_44 = arith.constant 0 : i32
    %dma_start3A_45 = arith.constant 0 : i32
    %dma_start3A_46 = tpu.memref_slice %arg2[%dma_start3A_44, %dma_start3A_45] : memref<10240x256xf32, #tpu.memory_space<hbm>> -> memref<10240x256xf32, #tpu.memory_space<hbm>>
    tpu.enqueue_indirect_dma source(%dma_start3A_46 : memref<10240x256xf32, #tpu.memory_space<hbm>>) target(%arg6 : memref<128x256xf32, #tpu.memory_space<vmem>>) offsets(%dma_start3A_43 : memref<128xi32, #tpu.memory_space<vmem>>) semaphore(%arg8 : memref<!tpu.dma_semaphore, #tpu.memory_space<semaphore_mem>>)
    %dma_wait3A_47 = arith.constant 384 : i32
    %dma_wait3A_48 = tpu.memref_slice %arg5[%dma_wait3A_47] : memref<2560xi32, #tpu.memory_space<vmem>> -> memref<128xi32, #tpu.memory_space<vmem>>
    %dma_wait3A_49 = arith.constant 0 : i32
    %dma_wait3A_50 = arith.constant 0 : i32
    %dma_wait3A_51 = tpu.memref_slice %arg2[%dma_wait3A_49, %dma_wait3A_50] : memref<10240x256xf32, #tpu.memory_space<hbm>> -> memref<10240x256xf32, #tpu.memory_space<hbm>>
    tpu.wait_indirect_dma semaphore(%arg9 : memref<!tpu.dma_semaphore, #tpu.memory_space<semaphore_mem>>) src(%dma_wait3A_51 : memref<10240x256xf32, #tpu.memory_space<hbm>>) dst(%arg7 : memref<128x256xf32, #tpu.memory_space<vmem>>)
    %add3A_52 = arith.constant 384 : i32
    %add3A_53 = arith.addi %mul3A_2, %add3A_52 : i32
    "tpu.region"() ({
      %run_scoped3A = tpu.sem_alloc : memref<!tpu.dma_semaphore, #tpu.memory_space<semaphore_mem>>
      %dma_start3A_241 = arith.constant 0 : i32
      %dma_start3A_242 = tpu.memref_slice %arg4[%add3A_53, %dma_start3A_241] : memref<81920x256xf32, #tpu.memory_space<hbm>> -> memref<128x256xf32, #tpu.memory_space<hbm>>
      %dma_start3A_243 = arith.constant 0 : i32
      %dma_start3A_244 = tpu.memref_slice %arg4[%add3A_53, %dma_start3A_243] : memref<81920x256xf32, #tpu.memory_space<hbm>> -> memref<128x256xf32, #tpu.memory_space<hbm>>
      tpu.enqueue_dma source(%arg7 : memref<128x256xf32, #tpu.memory_space<vmem>>) target(%dma_start3A_244 : memref<128x256xf32, #tpu.memory_space<hbm>>) target_semaphore(%run_scoped3A : memref<!tpu.dma_semaphore, #tpu.memory_space<semaphore_mem>>)
      %dma_wait3A_245 = arith.constant 0 : i32
      %dma_wait3A_246 = tpu.memref_slice %arg4[%add3A_53, %dma_wait3A_245] : memref<81920x256xf32, #tpu.memory_space<hbm>> -> memref<128x256xf32, #tpu.memory_space<hbm>>
      %dma_wait3A_247 = arith.constant 0 : i32
      %dma_wait3A_248 = tpu.memref_slice %arg4[%add3A_53, %dma_wait3A_247] : memref<81920x256xf32, #tpu.memory_space<hbm>> -> memref<128x256xf32, #tpu.memory_space<hbm>>
      tpu.wait_dma2 semaphore(%run_scoped3A : memref<!tpu.dma_semaphore, #tpu.memory_space<semaphore_mem>>) src(%arg7 : memref<128x256xf32, #tpu.memory_space<vmem>>) dst(%dma_wait3A_248 : memref<128x256xf32, #tpu.memory_space<hbm>>)
      tpu.yield
    }) : () -> ()
    %dma_start3A_54 = arith.constant 640 : i32
    %dma_start3A_55 = tpu.memref_slice %arg5[%dma_start3A_54] : memref<2560xi32, #tpu.memory_space<vmem>> -> memref<128xi32, #tpu.memory_space<vmem>>
    %dma_start3A_56 = arith.constant 0 : i32
    %dma_start3A_57 = arith.constant 0 : i32
    %dma_start3A_58 = tpu.memref_slice %arg2[%dma_start3A_56, %dma_start3A_57] : memref<10240x256xf32, #tpu.memory_space<hbm>> -> memref<10240x256xf32, #tpu.memory_space<hbm>>
    tpu.enqueue_indirect_dma source(%dma_start3A_58 : memref<10240x256xf32, #tpu.memory_space<hbm>>) target(%arg7 : memref<128x256xf32, #tpu.memory_space<vmem>>) offsets(%dma_start3A_55 : memref<128xi32, #tpu.memory_space<vmem>>) semaphore(%arg9 : memref<!tpu.dma_semaphore, #tpu.memory_space<semaphore_mem>>)
    %dma_wait3A_59 = arith.constant 512 : i32
    %dma_wait3A_60 = tpu.memref_slice %arg5[%dma_wait3A_59] : memref<2560xi32, #tpu.memory_space<vmem>> -> memref<128xi32, #tpu.memory_space<vmem>>
    %dma_wait3A_61 = arith.constant 0 : i32
    %dma_wait3A_62 = arith.constant 0 : i32
    %dma_wait3A_63 = tpu.memref_slice %arg2[%dma_wait3A_61, %dma_wait3A_62] : memref<10240x256xf32, #tpu.memory_space<hbm>> -> memref<10240x256xf32, #tpu.memory_space<hbm>>
    tpu.wait_indirect_dma semaphore(%arg8 : memref<!tpu.dma_semaphore, #tpu.memory_space<semaphore_mem>>) src(%dma_wait3A_63 : memref<10240x256xf32, #tpu.memory_space<hbm>>) dst(%arg6 : memref<128x256xf32, #tpu.memory_space<vmem>>)
    %add3A_64 = arith.constant 512 : i32
    %add3A_65 = arith.addi %mul3A_2, %add3A_64 : i32
    "tpu.region"() ({
      %run_scoped3A = tpu.sem_alloc : memref<!tpu.dma_semaphore, #tpu.memory_space<semaphore_mem>>
      %dma_start3A_241 = arith.constant 0 : i32
      %dma_start3A_242 = tpu.memref_slice %arg4[%add3A_65, %dma_start3A_241] : memref<81920x256xf32, #tpu.memory_space<hbm>> -> memref<128x256xf32, #tpu.memory_space<hbm>>
      %dma_start3A_243 = arith.constant 0 : i32
      %dma_start3A_244 = tpu.memref_slice %arg4[%add3A_65, %dma_start3A_243] : memref<81920x256xf32, #tpu.memory_space<hbm>> -> memref<128x256xf32, #tpu.memory_space<hbm>>
      tpu.enqueue_dma source(%arg6 : memref<128x256xf32, #tpu.memory_space<vmem>>) target(%dma_start3A_244 : memref<128x256xf32, #tpu.memory_space<hbm>>) target_semaphore(%run_scoped3A : memref<!tpu.dma_semaphore, #tpu.memory_space<semaphore_mem>>)
      %dma_wait3A_245 = arith.constant 0 : i32
      %dma_wait3A_246 = tpu.memref_slice %arg4[%add3A_65, %dma_wait3A_245] : memref<81920x256xf32, #tpu.memory_space<hbm>> -> memref<128x256xf32, #tpu.memory_space<hbm>>
      %dma_wait3A_247 = arith.constant 0 : i32
      %dma_wait3A_248 = tpu.memref_slice %arg4[%add3A_65, %dma_wait3A_247] : memref<81920x256xf32, #tpu.memory_space<hbm>> -> memref<128x256xf32, #tpu.memory_space<hbm>>
      tpu.wait_dma2 semaphore(%run_scoped3A : memref<!tpu.dma_semaphore, #tpu.memory_space<semaphore_mem>>) src(%arg6 : memref<128x256xf32, #tpu.memory_space<vmem>>) dst(%dma_wait3A_248 : memref<128x256xf32, #tpu.memory_space<hbm>>)
      tpu.yield
    }) : () -> ()
    %dma_start3A_66 = arith.constant 768 : i32
    %dma_start3A_67 = tpu.memref_slice %arg5[%dma_start3A_66] : memref<2560xi32, #tpu.memory_space<vmem>> -> memref<128xi32, #tpu.memory_space<vmem>>
    %dma_start3A_68 = arith.constant 0 : i32
    %dma_start3A_69 = arith.constant 0 : i32
    %dma_start3A_70 = tpu.memref_slice %arg2[%dma_start3A_68, %dma_start3A_69] : memref<10240x256xf32, #tpu.memory_space<hbm>> -> memref<10240x256xf32, #tpu.memory_space<hbm>>
    tpu.enqueue_indirect_dma source(%dma_start3A_70 : memref<10240x256xf32, #tpu.memory_space<hbm>>) target(%arg6 : memref<128x256xf32, #tpu.memory_space<vmem>>) offsets(%dma_start3A_67 : memref<128xi32, #tpu.memory_space<vmem>>) semaphore(%arg8 : memref<!tpu.dma_semaphore, #tpu.memory_space<semaphore_mem>>)
    %dma_wait3A_71 = arith.constant 640 : i32
    %dma_wait3A_72 = tpu.memref_slice %arg5[%dma_wait3A_71] : memref<2560xi32, #tpu.memory_space<vmem>> -> memref<128xi32, #tpu.memory_space<vmem>>
    %dma_wait3A_73 = arith.constant 0 : i32
    %dma_wait3A_74 = arith.constant 0 : i32
    %dma_wait3A_75 = tpu.memref_slice %arg2[%dma_wait3A_73, %dma_wait3A_74] : memref<10240x256xf32, #tpu.memory_space<hbm>> -> memref<10240x256xf32, #tpu.memory_space<hbm>>
    tpu.wait_indirect_dma semaphore(%arg9 : memref<!tpu.dma_semaphore, #tpu.memory_space<semaphore_mem>>) src(%dma_wait3A_75 : memref<10240x256xf32, #tpu.memory_space<hbm>>) dst(%arg7 : memref<128x256xf32, #tpu.memory_space<vmem>>)
    %add3A_76 = arith.constant 640 : i32
    %add3A_77 = arith.addi %mul3A_2, %add3A_76 : i32
    "tpu.region"() ({
      %run_scoped3A = tpu.sem_alloc : memref<!tpu.dma_semaphore, #tpu.memory_space<semaphore_mem>>
      %dma_start3A_241 = arith.constant 0 : i32
      %dma_start3A_242 = tpu.memref_slice %arg4[%add3A_77, %dma_start3A_241] : memref<81920x256xf32, #tpu.memory_space<hbm>> -> memref<128x256xf32, #tpu.memory_space<hbm>>
      %dma_start3A_243 = arith.constant 0 : i32
      %dma_start3A_244 = tpu.memref_slice %arg4[%add3A_77, %dma_start3A_243] : memref<81920x256xf32, #tpu.memory_space<hbm>> -> memref<128x256xf32, #tpu.memory_space<hbm>>
      tpu.enqueue_dma source(%arg7 : memref<128x256xf32, #tpu.memory_space<vmem>>) target(%dma_start3A_244 : memref<128x256xf32, #tpu.memory_space<hbm>>) target_semaphore(%run_scoped3A : memref<!tpu.dma_semaphore, #tpu.memory_space<semaphore_mem>>)
      %dma_wait3A_245 = arith.constant 0 : i32
      %dma_wait3A_246 = tpu.memref_slice %arg4[%add3A_77, %dma_wait3A_245] : memref<81920x256xf32, #tpu.memory_space<hbm>> -> memref<128x256xf32, #tpu.memory_space<hbm>>
      %dma_wait3A_247 = arith.constant 0 : i32
      %dma_wait3A_248 = tpu.memref_slice %arg4[%add3A_77, %dma_wait3A_247] : memref<81920x256xf32, #tpu.memory_space<hbm>> -> memref<128x256xf32, #tpu.memory_space<hbm>>
      tpu.wait_dma2 semaphore(%run_scoped3A : memref<!tpu.dma_semaphore, #tpu.memory_space<semaphore_mem>>) src(%arg7 : memref<128x256xf32, #tpu.memory_space<vmem>>) dst(%dma_wait3A_248 : memref<128x256xf32, #tpu.memory_space<hbm>>)
      tpu.yield
    }) : () -> ()
    %dma_start3A_78 = arith.constant 896 : i32
    %dma_start3A_79 = tpu.memref_slice %arg5[%dma_start3A_78] : memref<2560xi32, #tpu.memory_space<vmem>> -> memref<128xi32, #tpu.memory_space<vmem>>
    %dma_start3A_80 = arith.constant 0 : i32
    %dma_start3A_81 = arith.constant 0 : i32
    %dma_start3A_82 = tpu.memref_slice %arg2[%dma_start3A_80, %dma_start3A_81] : memref<10240x256xf32, #tpu.memory_space<hbm>> -> memref<10240x256xf32, #tpu.memory_space<hbm>>
    tpu.enqueue_indirect_dma source(%dma_start3A_82 : memref<10240x256xf32, #tpu.memory_space<hbm>>) target(%arg7 : memref<128x256xf32, #tpu.memory_space<vmem>>) offsets(%dma_start3A_79 : memref<128xi32, #tpu.memory_space<vmem>>) semaphore(%arg9 : memref<!tpu.dma_semaphore, #tpu.memory_space<semaphore_mem>>)
    %dma_wait3A_83 = arith.constant 768 : i32
    %dma_wait3A_84 = tpu.memref_slice %arg5[%dma_wait3A_83] : memref<2560xi32, #tpu.memory_space<vmem>> -> memref<128xi32, #tpu.memory_space<vmem>>
    %dma_wait3A_85 = arith.constant 0 : i32
    %dma_wait3A_86 = arith.constant 0 : i32
    %dma_wait3A_87 = tpu.memref_slice %arg2[%dma_wait3A_85, %dma_wait3A_86] : memref<10240x256xf32, #tpu.memory_space<hbm>> -> memref<10240x256xf32, #tpu.memory_space<hbm>>
    tpu.wait_indirect_dma semaphore(%arg8 : memref<!tpu.dma_semaphore, #tpu.memory_space<semaphore_mem>>) src(%dma_wait3A_87 : memref<10240x256xf32, #tpu.memory_space<hbm>>) dst(%arg6 : memref<128x256xf32, #tpu.memory_space<vmem>>)
    %add3A_88 = arith.constant 768 : i32
    %add3A_89 = arith.addi %mul3A_2, %add3A_88 : i32
    "tpu.region"() ({
      %run_scoped3A = tpu.sem_alloc : memref<!tpu.dma_semaphore, #tpu.memory_space<semaphore_mem>>
      %dma_start3A_241 = arith.constant 0 : i32
      %dma_start3A_242 = tpu.memref_slice %arg4[%add3A_89, %dma_start3A_241] : memref<81920x256xf32, #tpu.memory_space<hbm>> -> memref<128x256xf32, #tpu.memory_space<hbm>>
      %dma_start3A_243 = arith.constant 0 : i32
      %dma_start3A_244 = tpu.memref_slice %arg4[%add3A_89, %dma_start3A_243] : memref<81920x256xf32, #tpu.memory_space<hbm>> -> memref<128x256xf32, #tpu.memory_space<hbm>>
      tpu.enqueue_dma source(%arg6 : memref<128x256xf32, #tpu.memory_space<vmem>>) target(%dma_start3A_244 : memref<128x256xf32, #tpu.memory_space<hbm>>) target_semaphore(%run_scoped3A : memref<!tpu.dma_semaphore, #tpu.memory_space<semaphore_mem>>)
      %dma_wait3A_245 = arith.constant 0 : i32
      %dma_wait3A_246 = tpu.memref_slice %arg4[%add3A_89, %dma_wait3A_245] : memref<81920x256xf32, #tpu.memory_space<hbm>> -> memref<128x256xf32, #tpu.memory_space<hbm>>
      %dma_wait3A_247 = arith.constant 0 : i32
      %dma_wait3A_248 = tpu.memref_slice %arg4[%add3A_89, %dma_wait3A_247] : memref<81920x256xf32, #tpu.memory_space<hbm>> -> memref<128x256xf32, #tpu.memory_space<hbm>>
      tpu.wait_dma2 semaphore(%run_scoped3A : memref<!tpu.dma_semaphore, #tpu.memory_space<semaphore_mem>>) src(%arg6 : memref<128x256xf32, #tpu.memory_space<vmem>>) dst(%dma_wait3A_248 : memref<128x256xf32, #tpu.memory_space<hbm>>)
      tpu.yield
    }) : () -> ()
    %dma_start3A_90 = arith.constant 1024 : i32
    %dma_start3A_91 = tpu.memref_slice %arg5[%dma_start3A_90] : memref<2560xi32, #tpu.memory_space<vmem>> -> memref<128xi32, #tpu.memory_space<vmem>>
    %dma_start3A_92 = arith.constant 0 : i32
    %dma_start3A_93 = arith.constant 0 : i32
    %dma_start3A_94 = tpu.memref_slice %arg2[%dma_start3A_92, %dma_start3A_93] : memref<10240x256xf32, #tpu.memory_space<hbm>> -> memref<10240x256xf32, #tpu.memory_space<hbm>>
    tpu.enqueue_indirect_dma source(%dma_start3A_94 : memref<10240x256xf32, #tpu.memory_space<hbm>>) target(%arg6 : memref<128x256xf32, #tpu.memory_space<vmem>>) offsets(%dma_start3A_91 : memref<128xi32, #tpu.memory_space<vmem>>) semaphore(%arg8 : memref<!tpu.dma_semaphore, #tpu.memory_space<semaphore_mem>>)
    %dma_wait3A_95 = arith.constant 896 : i32
    %dma_wait3A_96 = tpu.memref_slice %arg5[%dma_wait3A_95] : memref<2560xi32, #tpu.memory_space<vmem>> -> memref<128xi32, #tpu.memory_space<vmem>>
    %dma_wait3A_97 = arith.constant 0 : i32
    %dma_wait3A_98 = arith.constant 0 : i32
    %dma_wait3A_99 = tpu.memref_slice %arg2[%dma_wait3A_97, %dma_wait3A_98] : memref<10240x256xf32, #tpu.memory_space<hbm>> -> memref<10240x256xf32, #tpu.memory_space<hbm>>
    tpu.wait_indirect_dma semaphore(%arg9 : memref<!tpu.dma_semaphore, #tpu.memory_space<semaphore_mem>>) src(%dma_wait3A_99 : memref<10240x256xf32, #tpu.memory_space<hbm>>) dst(%arg7 : memref<128x256xf32, #tpu.memory_space<vmem>>)
    %add3A_100 = arith.constant 896 : i32
    %add3A_101 = arith.addi %mul3A_2, %add3A_100 : i32
    "tpu.region"() ({
      %run_scoped3A = tpu.sem_alloc : memref<!tpu.dma_semaphore, #tpu.memory_space<semaphore_mem>>
      %dma_start3A_241 = arith.constant 0 : i32
      %dma_start3A_242 = tpu.memref_slice %arg4[%add3A_101, %dma_start3A_241] : memref<81920x256xf32, #tpu.memory_space<hbm>> -> memref<128x256xf32, #tpu.memory_space<hbm>>
      %dma_start3A_243 = arith.constant 0 : i32
      %dma_start3A_244 = tpu.memref_slice %arg4[%add3A_101, %dma_start3A_243] : memref<81920x256xf32, #tpu.memory_space<hbm>> -> memref<128x256xf32, #tpu.memory_space<hbm>>
      tpu.enqueue_dma source(%arg7 : memref<128x256xf32, #tpu.memory_space<vmem>>) target(%dma_start3A_244 : memref<128x256xf32, #tpu.memory_space<hbm>>) target_semaphore(%run_scoped3A : memref<!tpu.dma_semaphore, #tpu.memory_space<semaphore_mem>>)
      %dma_wait3A_245 = arith.constant 0 : i32
      %dma_wait3A_246 = tpu.memref_slice %arg4[%add3A_101, %dma_wait3A_245] : memref<81920x256xf32, #tpu.memory_space<hbm>> -> memref<128x256xf32, #tpu.memory_space<hbm>>
      %dma_wait3A_247 = arith.constant 0 : i32
      %dma_wait3A_248 = tpu.memref_slice %arg4[%add3A_101, %dma_wait3A_247] : memref<81920x256xf32, #tpu.memory_space<hbm>> -> memref<128x256xf32, #tpu.memory_space<hbm>>
      tpu.wait_dma2 semaphore(%run_scoped3A : memref<!tpu.dma_semaphore, #tpu.memory_space<semaphore_mem>>) src(%arg7 : memref<128x256xf32, #tpu.memory_space<vmem>>) dst(%dma_wait3A_248 : memref<128x256xf32, #tpu.memory_space<hbm>>)
      tpu.yield
    }) : () -> ()
    %dma_start3A_102 = arith.constant 1152 : i32
    %dma_start3A_103 = tpu.memref_slice %arg5[%dma_start3A_102] : memref<2560xi32, #tpu.memory_space<vmem>> -> memref<128xi32, #tpu.memory_space<vmem>>
    %dma_start3A_104 = arith.constant 0 : i32
    %dma_start3A_105 = arith.constant 0 : i32
    %dma_start3A_106 = tpu.memref_slice %arg2[%dma_start3A_104, %dma_start3A_105] : memref<10240x256xf32, #tpu.memory_space<hbm>> -> memref<10240x256xf32, #tpu.memory_space<hbm>>
    tpu.enqueue_indirect_dma source(%dma_start3A_106 : memref<10240x256xf32, #tpu.memory_space<hbm>>) target(%arg7 : memref<128x256xf32, #tpu.memory_space<vmem>>) offsets(%dma_start3A_103 : memref<128xi32, #tpu.memory_space<vmem>>) semaphore(%arg9 : memref<!tpu.dma_semaphore, #tpu.memory_space<semaphore_mem>>)
    %dma_wait3A_107 = arith.constant 1024 : i32
    %dma_wait3A_108 = tpu.memref_slice %arg5[%dma_wait3A_107] : memref<2560xi32, #tpu.memory_space<vmem>> -> memref<128xi32, #tpu.memory_space<vmem>>
    %dma_wait3A_109 = arith.constant 0 : i32
    %dma_wait3A_110 = arith.constant 0 : i32
    %dma_wait3A_111 = tpu.memref_slice %arg2[%dma_wait3A_109, %dma_wait3A_110] : memref<10240x256xf32, #tpu.memory_space<hbm>> -> memref<10240x256xf32, #tpu.memory_space<hbm>>
    tpu.wait_indirect_dma semaphore(%arg8 : memref<!tpu.dma_semaphore, #tpu.memory_space<semaphore_mem>>) src(%dma_wait3A_111 : memref<10240x256xf32, #tpu.memory_space<hbm>>) dst(%arg6 : memref<128x256xf32, #tpu.memory_space<vmem>>)
    %add3A_112 = arith.constant 1024 : i32
    %add3A_113 = arith.addi %mul3A_2, %add3A_112 : i32
    "tpu.region"() ({
      %run_scoped3A = tpu.sem_alloc : memref<!tpu.dma_semaphore, #tpu.memory_space<semaphore_mem>>
      %dma_start3A_241 = arith.constant 0 : i32
      %dma_start3A_242 = tpu.memref_slice %arg4[%add3A_113, %dma_start3A_241] : memref<81920x256xf32, #tpu.memory_space<hbm>> -> memref<128x256xf32, #tpu.memory_space<hbm>>
      %dma_start3A_243 = arith.constant 0 : i32
      %dma_start3A_244 = tpu.memref_slice %arg4[%add3A_113, %dma_start3A_243] : memref<81920x256xf32, #tpu.memory_space<hbm>> -> memref<128x256xf32, #tpu.memory_space<hbm>>
      tpu.enqueue_dma source(%arg6 : memref<128x256xf32, #tpu.memory_space<vmem>>) target(%dma_start3A_244 : memref<128x256xf32, #tpu.memory_space<hbm>>) target_semaphore(%run_scoped3A : memref<!tpu.dma_semaphore, #tpu.memory_space<semaphore_mem>>)
      %dma_wait3A_245 = arith.constant 0 : i32
      %dma_wait3A_246 = tpu.memref_slice %arg4[%add3A_113, %dma_wait3A_245] : memref<81920x256xf32, #tpu.memory_space<hbm>> -> memref<128x256xf32, #tpu.memory_space<hbm>>
      %dma_wait3A_247 = arith.constant 0 : i32
      %dma_wait3A_248 = tpu.memref_slice %arg4[%add3A_113, %dma_wait3A_247] : memref<81920x256xf32, #tpu.memory_space<hbm>> -> memref<128x256xf32, #tpu.memory_space<hbm>>
      tpu.wait_dma2 semaphore(%run_scoped3A : memref<!tpu.dma_semaphore, #tpu.memory_space<semaphore_mem>>) src(%arg6 : memref<128x256xf32, #tpu.memory_space<vmem>>) dst(%dma_wait3A_248 : memref<128x256xf32, #tpu.memory_space<hbm>>)
      tpu.yield
    }) : () -> ()
    %dma_start3A_114 = arith.constant 1280 : i32
    %dma_start3A_115 = tpu.memref_slice %arg5[%dma_start3A_114] : memref<2560xi32, #tpu.memory_space<vmem>> -> memref<128xi32, #tpu.memory_space<vmem>>
    %dma_start3A_116 = arith.constant 0 : i32
    %dma_start3A_117 = arith.constant 0 : i32
    %dma_start3A_118 = tpu.memref_slice %arg2[%dma_start3A_116, %dma_start3A_117] : memref<10240x256xf32, #tpu.memory_space<hbm>> -> memref<10240x256xf32, #tpu.memory_space<hbm>>
    tpu.enqueue_indirect_dma source(%dma_start3A_118 : memref<10240x256xf32, #tpu.memory_space<hbm>>) target(%arg6 : memref<128x256xf32, #tpu.memory_space<vmem>>) offsets(%dma_start3A_115 : memref<128xi32, #tpu.memory_space<vmem>>) semaphore(%arg8 : memref<!tpu.dma_semaphore, #tpu.memory_space<semaphore_mem>>)
    %dma_wait3A_119 = arith.constant 1152 : i32
    %dma_wait3A_120 = tpu.memref_slice %arg5[%dma_wait3A_119] : memref<2560xi32, #tpu.memory_space<vmem>> -> memref<128xi32, #tpu.memory_space<vmem>>
    %dma_wait3A_121 = arith.constant 0 : i32
    %dma_wait3A_122 = arith.constant 0 : i32
    %dma_wait3A_123 = tpu.memref_slice %arg2[%dma_wait3A_121, %dma_wait3A_122] : memref<10240x256xf32, #tpu.memory_space<hbm>> -> memref<10240x256xf32, #tpu.memory_space<hbm>>
    tpu.wait_indirect_dma semaphore(%arg9 : memref<!tpu.dma_semaphore, #tpu.memory_space<semaphore_mem>>) src(%dma_wait3A_123 : memref<10240x256xf32, #tpu.memory_space<hbm>>) dst(%arg7 : memref<128x256xf32, #tpu.memory_space<vmem>>)
    %add3A_124 = arith.constant 1152 : i32
    %add3A_125 = arith.addi %mul3A_2, %add3A_124 : i32
    "tpu.region"() ({
      %run_scoped3A = tpu.sem_alloc : memref<!tpu.dma_semaphore, #tpu.memory_space<semaphore_mem>>
      %dma_start3A_241 = arith.constant 0 : i32
      %dma_start3A_242 = tpu.memref_slice %arg4[%add3A_125, %dma_start3A_241] : memref<81920x256xf32, #tpu.memory_space<hbm>> -> memref<128x256xf32, #tpu.memory_space<hbm>>
      %dma_start3A_243 = arith.constant 0 : i32
      %dma_start3A_244 = tpu.memref_slice %arg4[%add3A_125, %dma_start3A_243] : memref<81920x256xf32, #tpu.memory_space<hbm>> -> memref<128x256xf32, #tpu.memory_space<hbm>>
      tpu.enqueue_dma source(%arg7 : memref<128x256xf32, #tpu.memory_space<vmem>>) target(%dma_start3A_244 : memref<128x256xf32, #tpu.memory_space<hbm>>) target_semaphore(%run_scoped3A : memref<!tpu.dma_semaphore, #tpu.memory_space<semaphore_mem>>)
      %dma_wait3A_245 = arith.constant 0 : i32
      %dma_wait3A_246 = tpu.memref_slice %arg4[%add3A_125, %dma_wait3A_245] : memref<81920x256xf32, #tpu.memory_space<hbm>> -> memref<128x256xf32, #tpu.memory_space<hbm>>
      %dma_wait3A_247 = arith.constant 0 : i32
      %dma_wait3A_248 = tpu.memref_slice %arg4[%add3A_125, %dma_wait3A_247] : memref<81920x256xf32, #tpu.memory_space<hbm>> -> memref<128x256xf32, #tpu.memory_space<hbm>>
      tpu.wait_dma2 semaphore(%run_scoped3A : memref<!tpu.dma_semaphore, #tpu.memory_space<semaphore_mem>>) src(%arg7 : memref<128x256xf32, #tpu.memory_space<vmem>>) dst(%dma_wait3A_248 : memref<128x256xf32, #tpu.memory_space<hbm>>)
      tpu.yield
    }) : () -> ()
    %dma_start3A_126 = arith.constant 1408 : i32
    %dma_start3A_127 = tpu.memref_slice %arg5[%dma_start3A_126] : memref<2560xi32, #tpu.memory_space<vmem>> -> memref<128xi32, #tpu.memory_space<vmem>>
    %dma_start3A_128 = arith.constant 0 : i32
    %dma_start3A_129 = arith.constant 0 : i32
    %dma_start3A_130 = tpu.memref_slice %arg2[%dma_start3A_128, %dma_start3A_129] : memref<10240x256xf32, #tpu.memory_space<hbm>> -> memref<10240x256xf32, #tpu.memory_space<hbm>>
    tpu.enqueue_indirect_dma source(%dma_start3A_130 : memref<10240x256xf32, #tpu.memory_space<hbm>>) target(%arg7 : memref<128x256xf32, #tpu.memory_space<vmem>>) offsets(%dma_start3A_127 : memref<128xi32, #tpu.memory_space<vmem>>) semaphore(%arg9 : memref<!tpu.dma_semaphore, #tpu.memory_space<semaphore_mem>>)
    %dma_wait3A_131 = arith.constant 1280 : i32
    %dma_wait3A_132 = tpu.memref_slice %arg5[%dma_wait3A_131] : memref<2560xi32, #tpu.memory_space<vmem>> -> memref<128xi32, #tpu.memory_space<vmem>>
    %dma_wait3A_133 = arith.constant 0 : i32
    %dma_wait3A_134 = arith.constant 0 : i32
    %dma_wait3A_135 = tpu.memref_slice %arg2[%dma_wait3A_133, %dma_wait3A_134] : memref<10240x256xf32, #tpu.memory_space<hbm>> -> memref<10240x256xf32, #tpu.memory_space<hbm>>
    tpu.wait_indirect_dma semaphore(%arg8 : memref<!tpu.dma_semaphore, #tpu.memory_space<semaphore_mem>>) src(%dma_wait3A_135 : memref<10240x256xf32, #tpu.memory_space<hbm>>) dst(%arg6 : memref<128x256xf32, #tpu.memory_space<vmem>>)
    %add3A_136 = arith.constant 1280 : i32
    %add3A_137 = arith.addi %mul3A_2, %add3A_136 : i32
    "tpu.region"() ({
      %run_scoped3A = tpu.sem_alloc : memref<!tpu.dma_semaphore, #tpu.memory_space<semaphore_mem>>
      %dma_start3A_241 = arith.constant 0 : i32
      %dma_start3A_242 = tpu.memref_slice %arg4[%add3A_137, %dma_start3A_241] : memref<81920x256xf32, #tpu.memory_space<hbm>> -> memref<128x256xf32, #tpu.memory_space<hbm>>
      %dma_start3A_243 = arith.constant 0 : i32
      %dma_start3A_244 = tpu.memref_slice %arg4[%add3A_137, %dma_start3A_243] : memref<81920x256xf32, #tpu.memory_space<hbm>> -> memref<128x256xf32, #tpu.memory_space<hbm>>
      tpu.enqueue_dma source(%arg6 : memref<128x256xf32, #tpu.memory_space<vmem>>) target(%dma_start3A_244 : memref<128x256xf32, #tpu.memory_space<hbm>>) target_semaphore(%run_scoped3A : memref<!tpu.dma_semaphore, #tpu.memory_space<semaphore_mem>>)
      %dma_wait3A_245 = arith.constant 0 : i32
      %dma_wait3A_246 = tpu.memref_slice %arg4[%add3A_137, %dma_wait3A_245] : memref<81920x256xf32, #tpu.memory_space<hbm>> -> memref<128x256xf32, #tpu.memory_space<hbm>>
      %dma_wait3A_247 = arith.constant 0 : i32
      %dma_wait3A_248 = tpu.memref_slice %arg4[%add3A_137, %dma_wait3A_247] : memref<81920x256xf32, #tpu.memory_space<hbm>> -> memref<128x256xf32, #tpu.memory_space<hbm>>
      tpu.wait_dma2 semaphore(%run_scoped3A : memref<!tpu.dma_semaphore, #tpu.memory_space<semaphore_mem>>) src(%arg6 : memref<128x256xf32, #tpu.memory_space<vmem>>) dst(%dma_wait3A_248 : memref<128x256xf32, #tpu.memory_space<hbm>>)
      tpu.yield
    }) : () -> ()
    %dma_start3A_138 = arith.constant 1536 : i32
    %dma_start3A_139 = tpu.memref_slice %arg5[%dma_start3A_138] : memref<2560xi32, #tpu.memory_space<vmem>> -> memref<128xi32, #tpu.memory_space<vmem>>
    %dma_start3A_140 = arith.constant 0 : i32
    %dma_start3A_141 = arith.constant 0 : i32
    %dma_start3A_142 = tpu.memref_slice %arg2[%dma_start3A_140, %dma_start3A_141] : memref<10240x256xf32, #tpu.memory_space<hbm>> -> memref<10240x256xf32, #tpu.memory_space<hbm>>
    tpu.enqueue_indirect_dma source(%dma_start3A_142 : memref<10240x256xf32, #tpu.memory_space<hbm>>) target(%arg6 : memref<128x256xf32, #tpu.memory_space<vmem>>) offsets(%dma_start3A_139 : memref<128xi32, #tpu.memory_space<vmem>>) semaphore(%arg8 : memref<!tpu.dma_semaphore, #tpu.memory_space<semaphore_mem>>)
    %dma_wait3A_143 = arith.constant 1408 : i32
    %dma_wait3A_144 = tpu.memref_slice %arg5[%dma_wait3A_143] : memref<2560xi32, #tpu.memory_space<vmem>> -> memref<128xi32, #tpu.memory_space<vmem>>
    %dma_wait3A_145 = arith.constant 0 : i32
    %dma_wait3A_146 = arith.constant 0 : i32
    %dma_wait3A_147 = tpu.memref_slice %arg2[%dma_wait3A_145, %dma_wait3A_146] : memref<10240x256xf32, #tpu.memory_space<hbm>> -> memref<10240x256xf32, #tpu.memory_space<hbm>>
    tpu.wait_indirect_dma semaphore(%arg9 : memref<!tpu.dma_semaphore, #tpu.memory_space<semaphore_mem>>) src(%dma_wait3A_147 : memref<10240x256xf32, #tpu.memory_space<hbm>>) dst(%arg7 : memref<128x256xf32, #tpu.memory_space<vmem>>)
    %add3A_148 = arith.constant 1408 : i32
    %add3A_149 = arith.addi %mul3A_2, %add3A_148 : i32
    "tpu.region"() ({
      %run_scoped3A = tpu.sem_alloc : memref<!tpu.dma_semaphore, #tpu.memory_space<semaphore_mem>>
      %dma_start3A_241 = arith.constant 0 : i32
      %dma_start3A_242 = tpu.memref_slice %arg4[%add3A_149, %dma_start3A_241] : memref<81920x256xf32, #tpu.memory_space<hbm>> -> memref<128x256xf32, #tpu.memory_space<hbm>>
      %dma_start3A_243 = arith.constant 0 : i32
      %dma_start3A_244 = tpu.memref_slice %arg4[%add3A_149, %dma_start3A_243] : memref<81920x256xf32, #tpu.memory_space<hbm>> -> memref<128x256xf32, #tpu.memory_space<hbm>>
      tpu.enqueue_dma source(%arg7 : memref<128x256xf32, #tpu.memory_space<vmem>>) target(%dma_start3A_244 : memref<128x256xf32, #tpu.memory_space<hbm>>) target_semaphore(%run_scoped3A : memref<!tpu.dma_semaphore, #tpu.memory_space<semaphore_mem>>)
      %dma_wait3A_245 = arith.constant 0 : i32
      %dma_wait3A_246 = tpu.memref_slice %arg4[%add3A_149, %dma_wait3A_245] : memref<81920x256xf32, #tpu.memory_space<hbm>> -> memref<128x256xf32, #tpu.memory_space<hbm>>
      %dma_wait3A_247 = arith.constant 0 : i32
      %dma_wait3A_248 = tpu.memref_slice %arg4[%add3A_149, %dma_wait3A_247] : memref<81920x256xf32, #tpu.memory_space<hbm>> -> memref<128x256xf32, #tpu.memory_space<hbm>>
      tpu.wait_dma2 semaphore(%run_scoped3A : memref<!tpu.dma_semaphore, #tpu.memory_space<semaphore_mem>>) src(%arg7 : memref<128x256xf32, #tpu.memory_space<vmem>>) dst(%dma_wait3A_248 : memref<128x256xf32, #tpu.memory_space<hbm>>)
      tpu.yield
    }) : () -> ()
    %dma_start3A_150 = arith.constant 1664 : i32
    %dma_start3A_151 = tpu.memref_slice %arg5[%dma_start3A_150] : memref<2560xi32, #tpu.memory_space<vmem>> -> memref<128xi32, #tpu.memory_space<vmem>>
    %dma_start3A_152 = arith.constant 0 : i32
    %dma_start3A_153 = arith.constant 0 : i32
    %dma_start3A_154 = tpu.memref_slice %arg2[%dma_start3A_152, %dma_start3A_153] : memref<10240x256xf32, #tpu.memory_space<hbm>> -> memref<10240x256xf32, #tpu.memory_space<hbm>>
    tpu.enqueue_indirect_dma source(%dma_start3A_154 : memref<10240x256xf32, #tpu.memory_space<hbm>>) target(%arg7 : memref<128x256xf32, #tpu.memory_space<vmem>>) offsets(%dma_start3A_151 : memref<128xi32, #tpu.memory_space<vmem>>) semaphore(%arg9 : memref<!tpu.dma_semaphore, #tpu.memory_space<semaphore_mem>>)
    %dma_wait3A_155 = arith.constant 1536 : i32
    %dma_wait3A_156 = tpu.memref_slice %arg5[%dma_wait3A_155] : memref<2560xi32, #tpu.memory_space<vmem>> -> memref<128xi32, #tpu.memory_space<vmem>>
    %dma_wait3A_157 = arith.constant 0 : i32
    %dma_wait3A_158 = arith.constant 0 : i32
    %dma_wait3A_159 = tpu.memref_slice %arg2[%dma_wait3A_157, %dma_wait3A_158] : memref<10240x256xf32, #tpu.memory_space<hbm>> -> memref<10240x256xf32, #tpu.memory_space<hbm>>
    tpu.wait_indirect_dma semaphore(%arg8 : memref<!tpu.dma_semaphore, #tpu.memory_space<semaphore_mem>>) src(%dma_wait3A_159 : memref<10240x256xf32, #tpu.memory_space<hbm>>) dst(%arg6 : memref<128x256xf32, #tpu.memory_space<vmem>>)
    %add3A_160 = arith.constant 1536 : i32
    %add3A_161 = arith.addi %mul3A_2, %add3A_160 : i32
    "tpu.region"() ({
      %run_scoped3A = tpu.sem_alloc : memref<!tpu.dma_semaphore, #tpu.memory_space<semaphore_mem>>
      %dma_start3A_241 = arith.constant 0 : i32
      %dma_start3A_242 = tpu.memref_slice %arg4[%add3A_161, %dma_start3A_241] : memref<81920x256xf32, #tpu.memory_space<hbm>> -> memref<128x256xf32, #tpu.memory_space<hbm>>
      %dma_start3A_243 = arith.constant 0 : i32
      %dma_start3A_244 = tpu.memref_slice %arg4[%add3A_161, %dma_start3A_243] : memref<81920x256xf32, #tpu.memory_space<hbm>> -> memref<128x256xf32, #tpu.memory_space<hbm>>
      tpu.enqueue_dma source(%arg6 : memref<128x256xf32, #tpu.memory_space<vmem>>) target(%dma_start3A_244 : memref<128x256xf32, #tpu.memory_space<hbm>>) target_semaphore(%run_scoped3A : memref<!tpu.dma_semaphore, #tpu.memory_space<semaphore_mem>>)
      %dma_wait3A_245 = arith.constant 0 : i32
      %dma_wait3A_246 = tpu.memref_slice %arg4[%add3A_161, %dma_wait3A_245] : memref<81920x256xf32, #tpu.memory_space<hbm>> -> memref<128x256xf32, #tpu.memory_space<hbm>>
      %dma_wait3A_247 = arith.constant 0 : i32
      %dma_wait3A_248 = tpu.memref_slice %arg4[%add3A_161, %dma_wait3A_247] : memref<81920x256xf32, #tpu.memory_space<hbm>> -> memref<128x256xf32, #tpu.memory_space<hbm>>
      tpu.wait_dma2 semaphore(%run_scoped3A : memref<!tpu.dma_semaphore, #tpu.memory_space<semaphore_mem>>) src(%arg6 : memref<128x256xf32, #tpu.memory_space<vmem>>) dst(%dma_wait3A_248 : memref<128x256xf32, #tpu.memory_space<hbm>>)
      tpu.yield
    }) : () -> ()
    %dma_start3A_162 = arith.constant 1792 : i32
    %dma_start3A_163 = tpu.memref_slice %arg5[%dma_start3A_162] : memref<2560xi32, #tpu.memory_space<vmem>> -> memref<128xi32, #tpu.memory_space<vmem>>
    %dma_start3A_164 = arith.constant 0 : i32
    %dma_start3A_165 = arith.constant 0 : i32
    %dma_start3A_166 = tpu.memref_slice %arg2[%dma_start3A_164, %dma_start3A_165] : memref<10240x256xf32, #tpu.memory_space<hbm>> -> memref<10240x256xf32, #tpu.memory_space<hbm>>
    tpu.enqueue_indirect_dma source(%dma_start3A_166 : memref<10240x256xf32, #tpu.memory_space<hbm>>) target(%arg6 : memref<128x256xf32, #tpu.memory_space<vmem>>) offsets(%dma_start3A_163 : memref<128xi32, #tpu.memory_space<vmem>>) semaphore(%arg8 : memref<!tpu.dma_semaphore, #tpu.memory_space<semaphore_mem>>)
    %dma_wait3A_167 = arith.constant 1664 : i32
    %dma_wait3A_168 = tpu.memref_slice %arg5[%dma_wait3A_167] : memref<2560xi32, #tpu.memory_space<vmem>> -> memref<128xi32, #tpu.memory_space<vmem>>
    %dma_wait3A_169 = arith.constant 0 : i32
    %dma_wait3A_170 = arith.constant 0 : i32
    %dma_wait3A_171 = tpu.memref_slice %arg2[%dma_wait3A_169, %dma_wait3A_170] : memref<10240x256xf32, #tpu.memory_space<hbm>> -> memref<10240x256xf32, #tpu.memory_space<hbm>>
    tpu.wait_indirect_dma semaphore(%arg9 : memref<!tpu.dma_semaphore, #tpu.memory_space<semaphore_mem>>) src(%dma_wait3A_171 : memref<10240x256xf32, #tpu.memory_space<hbm>>) dst(%arg7 : memref<128x256xf32, #tpu.memory_space<vmem>>)
    %add3A_172 = arith.constant 1664 : i32
    %add3A_173 = arith.addi %mul3A_2, %add3A_172 : i32
    "tpu.region"() ({
      %run_scoped3A = tpu.sem_alloc : memref<!tpu.dma_semaphore, #tpu.memory_space<semaphore_mem>>
      %dma_start3A_241 = arith.constant 0 : i32
      %dma_start3A_242 = tpu.memref_slice %arg4[%add3A_173, %dma_start3A_241] : memref<81920x256xf32, #tpu.memory_space<hbm>> -> memref<128x256xf32, #tpu.memory_space<hbm>>
      %dma_start3A_243 = arith.constant 0 : i32
      %dma_start3A_244 = tpu.memref_slice %arg4[%add3A_173, %dma_start3A_243] : memref<81920x256xf32, #tpu.memory_space<hbm>> -> memref<128x256xf32, #tpu.memory_space<hbm>>
      tpu.enqueue_dma source(%arg7 : memref<128x256xf32, #tpu.memory_space<vmem>>) target(%dma_start3A_244 : memref<128x256xf32, #tpu.memory_space<hbm>>) target_semaphore(%run_scoped3A : memref<!tpu.dma_semaphore, #tpu.memory_space<semaphore_mem>>)
      %dma_wait3A_245 = arith.constant 0 : i32
      %dma_wait3A_246 = tpu.memref_slice %arg4[%add3A_173, %dma_wait3A_245] : memref<81920x256xf32, #tpu.memory_space<hbm>> -> memref<128x256xf32, #tpu.memory_space<hbm>>
      %dma_wait3A_247 = arith.constant 0 : i32
      %dma_wait3A_248 = tpu.memref_slice %arg4[%add3A_173, %dma_wait3A_247] : memref<81920x256xf32, #tpu.memory_space<hbm>> -> memref<128x256xf32, #tpu.memory_space<hbm>>
      tpu.wait_dma2 semaphore(%run_scoped3A : memref<!tpu.dma_semaphore, #tpu.memory_space<semaphore_mem>>) src(%arg7 : memref<128x256xf32, #tpu.memory_space<vmem>>) dst(%dma_wait3A_248 : memref<128x256xf32, #tpu.memory_space<hbm>>)
      tpu.yield
    }) : () -> ()
    %dma_start3A_174 = arith.constant 1920 : i32
    %dma_start3A_175 = tpu.memref_slice %arg5[%dma_start3A_174] : memref<2560xi32, #tpu.memory_space<vmem>> -> memref<128xi32, #tpu.memory_space<vmem>>
    %dma_start3A_176 = arith.constant 0 : i32
    %dma_start3A_177 = arith.constant 0 : i32
    %dma_start3A_178 = tpu.memref_slice %arg2[%dma_start3A_176, %dma_start3A_177] : memref<10240x256xf32, #tpu.memory_space<hbm>> -> memref<10240x256xf32, #tpu.memory_space<hbm>>
    tpu.enqueue_indirect_dma source(%dma_start3A_178 : memref<10240x256xf32, #tpu.memory_space<hbm>>) target(%arg7 : memref<128x256xf32, #tpu.memory_space<vmem>>) offsets(%dma_start3A_175 : memref<128xi32, #tpu.memory_space<vmem>>) semaphore(%arg9 : memref<!tpu.dma_semaphore, #tpu.memory_space<semaphore_mem>>)
    %dma_wait3A_179 = arith.constant 1792 : i32
    %dma_wait3A_180 = tpu.memref_slice %arg5[%dma_wait3A_179] : memref<2560xi32, #tpu.memory_space<vmem>> -> memref<128xi32, #tpu.memory_space<vmem>>
    %dma_wait3A_181 = arith.constant 0 : i32
    %dma_wait3A_182 = arith.constant 0 : i32
    %dma_wait3A_183 = tpu.memref_slice %arg2[%dma_wait3A_181, %dma_wait3A_182] : memref<10240x256xf32, #tpu.memory_space<hbm>> -> memref<10240x256xf32, #tpu.memory_space<hbm>>
    tpu.wait_indirect_dma semaphore(%arg8 : memref<!tpu.dma_semaphore, #tpu.memory_space<semaphore_mem>>) src(%dma_wait3A_183 : memref<10240x256xf32, #tpu.memory_space<hbm>>) dst(%arg6 : memref<128x256xf32, #tpu.memory_space<vmem>>)
    %add3A_184 = arith.constant 1792 : i32
    %add3A_185 = arith.addi %mul3A_2, %add3A_184 : i32
    "tpu.region"() ({
      %run_scoped3A = tpu.sem_alloc : memref<!tpu.dma_semaphore, #tpu.memory_space<semaphore_mem>>
      %dma_start3A_241 = arith.constant 0 : i32
      %dma_start3A_242 = tpu.memref_slice %arg4[%add3A_185, %dma_start3A_241] : memref<81920x256xf32, #tpu.memory_space<hbm>> -> memref<128x256xf32, #tpu.memory_space<hbm>>
      %dma_start3A_243 = arith.constant 0 : i32
      %dma_start3A_244 = tpu.memref_slice %arg4[%add3A_185, %dma_start3A_243] : memref<81920x256xf32, #tpu.memory_space<hbm>> -> memref<128x256xf32, #tpu.memory_space<hbm>>
      tpu.enqueue_dma source(%arg6 : memref<128x256xf32, #tpu.memory_space<vmem>>) target(%dma_start3A_244 : memref<128x256xf32, #tpu.memory_space<hbm>>) target_semaphore(%run_scoped3A : memref<!tpu.dma_semaphore, #tpu.memory_space<semaphore_mem>>)
      %dma_wait3A_245 = arith.constant 0 : i32
      %dma_wait3A_246 = tpu.memref_slice %arg4[%add3A_185, %dma_wait3A_245] : memref<81920x256xf32, #tpu.memory_space<hbm>> -> memref<128x256xf32, #tpu.memory_space<hbm>>
      %dma_wait3A_247 = arith.constant 0 : i32
      %dma_wait3A_248 = tpu.memref_slice %arg4[%add3A_185, %dma_wait3A_247] : memref<81920x256xf32, #tpu.memory_space<hbm>> -> memref<128x256xf32, #tpu.memory_space<hbm>>
      tpu.wait_dma2 semaphore(%run_scoped3A : memref<!tpu.dma_semaphore, #tpu.memory_space<semaphore_mem>>) src(%arg6 : memref<128x256xf32, #tpu.memory_space<vmem>>) dst(%dma_wait3A_248 : memref<128x256xf32, #tpu.memory_space<hbm>>)
      tpu.yield
    }) : () -> ()
    %dma_start3A_186 = arith.constant 2048 : i32
    %dma_start3A_187 = tpu.memref_slice %arg5[%dma_start3A_186] : memref<2560xi32, #tpu.memory_space<vmem>> -> memref<128xi32, #tpu.memory_space<vmem>>
    %dma_start3A_188 = arith.constant 0 : i32
    %dma_start3A_189 = arith.constant 0 : i32
    %dma_start3A_190 = tpu.memref_slice %arg2[%dma_start3A_188, %dma_start3A_189] : memref<10240x256xf32, #tpu.memory_space<hbm>> -> memref<10240x256xf32, #tpu.memory_space<hbm>>
    tpu.enqueue_indirect_dma source(%dma_start3A_190 : memref<10240x256xf32, #tpu.memory_space<hbm>>) target(%arg6 : memref<128x256xf32, #tpu.memory_space<vmem>>) offsets(%dma_start3A_187 : memref<128xi32, #tpu.memory_space<vmem>>) semaphore(%arg8 : memref<!tpu.dma_semaphore, #tpu.memory_space<semaphore_mem>>)
    %dma_wait3A_191 = arith.constant 1920 : i32
    %dma_wait3A_192 = tpu.memref_slice %arg5[%dma_wait3A_191] : memref<2560xi32, #tpu.memory_space<vmem>> -> memref<128xi32, #tpu.memory_space<vmem>>
    %dma_wait3A_193 = arith.constant 0 : i32
    %dma_wait3A_194 = arith.constant 0 : i32
    %dma_wait3A_195 = tpu.memref_slice %arg2[%dma_wait3A_193, %dma_wait3A_194] : memref<10240x256xf32, #tpu.memory_space<hbm>> -> memref<10240x256xf32, #tpu.memory_space<hbm>>
    tpu.wait_indirect_dma semaphore(%arg9 : memref<!tpu.dma_semaphore, #tpu.memory_space<semaphore_mem>>) src(%dma_wait3A_195 : memref<10240x256xf32, #tpu.memory_space<hbm>>) dst(%arg7 : memref<128x256xf32, #tpu.memory_space<vmem>>)
    %add3A_196 = arith.constant 1920 : i32
    %add3A_197 = arith.addi %mul3A_2, %add3A_196 : i32
    "tpu.region"() ({
      %run_scoped3A = tpu.sem_alloc : memref<!tpu.dma_semaphore, #tpu.memory_space<semaphore_mem>>
      %dma_start3A_241 = arith.constant 0 : i32
      %dma_start3A_242 = tpu.memref_slice %arg4[%add3A_197, %dma_start3A_241] : memref<81920x256xf32, #tpu.memory_space<hbm>> -> memref<128x256xf32, #tpu.memory_space<hbm>>
      %dma_start3A_243 = arith.constant 0 : i32
      %dma_start3A_244 = tpu.memref_slice %arg4[%add3A_197, %dma_start3A_243] : memref<81920x256xf32, #tpu.memory_space<hbm>> -> memref<128x256xf32, #tpu.memory_space<hbm>>
      tpu.enqueue_dma source(%arg7 : memref<128x256xf32, #tpu.memory_space<vmem>>) target(%dma_start3A_244 : memref<128x256xf32, #tpu.memory_space<hbm>>) target_semaphore(%run_scoped3A : memref<!tpu.dma_semaphore, #tpu.memory_space<semaphore_mem>>)
      %dma_wait3A_245 = arith.constant 0 : i32
      %dma_wait3A_246 = tpu.memref_slice %arg4[%add3A_197, %dma_wait3A_245] : memref<81920x256xf32, #tpu.memory_space<hbm>> -> memref<128x256xf32, #tpu.memory_space<hbm>>
      %dma_wait3A_247 = arith.constant 0 : i32
      %dma_wait3A_248 = tpu.memref_slice %arg4[%add3A_197, %dma_wait3A_247] : memref<81920x256xf32, #tpu.memory_space<hbm>> -> memref<128x256xf32, #tpu.memory_space<hbm>>
      tpu.wait_dma2 semaphore(%run_scoped3A : memref<!tpu.dma_semaphore, #tpu.memory_space<semaphore_mem>>) src(%arg7 : memref<128x256xf32, #tpu.memory_space<vmem>>) dst(%dma_wait3A_248 : memref<128x256xf32, #tpu.memory_space<hbm>>)
      tpu.yield
    }) : () -> ()
    %dma_start3A_198 = arith.constant 2176 : i32
    %dma_start3A_199 = tpu.memref_slice %arg5[%dma_start3A_198] : memref<2560xi32, #tpu.memory_space<vmem>> -> memref<128xi32, #tpu.memory_space<vmem>>
    %dma_start3A_200 = arith.constant 0 : i32
    %dma_start3A_201 = arith.constant 0 : i32
    %dma_start3A_202 = tpu.memref_slice %arg2[%dma_start3A_200, %dma_start3A_201] : memref<10240x256xf32, #tpu.memory_space<hbm>> -> memref<10240x256xf32, #tpu.memory_space<hbm>>
    tpu.enqueue_indirect_dma source(%dma_start3A_202 : memref<10240x256xf32, #tpu.memory_space<hbm>>) target(%arg7 : memref<128x256xf32, #tpu.memory_space<vmem>>) offsets(%dma_start3A_199 : memref<128xi32, #tpu.memory_space<vmem>>) semaphore(%arg9 : memref<!tpu.dma_semaphore, #tpu.memory_space<semaphore_mem>>)
    %dma_wait3A_203 = arith.constant 2048 : i32
    %dma_wait3A_204 = tpu.memref_slice %arg5[%dma_wait3A_203] : memref<2560xi32, #tpu.memory_space<vmem>> -> memref<128xi32, #tpu.memory_space<vmem>>
    %dma_wait3A_205 = arith.constant 0 : i32
    %dma_wait3A_206 = arith.constant 0 : i32
    %dma_wait3A_207 = tpu.memref_slice %arg2[%dma_wait3A_205, %dma_wait3A_206] : memref<10240x256xf32, #tpu.memory_space<hbm>> -> memref<10240x256xf32, #tpu.memory_space<hbm>>
    tpu.wait_indirect_dma semaphore(%arg8 : memref<!tpu.dma_semaphore, #tpu.memory_space<semaphore_mem>>) src(%dma_wait3A_207 : memref<10240x256xf32, #tpu.memory_space<hbm>>) dst(%arg6 : memref<128x256xf32, #tpu.memory_space<vmem>>)
    %add3A_208 = arith.constant 2048 : i32
    %add3A_209 = arith.addi %mul3A_2, %add3A_208 : i32
    "tpu.region"() ({
      %run_scoped3A = tpu.sem_alloc : memref<!tpu.dma_semaphore, #tpu.memory_space<semaphore_mem>>
      %dma_start3A_241 = arith.constant 0 : i32
      %dma_start3A_242 = tpu.memref_slice %arg4[%add3A_209, %dma_start3A_241] : memref<81920x256xf32, #tpu.memory_space<hbm>> -> memref<128x256xf32, #tpu.memory_space<hbm>>
      %dma_start3A_243 = arith.constant 0 : i32
      %dma_start3A_244 = tpu.memref_slice %arg4[%add3A_209, %dma_start3A_243] : memref<81920x256xf32, #tpu.memory_space<hbm>> -> memref<128x256xf32, #tpu.memory_space<hbm>>
      tpu.enqueue_dma source(%arg6 : memref<128x256xf32, #tpu.memory_space<vmem>>) target(%dma_start3A_244 : memref<128x256xf32, #tpu.memory_space<hbm>>) target_semaphore(%run_scoped3A : memref<!tpu.dma_semaphore, #tpu.memory_space<semaphore_mem>>)
      %dma_wait3A_245 = arith.constant 0 : i32
      %dma_wait3A_246 = tpu.memref_slice %arg4[%add3A_209, %dma_wait3A_245] : memref<81920x256xf32, #tpu.memory_space<hbm>> -> memref<128x256xf32, #tpu.memory_space<hbm>>
      %dma_wait3A_247 = arith.constant 0 : i32
      %dma_wait3A_248 = tpu.memref_slice %arg4[%add3A_209, %dma_wait3A_247] : memref<81920x256xf32, #tpu.memory_space<hbm>> -> memref<128x256xf32, #tpu.memory_space<hbm>>
      tpu.wait_dma2 semaphore(%run_scoped3A : memref<!tpu.dma_semaphore, #tpu.memory_space<semaphore_mem>>) src(%arg6 : memref<128x256xf32, #tpu.memory_space<vmem>>) dst(%dma_wait3A_248 : memref<128x256xf32, #tpu.memory_space<hbm>>)
      tpu.yield
    }) : () -> ()
    %dma_start3A_210 = arith.constant 2304 : i32
    %dma_start3A_211 = tpu.memref_slice %arg5[%dma_start3A_210] : memref<2560xi32, #tpu.memory_space<vmem>> -> memref<128xi32, #tpu.memory_space<vmem>>
    %dma_start3A_212 = arith.constant 0 : i32
    %dma_start3A_213 = arith.constant 0 : i32
    %dma_start3A_214 = tpu.memref_slice %arg2[%dma_start3A_212, %dma_start3A_213] : memref<10240x256xf32, #tpu.memory_space<hbm>> -> memref<10240x256xf32, #tpu.memory_space<hbm>>
    tpu.enqueue_indirect_dma source(%dma_start3A_214 : memref<10240x256xf32, #tpu.memory_space<hbm>>) target(%arg6 : memref<128x256xf32, #tpu.memory_space<vmem>>) offsets(%dma_start3A_211 : memref<128xi32, #tpu.memory_space<vmem>>) semaphore(%arg8 : memref<!tpu.dma_semaphore, #tpu.memory_space<semaphore_mem>>)
    %dma_wait3A_215 = arith.constant 2176 : i32
    %dma_wait3A_216 = tpu.memref_slice %arg5[%dma_wait3A_215] : memref<2560xi32, #tpu.memory_space<vmem>> -> memref<128xi32, #tpu.memory_space<vmem>>
    %dma_wait3A_217 = arith.constant 0 : i32
    %dma_wait3A_218 = arith.constant 0 : i32
    %dma_wait3A_219 = tpu.memref_slice %arg2[%dma_wait3A_217, %dma_wait3A_218] : memref<10240x256xf32, #tpu.memory_space<hbm>> -> memref<10240x256xf32, #tpu.memory_space<hbm>>
    tpu.wait_indirect_dma semaphore(%arg9 : memref<!tpu.dma_semaphore, #tpu.memory_space<semaphore_mem>>) src(%dma_wait3A_219 : memref<10240x256xf32, #tpu.memory_space<hbm>>) dst(%arg7 : memref<128x256xf32, #tpu.memory_space<vmem>>)
    %add3A_220 = arith.constant 2176 : i32
    %add3A_221 = arith.addi %mul3A_2, %add3A_220 : i32
    "tpu.region"() ({
      %run_scoped3A = tpu.sem_alloc : memref<!tpu.dma_semaphore, #tpu.memory_space<semaphore_mem>>
      %dma_start3A_241 = arith.constant 0 : i32
      %dma_start3A_242 = tpu.memref_slice %arg4[%add3A_221, %dma_start3A_241] : memref<81920x256xf32, #tpu.memory_space<hbm>> -> memref<128x256xf32, #tpu.memory_space<hbm>>
      %dma_start3A_243 = arith.constant 0 : i32
      %dma_start3A_244 = tpu.memref_slice %arg4[%add3A_221, %dma_start3A_243] : memref<81920x256xf32, #tpu.memory_space<hbm>> -> memref<128x256xf32, #tpu.memory_space<hbm>>
      tpu.enqueue_dma source(%arg7 : memref<128x256xf32, #tpu.memory_space<vmem>>) target(%dma_start3A_244 : memref<128x256xf32, #tpu.memory_space<hbm>>) target_semaphore(%run_scoped3A : memref<!tpu.dma_semaphore, #tpu.memory_space<semaphore_mem>>)
      %dma_wait3A_245 = arith.constant 0 : i32
      %dma_wait3A_246 = tpu.memref_slice %arg4[%add3A_221, %dma_wait3A_245] : memref<81920x256xf32, #tpu.memory_space<hbm>> -> memref<128x256xf32, #tpu.memory_space<hbm>>
      %dma_wait3A_247 = arith.constant 0 : i32
      %dma_wait3A_248 = tpu.memref_slice %arg4[%add3A_221, %dma_wait3A_247] : memref<81920x256xf32, #tpu.memory_space<hbm>> -> memref<128x256xf32, #tpu.memory_space<hbm>>
      tpu.wait_dma2 semaphore(%run_scoped3A : memref<!tpu.dma_semaphore, #tpu.memory_space<semaphore_mem>>) src(%arg7 : memref<128x256xf32, #tpu.memory_space<vmem>>) dst(%dma_wait3A_248 : memref<128x256xf32, #tpu.memory_space<hbm>>)
      tpu.yield
    }) : () -> ()
    %dma_start3A_222 = arith.constant 2432 : i32
    %dma_start3A_223 = tpu.memref_slice %arg5[%dma_start3A_222] : memref<2560xi32, #tpu.memory_space<vmem>> -> memref<128xi32, #tpu.memory_space<vmem>>
    %dma_start3A_224 = arith.constant 0 : i32
    %dma_start3A_225 = arith.constant 0 : i32
    %dma_start3A_226 = tpu.memref_slice %arg2[%dma_start3A_224, %dma_start3A_225] : memref<10240x256xf32, #tpu.memory_space<hbm>> -> memref<10240x256xf32, #tpu.memory_space<hbm>>
    tpu.enqueue_indirect_dma source(%dma_start3A_226 : memref<10240x256xf32, #tpu.memory_space<hbm>>) target(%arg7 : memref<128x256xf32, #tpu.memory_space<vmem>>) offsets(%dma_start3A_223 : memref<128xi32, #tpu.memory_space<vmem>>) semaphore(%arg9 : memref<!tpu.dma_semaphore, #tpu.memory_space<semaphore_mem>>)
    %dma_wait3A_227 = arith.constant 2304 : i32
    %dma_wait3A_228 = tpu.memref_slice %arg5[%dma_wait3A_227] : memref<2560xi32, #tpu.memory_space<vmem>> -> memref<128xi32, #tpu.memory_space<vmem>>
    %dma_wait3A_229 = arith.constant 0 : i32
    %dma_wait3A_230 = arith.constant 0 : i32
    %dma_wait3A_231 = tpu.memref_slice %arg2[%dma_wait3A_229, %dma_wait3A_230] : memref<10240x256xf32, #tpu.memory_space<hbm>> -> memref<10240x256xf32, #tpu.memory_space<hbm>>
    tpu.wait_indirect_dma semaphore(%arg8 : memref<!tpu.dma_semaphore, #tpu.memory_space<semaphore_mem>>) src(%dma_wait3A_231 : memref<10240x256xf32, #tpu.memory_space<hbm>>) dst(%arg6 : memref<128x256xf32, #tpu.memory_space<vmem>>)
    %add3A_232 = arith.constant 2304 : i32
    %add3A_233 = arith.addi %mul3A_2, %add3A_232 : i32
    "tpu.region"() ({
      %run_scoped3A = tpu.sem_alloc : memref<!tpu.dma_semaphore, #tpu.memory_space<semaphore_mem>>
      %dma_start3A_241 = arith.constant 0 : i32
      %dma_start3A_242 = tpu.memref_slice %arg4[%add3A_233, %dma_start3A_241] : memref<81920x256xf32, #tpu.memory_space<hbm>> -> memref<128x256xf32, #tpu.memory_space<hbm>>
      %dma_start3A_243 = arith.constant 0 : i32
      %dma_start3A_244 = tpu.memref_slice %arg4[%add3A_233, %dma_start3A_243] : memref<81920x256xf32, #tpu.memory_space<hbm>> -> memref<128x256xf32, #tpu.memory_space<hbm>>
      tpu.enqueue_dma source(%arg6 : memref<128x256xf32, #tpu.memory_space<vmem>>) target(%dma_start3A_244 : memref<128x256xf32, #tpu.memory_space<hbm>>) target_semaphore(%run_scoped3A : memref<!tpu.dma_semaphore, #tpu.memory_space<semaphore_mem>>)
      %dma_wait3A_245 = arith.constant 0 : i32
      %dma_wait3A_246 = tpu.memref_slice %arg4[%add3A_233, %dma_wait3A_245] : memref<81920x256xf32, #tpu.memory_space<hbm>> -> memref<128x256xf32, #tpu.memory_space<hbm>>
      %dma_wait3A_247 = arith.constant 0 : i32
      %dma_wait3A_248 = tpu.memref_slice %arg4[%add3A_233, %dma_wait3A_247] : memref<81920x256xf32, #tpu.memory_space<hbm>> -> memref<128x256xf32, #tpu.memory_space<hbm>>
      tpu.wait_dma2 semaphore(%run_scoped3A : memref<!tpu.dma_semaphore, #tpu.memory_space<semaphore_mem>>) src(%arg6 : memref<128x256xf32, #tpu.memory_space<vmem>>) dst(%dma_wait3A_248 : memref<128x256xf32, #tpu.memory_space<hbm>>)
      tpu.yield
    }) : () -> ()
    %dma_wait3A_234 = arith.constant 2432 : i32
    %dma_wait3A_235 = tpu.memref_slice %arg5[%dma_wait3A_234] : memref<2560xi32, #tpu.memory_space<vmem>> -> memref<128xi32, #tpu.memory_space<vmem>>
    %dma_wait3A_236 = arith.constant 0 : i32
    %dma_wait3A_237 = arith.constant 0 : i32
    %dma_wait3A_238 = tpu.memref_slice %arg2[%dma_wait3A_236, %dma_wait3A_237] : memref<10240x256xf32, #tpu.memory_space<hbm>> -> memref<10240x256xf32, #tpu.memory_space<hbm>>
    tpu.wait_indirect_dma semaphore(%arg9 : memref<!tpu.dma_semaphore, #tpu.memory_space<semaphore_mem>>) src(%dma_wait3A_238 : memref<10240x256xf32, #tpu.memory_space<hbm>>) dst(%arg7 : memref<128x256xf32, #tpu.memory_space<vmem>>)
    %add3A_239 = arith.constant 2432 : i32
    %add3A_240 = arith.addi %mul3A_2, %add3A_239 : i32
    "tpu.region"() ({
      %run_scoped3A = tpu.sem_alloc : memref<!tpu.dma_semaphore, #tpu.memory_space<semaphore_mem>>
      %dma_start3A_241 = arith.constant 0 : i32
      %dma_start3A_242 = tpu.memref_slice %arg4[%add3A_240, %dma_start3A_241] : memref<81920x256xf32, #tpu.memory_space<hbm>> -> memref<128x256xf32, #tpu.memory_space<hbm>>
      %dma_start3A_243 = arith.constant 0 : i32
      %dma_start3A_244 = tpu.memref_slice %arg4[%add3A_240, %dma_start3A_243] : memref<81920x256xf32, #tpu.memory_space<hbm>> -> memref<128x256xf32, #tpu.memory_space<hbm>>
      tpu.enqueue_dma source(%arg7 : memref<128x256xf32, #tpu.memory_space<vmem>>) target(%dma_start3A_244 : memref<128x256xf32, #tpu.memory_space<hbm>>) target_semaphore(%run_scoped3A : memref<!tpu.dma_semaphore, #tpu.memory_space<semaphore_mem>>)
      %dma_wait3A_245 = arith.constant 0 : i32
      %dma_wait3A_246 = tpu.memref_slice %arg4[%add3A_240, %dma_wait3A_245] : memref<81920x256xf32, #tpu.memory_space<hbm>> -> memref<128x256xf32, #tpu.memory_space<hbm>>
      %dma_wait3A_247 = arith.constant 0 : i32
      %dma_wait3A_248 = tpu.memref_slice %arg4[%add3A_240, %dma_wait3A_247] : memref<81920x256xf32, #tpu.memory_space<hbm>> -> memref<128x256xf32, #tpu.memory_space<hbm>>
      tpu.wait_dma2 semaphore(%run_scoped3A : memref<!tpu.dma_semaphore, #tpu.memory_space<semaphore_mem>>) src(%arg7 : memref<128x256xf32, #tpu.memory_space<vmem>>) dst(%dma_wait3A_248 : memref<128x256xf32, #tpu.memory_space<hbm>>)
      tpu.yield
    }) : () -> ()
    return
  }
}

module attributes {stable_mosaic.version = 14 : i64} {
  func.func @_knn_body(%arg0: i32, %arg1: memref<128x8xf32, #tpu.memory_space<vmem>>, %arg2: memref<8x10240xf32, #tpu.memory_space<vmem>>, %arg3: memref<128x8xi32, #tpu.memory_space<vmem>>) attributes {dimension_semantics = [#tpu.dimension_semantics<arbitrary>], iteration_bounds = array<i64: 80>, scalar_prefetch = 0 : i64, scratch_operands = 0 : i64, tpu.core_type = #tpu.core_type<tc>, window_params = [{transform_indices = @transform_0, window_bounds = array<i64: 128, 8>}, {pipeline_mode = #tpu.pipeline_mode<synchronous>, transform_indices = @transform_1, window_bounds = array<i64: 8, 10240>}, {transform_indices = @transform_2, window_bounds = array<i64: 128, 8>}]} {
    %get3A = arith.constant 0 : index
    %get3A_0 = arith.constant 0 : index
    %get3A_1 = vector.load %arg1[%get3A, %get3A_0] : memref<128x8xf32, #tpu.memory_space<vmem>>, vector<128x3xf32>
    %convert_element_type3A = arith.truncf %get3A_1 : vector<128x3xf32> to vector<128x3xbf16>
    %get3A_2 = arith.constant 0 : index
    %get3A_3 = arith.constant 0 : index
    %get3A_4 = vector.load %arg2[%get3A_2, %get3A_3] : memref<8x10240xf32, #tpu.memory_space<vmem>>, vector<3x10240xf32>
    %convert_element_type3A_5 = arith.truncf %get3A_4 : vector<3x10240xf32> to vector<3x10240xbf16>
    %dot_general3A = arith.constant dense<0.000000e+00> : vector<128x10240xf32>
    %dot_general3A_6 = tpu.matmul %convert_element_type3A, %convert_element_type3A_5, %dot_general3A {dimension_numbers = #tpu.dot_dimension_numbers<[1], [0], [0], [1], [0, 0, 1, 1], [], []>, transpose_lhs_hint = false} : vector<128x3xbf16>, vector<3x10240xbf16>, vector<128x10240xf32> -> vector<128x10240xf32>
    %get3A_7 = arith.constant 0 : index
    %get3A_8 = arith.constant 3 : index
    %get3A_9 = vector.load %arg1[%get3A_7, %get3A_8] : memref<128x8xf32, #tpu.memory_space<vmem>>, vector<128x1xf32>
    %get3A_10 = arith.constant 3 : index
    %get3A_11 = arith.constant 0 : index
    %get3A_12 = vector.load %arg2[%get3A_10, %get3A_11] : memref<8x10240xf32, #tpu.memory_space<vmem>>, vector<1x10240xf32>
    %add3A = vector.broadcast %get3A_9 : vector<128x1xf32> to vector<128x10240xf32>
    %add3A_13 = vector.broadcast %get3A_12 : vector<1x10240xf32> to vector<128x10240xf32>
    %add3A_14 = arith.addf %add3A, %add3A_13 : vector<128x10240xf32>
    %mul3A = arith.constant 2.000000e+00 : f32
    %mul3A_15 = vector.broadcast %mul3A : f32 to vector<128x10240xf32>
    %mul3A_16 = arith.mulf %mul3A_15, %dot_general3A_6 : vector<128x10240xf32>
    %sub3A = arith.subf %add3A_14, %mul3A_16 : vector<128x10240xf32>
    %iota3A = tpu.iota {dimensions = array<i32: 1>} : vector<128x10240xi32>
    %convert_element_type3A_17 = arith.sitofp %iota3A : vector<128x10240xi32> to vector<128x10240xf32>
    %reduce_min3A = arith.constant dense<0x7F800000> : vector<128xf32>
    %reduce_min3A_18 = vector.multi_reduction <minimumf>, %sub3A, %reduce_min3A [1] : vector<128x10240xf32> to vector<128xf32>
    %broadcast_in_dim3A = vector.shape_cast %reduce_min3A_18 : vector<128xf32> to vector<128x1xf32>
    %eq3A = vector.broadcast %broadcast_in_dim3A : vector<128x1xf32> to vector<128x10240xf32>
    %eq3A_19 = arith.cmpf oeq, %sub3A, %eq3A : vector<128x10240xf32>
    %jit3A = arith.constant 3.000000e+38 : f32
    %broadcast_in_dim3A_20 = vector.broadcast %jit3A : f32 to vector<128x10240xf32>
    %select_n3A = arith.select %eq3A_19, %convert_element_type3A_17, %broadcast_in_dim3A_20 : vector<128x10240xi1>, vector<128x10240xf32>
    %reduce_min3A_21 = arith.constant dense<0x7F800000> : vector<128xf32>
    %reduce_min3A_22 = vector.multi_reduction <minimumf>, %select_n3A, %reduce_min3A_21 [1] : vector<128x10240xf32> to vector<128xf32>
    %broadcast_in_dim3A_23 = vector.shape_cast %reduce_min3A_22 : vector<128xf32> to vector<128x1xf32>
    %convert_element_type3A_24 = arith.fptosi %broadcast_in_dim3A_23 : vector<128x1xf32> to vector<128x1xi32>
    %eq3A_25 = vector.broadcast %broadcast_in_dim3A_23 : vector<128x1xf32> to vector<128x10240xf32>
    %eq3A_26 = arith.cmpf oeq, %convert_element_type3A_17, %eq3A_25 : vector<128x10240xf32>
    %jit3A_27 = arith.constant 3.000000e+38 : f32
    %broadcast_in_dim3A_28 = vector.broadcast %jit3A_27 : f32 to vector<128x10240xf32>
    %select_n3A_29 = arith.select %eq3A_26, %broadcast_in_dim3A_28, %sub3A : vector<128x10240xi1>, vector<128x10240xf32>
    %reduce_min3A_30 = arith.constant dense<0x7F800000> : vector<128xf32>
    %reduce_min3A_31 = vector.multi_reduction <minimumf>, %select_n3A_29, %reduce_min3A_30 [1] : vector<128x10240xf32> to vector<128xf32>
    %broadcast_in_dim3A_32 = vector.shape_cast %reduce_min3A_31 : vector<128xf32> to vector<128x1xf32>
    %eq3A_33 = vector.broadcast %broadcast_in_dim3A_32 : vector<128x1xf32> to vector<128x10240xf32>
    %eq3A_34 = arith.cmpf oeq, %select_n3A_29, %eq3A_33 : vector<128x10240xf32>
    %jit3A_35 = arith.constant 3.000000e+38 : f32
    %broadcast_in_dim3A_36 = vector.broadcast %jit3A_35 : f32 to vector<128x10240xf32>
    %select_n3A_37 = arith.select %eq3A_34, %convert_element_type3A_17, %broadcast_in_dim3A_36 : vector<128x10240xi1>, vector<128x10240xf32>
    %reduce_min3A_38 = arith.constant dense<0x7F800000> : vector<128xf32>
    %reduce_min3A_39 = vector.multi_reduction <minimumf>, %select_n3A_37, %reduce_min3A_38 [1] : vector<128x10240xf32> to vector<128xf32>
    %broadcast_in_dim3A_40 = vector.shape_cast %reduce_min3A_39 : vector<128xf32> to vector<128x1xf32>
    %convert_element_type3A_41 = arith.fptosi %broadcast_in_dim3A_40 : vector<128x1xf32> to vector<128x1xi32>
    %eq3A_42 = vector.broadcast %broadcast_in_dim3A_40 : vector<128x1xf32> to vector<128x10240xf32>
    %eq3A_43 = arith.cmpf oeq, %convert_element_type3A_17, %eq3A_42 : vector<128x10240xf32>
    %jit3A_44 = arith.constant 3.000000e+38 : f32
    %broadcast_in_dim3A_45 = vector.broadcast %jit3A_44 : f32 to vector<128x10240xf32>
    %select_n3A_46 = arith.select %eq3A_43, %broadcast_in_dim3A_45, %select_n3A_29 : vector<128x10240xi1>, vector<128x10240xf32>
    %reduce_min3A_47 = arith.constant dense<0x7F800000> : vector<128xf32>
    %reduce_min3A_48 = vector.multi_reduction <minimumf>, %select_n3A_46, %reduce_min3A_47 [1] : vector<128x10240xf32> to vector<128xf32>
    %broadcast_in_dim3A_49 = vector.shape_cast %reduce_min3A_48 : vector<128xf32> to vector<128x1xf32>
    %eq3A_50 = vector.broadcast %broadcast_in_dim3A_49 : vector<128x1xf32> to vector<128x10240xf32>
    %eq3A_51 = arith.cmpf oeq, %select_n3A_46, %eq3A_50 : vector<128x10240xf32>
    %jit3A_52 = arith.constant 3.000000e+38 : f32
    %broadcast_in_dim3A_53 = vector.broadcast %jit3A_52 : f32 to vector<128x10240xf32>
    %select_n3A_54 = arith.select %eq3A_51, %convert_element_type3A_17, %broadcast_in_dim3A_53 : vector<128x10240xi1>, vector<128x10240xf32>
    %reduce_min3A_55 = arith.constant dense<0x7F800000> : vector<128xf32>
    %reduce_min3A_56 = vector.multi_reduction <minimumf>, %select_n3A_54, %reduce_min3A_55 [1] : vector<128x10240xf32> to vector<128xf32>
    %broadcast_in_dim3A_57 = vector.shape_cast %reduce_min3A_56 : vector<128xf32> to vector<128x1xf32>
    %convert_element_type3A_58 = arith.fptosi %broadcast_in_dim3A_57 : vector<128x1xf32> to vector<128x1xi32>
    %eq3A_59 = vector.broadcast %broadcast_in_dim3A_57 : vector<128x1xf32> to vector<128x10240xf32>
    %eq3A_60 = arith.cmpf oeq, %convert_element_type3A_17, %eq3A_59 : vector<128x10240xf32>
    %jit3A_61 = arith.constant 3.000000e+38 : f32
    %broadcast_in_dim3A_62 = vector.broadcast %jit3A_61 : f32 to vector<128x10240xf32>
    %select_n3A_63 = arith.select %eq3A_60, %broadcast_in_dim3A_62, %select_n3A_46 : vector<128x10240xi1>, vector<128x10240xf32>
    %reduce_min3A_64 = arith.constant dense<0x7F800000> : vector<128xf32>
    %reduce_min3A_65 = vector.multi_reduction <minimumf>, %select_n3A_63, %reduce_min3A_64 [1] : vector<128x10240xf32> to vector<128xf32>
    %broadcast_in_dim3A_66 = vector.shape_cast %reduce_min3A_65 : vector<128xf32> to vector<128x1xf32>
    %eq3A_67 = vector.broadcast %broadcast_in_dim3A_66 : vector<128x1xf32> to vector<128x10240xf32>
    %eq3A_68 = arith.cmpf oeq, %select_n3A_63, %eq3A_67 : vector<128x10240xf32>
    %jit3A_69 = arith.constant 3.000000e+38 : f32
    %broadcast_in_dim3A_70 = vector.broadcast %jit3A_69 : f32 to vector<128x10240xf32>
    %select_n3A_71 = arith.select %eq3A_68, %convert_element_type3A_17, %broadcast_in_dim3A_70 : vector<128x10240xi1>, vector<128x10240xf32>
    %reduce_min3A_72 = arith.constant dense<0x7F800000> : vector<128xf32>
    %reduce_min3A_73 = vector.multi_reduction <minimumf>, %select_n3A_71, %reduce_min3A_72 [1] : vector<128x10240xf32> to vector<128xf32>
    %broadcast_in_dim3A_74 = vector.shape_cast %reduce_min3A_73 : vector<128xf32> to vector<128x1xf32>
    %convert_element_type3A_75 = arith.fptosi %broadcast_in_dim3A_74 : vector<128x1xf32> to vector<128x1xi32>
    %eq3A_76 = vector.broadcast %broadcast_in_dim3A_74 : vector<128x1xf32> to vector<128x10240xf32>
    %eq3A_77 = arith.cmpf oeq, %convert_element_type3A_17, %eq3A_76 : vector<128x10240xf32>
    %jit3A_78 = arith.constant 3.000000e+38 : f32
    %broadcast_in_dim3A_79 = vector.broadcast %jit3A_78 : f32 to vector<128x10240xf32>
    %select_n3A_80 = arith.select %eq3A_77, %broadcast_in_dim3A_79, %select_n3A_63 : vector<128x10240xi1>, vector<128x10240xf32>
    %reduce_min3A_81 = arith.constant dense<0x7F800000> : vector<128xf32>
    %reduce_min3A_82 = vector.multi_reduction <minimumf>, %select_n3A_80, %reduce_min3A_81 [1] : vector<128x10240xf32> to vector<128xf32>
    %broadcast_in_dim3A_83 = vector.shape_cast %reduce_min3A_82 : vector<128xf32> to vector<128x1xf32>
    %eq3A_84 = vector.broadcast %broadcast_in_dim3A_83 : vector<128x1xf32> to vector<128x10240xf32>
    %eq3A_85 = arith.cmpf oeq, %select_n3A_80, %eq3A_84 : vector<128x10240xf32>
    %jit3A_86 = arith.constant 3.000000e+38 : f32
    %broadcast_in_dim3A_87 = vector.broadcast %jit3A_86 : f32 to vector<128x10240xf32>
    %select_n3A_88 = arith.select %eq3A_85, %convert_element_type3A_17, %broadcast_in_dim3A_87 : vector<128x10240xi1>, vector<128x10240xf32>
    %reduce_min3A_89 = arith.constant dense<0x7F800000> : vector<128xf32>
    %reduce_min3A_90 = vector.multi_reduction <minimumf>, %select_n3A_88, %reduce_min3A_89 [1] : vector<128x10240xf32> to vector<128xf32>
    %broadcast_in_dim3A_91 = vector.shape_cast %reduce_min3A_90 : vector<128xf32> to vector<128x1xf32>
    %convert_element_type3A_92 = arith.fptosi %broadcast_in_dim3A_91 : vector<128x1xf32> to vector<128x1xi32>
    %eq3A_93 = vector.broadcast %broadcast_in_dim3A_91 : vector<128x1xf32> to vector<128x10240xf32>
    %eq3A_94 = arith.cmpf oeq, %convert_element_type3A_17, %eq3A_93 : vector<128x10240xf32>
    %jit3A_95 = arith.constant 3.000000e+38 : f32
    %broadcast_in_dim3A_96 = vector.broadcast %jit3A_95 : f32 to vector<128x10240xf32>
    %select_n3A_97 = arith.select %eq3A_94, %broadcast_in_dim3A_96, %select_n3A_80 : vector<128x10240xi1>, vector<128x10240xf32>
    %reduce_min3A_98 = arith.constant dense<0x7F800000> : vector<128xf32>
    %reduce_min3A_99 = vector.multi_reduction <minimumf>, %select_n3A_97, %reduce_min3A_98 [1] : vector<128x10240xf32> to vector<128xf32>
    %broadcast_in_dim3A_100 = vector.shape_cast %reduce_min3A_99 : vector<128xf32> to vector<128x1xf32>
    %eq3A_101 = vector.broadcast %broadcast_in_dim3A_100 : vector<128x1xf32> to vector<128x10240xf32>
    %eq3A_102 = arith.cmpf oeq, %select_n3A_97, %eq3A_101 : vector<128x10240xf32>
    %jit3A_103 = arith.constant 3.000000e+38 : f32
    %broadcast_in_dim3A_104 = vector.broadcast %jit3A_103 : f32 to vector<128x10240xf32>
    %select_n3A_105 = arith.select %eq3A_102, %convert_element_type3A_17, %broadcast_in_dim3A_104 : vector<128x10240xi1>, vector<128x10240xf32>
    %reduce_min3A_106 = arith.constant dense<0x7F800000> : vector<128xf32>
    %reduce_min3A_107 = vector.multi_reduction <minimumf>, %select_n3A_105, %reduce_min3A_106 [1] : vector<128x10240xf32> to vector<128xf32>
    %broadcast_in_dim3A_108 = vector.shape_cast %reduce_min3A_107 : vector<128xf32> to vector<128x1xf32>
    %convert_element_type3A_109 = arith.fptosi %broadcast_in_dim3A_108 : vector<128x1xf32> to vector<128x1xi32>
    %eq3A_110 = vector.broadcast %broadcast_in_dim3A_108 : vector<128x1xf32> to vector<128x10240xf32>
    %eq3A_111 = arith.cmpf oeq, %convert_element_type3A_17, %eq3A_110 : vector<128x10240xf32>
    %jit3A_112 = arith.constant 3.000000e+38 : f32
    %broadcast_in_dim3A_113 = vector.broadcast %jit3A_112 : f32 to vector<128x10240xf32>
    %select_n3A_114 = arith.select %eq3A_111, %broadcast_in_dim3A_113, %select_n3A_97 : vector<128x10240xi1>, vector<128x10240xf32>
    %reduce_min3A_115 = arith.constant dense<0x7F800000> : vector<128xf32>
    %reduce_min3A_116 = vector.multi_reduction <minimumf>, %select_n3A_114, %reduce_min3A_115 [1] : vector<128x10240xf32> to vector<128xf32>
    %broadcast_in_dim3A_117 = vector.shape_cast %reduce_min3A_116 : vector<128xf32> to vector<128x1xf32>
    %eq3A_118 = vector.broadcast %broadcast_in_dim3A_117 : vector<128x1xf32> to vector<128x10240xf32>
    %eq3A_119 = arith.cmpf oeq, %select_n3A_114, %eq3A_118 : vector<128x10240xf32>
    %jit3A_120 = arith.constant 3.000000e+38 : f32
    %broadcast_in_dim3A_121 = vector.broadcast %jit3A_120 : f32 to vector<128x10240xf32>
    %select_n3A_122 = arith.select %eq3A_119, %convert_element_type3A_17, %broadcast_in_dim3A_121 : vector<128x10240xi1>, vector<128x10240xf32>
    %reduce_min3A_123 = arith.constant dense<0x7F800000> : vector<128xf32>
    %reduce_min3A_124 = vector.multi_reduction <minimumf>, %select_n3A_122, %reduce_min3A_123 [1] : vector<128x10240xf32> to vector<128xf32>
    %broadcast_in_dim3A_125 = vector.shape_cast %reduce_min3A_124 : vector<128xf32> to vector<128x1xf32>
    %convert_element_type3A_126 = arith.fptosi %broadcast_in_dim3A_125 : vector<128x1xf32> to vector<128x1xi32>
    %eq3A_127 = vector.broadcast %broadcast_in_dim3A_125 : vector<128x1xf32> to vector<128x10240xf32>
    %eq3A_128 = arith.cmpf oeq, %convert_element_type3A_17, %eq3A_127 : vector<128x10240xf32>
    %jit3A_129 = arith.constant 3.000000e+38 : f32
    %broadcast_in_dim3A_130 = vector.broadcast %jit3A_129 : f32 to vector<128x10240xf32>
    %select_n3A_131 = arith.select %eq3A_128, %broadcast_in_dim3A_130, %select_n3A_114 : vector<128x10240xi1>, vector<128x10240xf32>
    %reduce_min3A_132 = arith.constant dense<0x7F800000> : vector<128xf32>
    %reduce_min3A_133 = vector.multi_reduction <minimumf>, %select_n3A_131, %reduce_min3A_132 [1] : vector<128x10240xf32> to vector<128xf32>
    %broadcast_in_dim3A_134 = vector.shape_cast %reduce_min3A_133 : vector<128xf32> to vector<128x1xf32>
    %eq3A_135 = vector.broadcast %broadcast_in_dim3A_134 : vector<128x1xf32> to vector<128x10240xf32>
    %eq3A_136 = arith.cmpf oeq, %select_n3A_131, %eq3A_135 : vector<128x10240xf32>
    %jit3A_137 = arith.constant 3.000000e+38 : f32
    %broadcast_in_dim3A_138 = vector.broadcast %jit3A_137 : f32 to vector<128x10240xf32>
    %select_n3A_139 = arith.select %eq3A_136, %convert_element_type3A_17, %broadcast_in_dim3A_138 : vector<128x10240xi1>, vector<128x10240xf32>
    %reduce_min3A_140 = arith.constant dense<0x7F800000> : vector<128xf32>
    %reduce_min3A_141 = vector.multi_reduction <minimumf>, %select_n3A_139, %reduce_min3A_140 [1] : vector<128x10240xf32> to vector<128xf32>
    %broadcast_in_dim3A_142 = vector.shape_cast %reduce_min3A_141 : vector<128xf32> to vector<128x1xf32>
    %convert_element_type3A_143 = arith.fptosi %broadcast_in_dim3A_142 : vector<128x1xf32> to vector<128x1xi32>
    %concatenate3A = tpu.concatenate %convert_element_type3A_24, %convert_element_type3A_41, %convert_element_type3A_58, %convert_element_type3A_75, %convert_element_type3A_92, %convert_element_type3A_109, %convert_element_type3A_126, %convert_element_type3A_143 in 1 : vector<128x1xi32>, vector<128x1xi32>, vector<128x1xi32>, vector<128x1xi32>, vector<128x1xi32>, vector<128x1xi32>, vector<128x1xi32>, vector<128x1xi32> -> vector<128x8xi32>
    %swap3A = arith.constant 0 : index
    %swap3A_144 = arith.constant 0 : index
    %swap3A_145 = vector.load %arg3[%swap3A, %swap3A_144] : memref<128x8xi32, #tpu.memory_space<vmem>>, vector<128x8xi32>
    tpu.vector_store %arg3[%swap3A, %swap3A_144], %concatenate3A {strides = array<i32>} : memref<128x8xi32, #tpu.memory_space<vmem>>, vector<128x8xi32>,
    return
  }
  func.func @transform_0(%arg0: i32) -> (i32, i32) {
    %c0_i32 = arith.constant 0 : i32
    %c0_i32_0 = arith.constant 0 : i32
    return %arg0, %c0_i32 : i32, i32
  }
  func.func @transform_1(%arg0: i32) -> (i32, i32) {
    %c0_i32 = arith.constant 0 : i32
    %c0_i32_0 = arith.constant 0 : i32
    %c0_i32_1 = arith.constant 0 : i32
    return %c0_i32, %c0_i32_0 : i32, i32
  }
  func.func @transform_2(%arg0: i32) -> (i32, i32) {
    %c0_i32 = arith.constant 0 : i32
    %c0_i32_0 = arith.constant 0 : i32
    return %arg0, %c0_i32 : i32, i32
  }
}

module attributes {stable_mosaic.version = 14 : i64} {
  func.func @_attn_body(%arg0: i32, %arg1: memref<128x256xf32, #tpu.memory_space<vmem>>, %arg2: memref<8x128x256xf32, #tpu.memory_space<vmem>>, %arg3: memref<8x128xf32, #tpu.memory_space<vmem>>, %arg4: memref<128x128xf32, #tpu.memory_space<vmem>>, %arg5: memref<128x128xf32, #tpu.memory_space<vmem>>, %arg6: memref<8x128xf32, #tpu.memory_space<vmem>>, %arg7: memref<128x128xf32, #tpu.memory_space<vmem>>) attributes {dimension_semantics = [#tpu.dimension_semantics<arbitrary>], iteration_bounds = array<i64: 80>, scalar_prefetch = 0 : i64, scratch_operands = 0 : i64, tpu.core_type = #tpu.core_type<tc>, window_params = [{transform_indices = @transform_0, window_bounds = array<i64: 128, 256>}, {transform_indices = @transform_1, window_bounds = array<i64: 8, 128, 256>}, {pipeline_mode = #tpu.pipeline_mode<synchronous>, transform_indices = @transform_2, window_bounds = array<i64: 8, 128>}, {pipeline_mode = #tpu.pipeline_mode<synchronous>, transform_indices = @transform_3, window_bounds = array<i64: 128, 128>}, {pipeline_mode = #tpu.pipeline_mode<synchronous>, transform_indices = @transform_4, window_bounds = array<i64: 128, 128>}, {pipeline_mode = #tpu.pipeline_mode<synchronous>, transform_indices = @transform_5, window_bounds = array<i64: 8, 128>}, {transform_indices = @transform_6, window_bounds = array<i64: 128, 128>}]} {
    %get3A = arith.constant 0 : index
    %get3A_0 = arith.constant 0 : index
    %get3A_1 = vector.load %arg1[%get3A, %get3A_0] : memref<128x256xf32, #tpu.memory_space<vmem>>, vector<128x128xf32>
    %get3A_2 = arith.constant 0 : index
    %get3A_3 = arith.constant 128 : index
    %get3A_4 = vector.load %arg1[%get3A_2, %get3A_3] : memref<128x256xf32, #tpu.memory_space<vmem>>, vector<128x8xf32>
    %get3A_5 = arith.constant 0 : index
    %get3A_6 = arith.constant 0 : index
    %get3A_7 = vector.load %arg6[%get3A_5, %get3A_6] : memref<8x128xf32, #tpu.memory_space<vmem>>, vector<1x128xf32>
    %get3A_8 = arith.constant 1 : index
    %get3A_9 = arith.constant 0 : index
    %get3A_10 = vector.load %arg6[%get3A_8, %get3A_9] : memref<8x128xf32, #tpu.memory_space<vmem>>, vector<1x128xf32>
    %get3A_11 = arith.constant 2 : index
    %get3A_12 = arith.constant 0 : index
    %get3A_13 = vector.load %arg6[%get3A_11, %get3A_12] : memref<8x128xf32, #tpu.memory_space<vmem>>, vector<1x128xf32>
    %get3A_14 = arith.constant 3 : index
    %get3A_15 = arith.constant 0 : index
    %get3A_16 = vector.load %arg6[%get3A_14, %get3A_15] : memref<8x128xf32, #tpu.memory_space<vmem>>, vector<1x128xf32>
    %get3A_17 = arith.constant 4 : index
    %get3A_18 = arith.constant 0 : index
    %get3A_19 = vector.load %arg6[%get3A_17, %get3A_18] : memref<8x128xf32, #tpu.memory_space<vmem>>, vector<1x128xf32>
    %get3A_20 = arith.constant 0 : index
    %get3A_21 = arith.constant 0 : index
    %get3A_22 = arith.constant 0 : index
    %get3A_23 = vector.load %arg2[%get3A_20, %get3A_21, %get3A_22] : memref<8x128x256xf32, #tpu.memory_space<vmem>>, vector<1x128x128xf32>
    %get3A_24 = vector.shape_cast %get3A_23 : vector<1x128x128xf32> to vector<128x128xf32>
    %get3A_25 = arith.constant 0 : index
    %get3A_26 = arith.constant 0 : index
    %get3A_27 = arith.constant 128 : index
    %get3A_28 = vector.load %arg2[%get3A_25, %get3A_26, %get3A_27] : memref<8x128x256xf32, #tpu.memory_space<vmem>>, vector<1x128x8xf32>
    %get3A_29 = vector.shape_cast %get3A_28 : vector<1x128x8xf32> to vector<128x8xf32>
    %sub3A = arith.subf %get3A_29, %get3A_4 : vector<128x8xf32>
    %sub3A_30 = arith.subf %get3A_24, %get3A_1 : vector<128x128xf32>
    %get3A_31 = arith.constant 0 : index
    %get3A_32 = arith.constant 0 : index
    %get3A_33 = vector.load %arg3[%get3A_31, %get3A_32] : memref<8x128xf32, #tpu.memory_space<vmem>>, vector<8x128xf32>
    %dot_general3A = arith.constant dense<0.000000e+00> : vector<128x128xf32>
    %dot_general3A_34 = tpu.matmul %sub3A, %get3A_33, %dot_general3A {dimension_numbers = #tpu.dot_dimension_numbers<[1], [0], [0], [1], [0, 0, 1, 1], [], []>, transpose_lhs_hint = false} : vector<128x8xf32>, vector<8x128xf32>, vector<128x128xf32> -> vector<128x128xf32>
    %add3A = vector.broadcast %get3A_7 : vector<1x128xf32> to vector<128x128xf32>
    %add3A_35 = arith.addf %dot_general3A_34, %add3A : vector<128x128xf32>
    %get3A_36 = arith.constant 0 : index
    %get3A_37 = arith.constant 0 : index
    %get3A_38 = vector.load %arg4[%get3A_36, %get3A_37] : memref<128x128xf32, #tpu.memory_space<vmem>>, vector<128x128xf32>
    %dot_general3A_39 = arith.constant dense<0.000000e+00> : vector<128x128xf32>
    %dot_general3A_40 = tpu.matmul %sub3A_30, %get3A_38, %dot_general3A_39 {dimension_numbers = #tpu.dot_dimension_numbers<[1], [0], [0], [1], [0, 0, 1, 1], [], []>, transpose_lhs_hint = false} : vector<128x128xf32>, vector<128x128xf32>, vector<128x128xf32> -> vector<128x128xf32>
    %add3A_41 = vector.broadcast %get3A_10 : vector<1x128xf32> to vector<128x128xf32>
    %add3A_42 = arith.addf %dot_general3A_40, %add3A_41 : vector<128x128xf32>
    %mul3A = arith.mulf %add3A_35, %add3A_42 : vector<128x128xf32>
    %div3A = arith.constant 2.82842708 : f32
    %div3A_43 = vector.broadcast %div3A : f32 to vector<128x128xf32>
    %div3A_44 = arith.divf %mul3A, %div3A_43 : vector<128x128xf32>
    %get3A_45 = arith.constant 0 : index
    %get3A_46 = arith.constant 0 : index
    %get3A_47 = vector.load %arg5[%get3A_45, %get3A_46] : memref<128x128xf32, #tpu.memory_space<vmem>>, vector<128x128xf32>
    %dot_general3A_48 = arith.constant dense<0.000000e+00> : vector<128x128xf32>
    %dot_general3A_49 = tpu.matmul %get3A_24, %get3A_47, %dot_general3A_48 {dimension_numbers = #tpu.dot_dimension_numbers<[1], [0], [0], [1], [0, 0, 1, 1], [], []>, transpose_lhs_hint = false} : vector<128x128xf32>, vector<128x128xf32>, vector<128x128xf32> -> vector<128x128xf32>
    %add3A_50 = vector.broadcast %get3A_13 : vector<1x128xf32> to vector<128x128xf32>
    %add3A_51 = arith.addf %dot_general3A_49, %add3A_50 : vector<128x128xf32>
    %get3A_52 = arith.constant 1 : index
    %get3A_53 = arith.constant 0 : index
    %get3A_54 = arith.constant 0 : index
    %get3A_55 = vector.load %arg2[%get3A_52, %get3A_53, %get3A_54] : memref<8x128x256xf32, #tpu.memory_space<vmem>>, vector<1x128x128xf32>
    %get3A_56 = vector.shape_cast %get3A_55 : vector<1x128x128xf32> to vector<128x128xf32>
    %get3A_57 = arith.constant 1 : index
    %get3A_58 = arith.constant 0 : index
    %get3A_59 = arith.constant 128 : index
    %get3A_60 = vector.load %arg2[%get3A_57, %get3A_58, %get3A_59] : memref<8x128x256xf32, #tpu.memory_space<vmem>>, vector<1x128x8xf32>
    %get3A_61 = vector.shape_cast %get3A_60 : vector<1x128x8xf32> to vector<128x8xf32>
    %sub3A_62 = arith.subf %get3A_61, %get3A_4 : vector<128x8xf32>
    %sub3A_63 = arith.subf %get3A_56, %get3A_1 : vector<128x128xf32>
    %get3A_64 = arith.constant 0 : index
    %get3A_65 = arith.constant 0 : index
    %get3A_66 = vector.load %arg3[%get3A_64, %get3A_65] : memref<8x128xf32, #tpu.memory_space<vmem>>, vector<8x128xf32>
    %dot_general3A_67 = arith.constant dense<0.000000e+00> : vector<128x128xf32>
    %dot_general3A_68 = tpu.matmul %sub3A_62, %get3A_66, %dot_general3A_67 {dimension_numbers = #tpu.dot_dimension_numbers<[1], [0], [0], [1], [0, 0, 1, 1], [], []>, transpose_lhs_hint = false} : vector<128x8xf32>, vector<8x128xf32>, vector<128x128xf32> -> vector<128x128xf32>
    %add3A_69 = vector.broadcast %get3A_7 : vector<1x128xf32> to vector<128x128xf32>
    %add3A_70 = arith.addf %dot_general3A_68, %add3A_69 : vector<128x128xf32>
    %get3A_71 = arith.constant 0 : index
    %get3A_72 = arith.constant 0 : index
    %get3A_73 = vector.load %arg4[%get3A_71, %get3A_72] : memref<128x128xf32, #tpu.memory_space<vmem>>, vector<128x128xf32>
    %dot_general3A_74 = arith.constant dense<0.000000e+00> : vector<128x128xf32>
    %dot_general3A_75 = tpu.matmul %sub3A_63, %get3A_73, %dot_general3A_74 {dimension_numbers = #tpu.dot_dimension_numbers<[1], [0], [0], [1], [0, 0, 1, 1], [], []>, transpose_lhs_hint = false} : vector<128x128xf32>, vector<128x128xf32>, vector<128x128xf32> -> vector<128x128xf32>
    %add3A_76 = vector.broadcast %get3A_10 : vector<1x128xf32> to vector<128x128xf32>
    %add3A_77 = arith.addf %dot_general3A_75, %add3A_76 : vector<128x128xf32>
    %mul3A_78 = arith.mulf %add3A_70, %add3A_77 : vector<128x128xf32>
    %div3A_79 = arith.constant 2.82842708 : f32
    %div3A_80 = vector.broadcast %div3A_79 : f32 to vector<128x128xf32>
    %div3A_81 = arith.divf %mul3A_78, %div3A_80 : vector<128x128xf32>
    %get3A_82 = arith.constant 0 : index
    %get3A_83 = arith.constant 0 : index
    %get3A_84 = vector.load %arg5[%get3A_82, %get3A_83] : memref<128x128xf32, #tpu.memory_space<vmem>>, vector<128x128xf32>
    %dot_general3A_85 = arith.constant dense<0.000000e+00> : vector<128x128xf32>
    %dot_general3A_86 = tpu.matmul %get3A_56, %get3A_84, %dot_general3A_85 {dimension_numbers = #tpu.dot_dimension_numbers<[1], [0], [0], [1], [0, 0, 1, 1], [], []>, transpose_lhs_hint = false} : vector<128x128xf32>, vector<128x128xf32>, vector<128x128xf32> -> vector<128x128xf32>
    %add3A_87 = vector.broadcast %get3A_13 : vector<1x128xf32> to vector<128x128xf32>
    %add3A_88 = arith.addf %dot_general3A_86, %add3A_87 : vector<128x128xf32>
    %get3A_89 = arith.constant 2 : index
    %get3A_90 = arith.constant 0 : index
    %get3A_91 = arith.constant 0 : index
    %get3A_92 = vector.load %arg2[%get3A_89, %get3A_90, %get3A_91] : memref<8x128x256xf32, #tpu.memory_space<vmem>>, vector<1x128x128xf32>
    %get3A_93 = vector.shape_cast %get3A_92 : vector<1x128x128xf32> to vector<128x128xf32>
    %get3A_94 = arith.constant 2 : index
    %get3A_95 = arith.constant 0 : index
    %get3A_96 = arith.constant 128 : index
    %get3A_97 = vector.load %arg2[%get3A_94, %get3A_95, %get3A_96] : memref<8x128x256xf32, #tpu.memory_space<vmem>>, vector<1x128x8xf32>
    %get3A_98 = vector.shape_cast %get3A_97 : vector<1x128x8xf32> to vector<128x8xf32>
    %sub3A_99 = arith.subf %get3A_98, %get3A_4 : vector<128x8xf32>
    %sub3A_100 = arith.subf %get3A_93, %get3A_1 : vector<128x128xf32>
    %get3A_101 = arith.constant 0 : index
    %get3A_102 = arith.constant 0 : index
    %get3A_103 = vector.load %arg3[%get3A_101, %get3A_102] : memref<8x128xf32, #tpu.memory_space<vmem>>, vector<8x128xf32>
    %dot_general3A_104 = arith.constant dense<0.000000e+00> : vector<128x128xf32>
    %dot_general3A_105 = tpu.matmul %sub3A_99, %get3A_103, %dot_general3A_104 {dimension_numbers = #tpu.dot_dimension_numbers<[1], [0], [0], [1], [0, 0, 1, 1], [], []>, transpose_lhs_hint = false} : vector<128x8xf32>, vector<8x128xf32>, vector<128x128xf32> -> vector<128x128xf32>
    %add3A_106 = vector.broadcast %get3A_7 : vector<1x128xf32> to vector<128x128xf32>
    %add3A_107 = arith.addf %dot_general3A_105, %add3A_106 : vector<128x128xf32>
    %get3A_108 = arith.constant 0 : index
    %get3A_109 = arith.constant 0 : index
    %get3A_110 = vector.load %arg4[%get3A_108, %get3A_109] : memref<128x128xf32, #tpu.memory_space<vmem>>, vector<128x128xf32>
    %dot_general3A_111 = arith.constant dense<0.000000e+00> : vector<128x128xf32>
    %dot_general3A_112 = tpu.matmul %sub3A_100, %get3A_110, %dot_general3A_111 {dimension_numbers = #tpu.dot_dimension_numbers<[1], [0], [0], [1], [0, 0, 1, 1], [], []>, transpose_lhs_hint = false} : vector<128x128xf32>, vector<128x128xf32>, vector<128x128xf32> -> vector<128x128xf32>
    %add3A_113 = vector.broadcast %get3A_10 : vector<1x128xf32> to vector<128x128xf32>
    %add3A_114 = arith.addf %dot_general3A_112, %add3A_113 : vector<128x128xf32>
    %mul3A_115 = arith.mulf %add3A_107, %add3A_114 : vector<128x128xf32>
    %div3A_116 = arith.constant 2.82842708 : f32
    %div3A_117 = vector.broadcast %div3A_116 : f32 to vector<128x128xf32>
    %div3A_118 = arith.divf %mul3A_115, %div3A_117 : vector<128x128xf32>
    %get3A_119 = arith.constant 0 : index
    %get3A_120 = arith.constant 0 : index
    %get3A_121 = vector.load %arg5[%get3A_119, %get3A_120] : memref<128x128xf32, #tpu.memory_space<vmem>>, vector<128x128xf32>
    %dot_general3A_122 = arith.constant dense<0.000000e+00> : vector<128x128xf32>
    %dot_general3A_123 = tpu.matmul %get3A_93, %get3A_121, %dot_general3A_122 {dimension_numbers = #tpu.dot_dimension_numbers<[1], [0], [0], [1], [0, 0, 1, 1], [], []>, transpose_lhs_hint = false} : vector<128x128xf32>, vector<128x128xf32>, vector<128x128xf32> -> vector<128x128xf32>
    %add3A_124 = vector.broadcast %get3A_13 : vector<1x128xf32> to vector<128x128xf32>
    %add3A_125 = arith.addf %dot_general3A_123, %add3A_124 : vector<128x128xf32>
    %get3A_126 = arith.constant 3 : index
    %get3A_127 = arith.constant 0 : index
    %get3A_128 = arith.constant 0 : index
    %get3A_129 = vector.load %arg2[%get3A_126, %get3A_127, %get3A_128] : memref<8x128x256xf32, #tpu.memory_space<vmem>>, vector<1x128x128xf32>
    %get3A_130 = vector.shape_cast %get3A_129 : vector<1x128x128xf32> to vector<128x128xf32>
    %get3A_131 = arith.constant 3 : index
    %get3A_132 = arith.constant 0 : index
    %get3A_133 = arith.constant 128 : index
    %get3A_134 = vector.load %arg2[%get3A_131, %get3A_132, %get3A_133] : memref<8x128x256xf32, #tpu.memory_space<vmem>>, vector<1x128x8xf32>
    %get3A_135 = vector.shape_cast %get3A_134 : vector<1x128x8xf32> to vector<128x8xf32>
    %sub3A_136 = arith.subf %get3A_135, %get3A_4 : vector<128x8xf32>
    %sub3A_137 = arith.subf %get3A_130, %get3A_1 : vector<128x128xf32>
    %get3A_138 = arith.constant 0 : index
    %get3A_139 = arith.constant 0 : index
    %get3A_140 = vector.load %arg3[%get3A_138, %get3A_139] : memref<8x128xf32, #tpu.memory_space<vmem>>, vector<8x128xf32>
    %dot_general3A_141 = arith.constant dense<0.000000e+00> : vector<128x128xf32>
    %dot_general3A_142 = tpu.matmul %sub3A_136, %get3A_140, %dot_general3A_141 {dimension_numbers = #tpu.dot_dimension_numbers<[1], [0], [0], [1], [0, 0, 1, 1], [], []>, transpose_lhs_hint = false} : vector<128x8xf32>, vector<8x128xf32>, vector<128x128xf32> -> vector<128x128xf32>
    %add3A_143 = vector.broadcast %get3A_7 : vector<1x128xf32> to vector<128x128xf32>
    %add3A_144 = arith.addf %dot_general3A_142, %add3A_143 : vector<128x128xf32>
    %get3A_145 = arith.constant 0 : index
    %get3A_146 = arith.constant 0 : index
    %get3A_147 = vector.load %arg4[%get3A_145, %get3A_146] : memref<128x128xf32, #tpu.memory_space<vmem>>, vector<128x128xf32>
    %dot_general3A_148 = arith.constant dense<0.000000e+00> : vector<128x128xf32>
    %dot_general3A_149 = tpu.matmul %sub3A_137, %get3A_147, %dot_general3A_148 {dimension_numbers = #tpu.dot_dimension_numbers<[1], [0], [0], [1], [0, 0, 1, 1], [], []>, transpose_lhs_hint = false} : vector<128x128xf32>, vector<128x128xf32>, vector<128x128xf32> -> vector<128x128xf32>
    %add3A_150 = vector.broadcast %get3A_10 : vector<1x128xf32> to vector<128x128xf32>
    %add3A_151 = arith.addf %dot_general3A_149, %add3A_150 : vector<128x128xf32>
    %mul3A_152 = arith.mulf %add3A_144, %add3A_151 : vector<128x128xf32>
    %div3A_153 = arith.constant 2.82842708 : f32
    %div3A_154 = vector.broadcast %div3A_153 : f32 to vector<128x128xf32>
    %div3A_155 = arith.divf %mul3A_152, %div3A_154 : vector<128x128xf32>
    %get3A_156 = arith.constant 0 : index
    %get3A_157 = arith.constant 0 : index
    %get3A_158 = vector.load %arg5[%get3A_156, %get3A_157] : memref<128x128xf32, #tpu.memory_space<vmem>>, vector<128x128xf32>
    %dot_general3A_159 = arith.constant dense<0.000000e+00> : vector<128x128xf32>
    %dot_general3A_160 = tpu.matmul %get3A_130, %get3A_158, %dot_general3A_159 {dimension_numbers = #tpu.dot_dimension_numbers<[1], [0], [0], [1], [0, 0, 1, 1], [], []>, transpose_lhs_hint = false} : vector<128x128xf32>, vector<128x128xf32>, vector<128x128xf32> -> vector<128x128xf32>
    %add3A_161 = vector.broadcast %get3A_13 : vector<1x128xf32> to vector<128x128xf32>
    %add3A_162 = arith.addf %dot_general3A_160, %add3A_161 : vector<128x128xf32>
    %get3A_163 = arith.constant 4 : index
    %get3A_164 = arith.constant 0 : index
    %get3A_165 = arith.constant 0 : index
    %get3A_166 = vector.load %arg2[%get3A_163, %get3A_164, %get3A_165] : memref<8x128x256xf32, #tpu.memory_space<vmem>>, vector<1x128x128xf32>
    %get3A_167 = vector.shape_cast %get3A_166 : vector<1x128x128xf32> to vector<128x128xf32>
    %get3A_168 = arith.constant 4 : index
    %get3A_169 = arith.constant 0 : index
    %get3A_170 = arith.constant 128 : index
    %get3A_171 = vector.load %arg2[%get3A_168, %get3A_169, %get3A_170] : memref<8x128x256xf32, #tpu.memory_space<vmem>>, vector<1x128x8xf32>
    %get3A_172 = vector.shape_cast %get3A_171 : vector<1x128x8xf32> to vector<128x8xf32>
    %sub3A_173 = arith.subf %get3A_172, %get3A_4 : vector<128x8xf32>
    %sub3A_174 = arith.subf %get3A_167, %get3A_1 : vector<128x128xf32>
    %get3A_175 = arith.constant 0 : index
    %get3A_176 = arith.constant 0 : index
    %get3A_177 = vector.load %arg3[%get3A_175, %get3A_176] : memref<8x128xf32, #tpu.memory_space<vmem>>, vector<8x128xf32>
    %dot_general3A_178 = arith.constant dense<0.000000e+00> : vector<128x128xf32>
    %dot_general3A_179 = tpu.matmul %sub3A_173, %get3A_177, %dot_general3A_178 {dimension_numbers = #tpu.dot_dimension_numbers<[1], [0], [0], [1], [0, 0, 1, 1], [], []>, transpose_lhs_hint = false} : vector<128x8xf32>, vector<8x128xf32>, vector<128x128xf32> -> vector<128x128xf32>
    %add3A_180 = vector.broadcast %get3A_7 : vector<1x128xf32> to vector<128x128xf32>
    %add3A_181 = arith.addf %dot_general3A_179, %add3A_180 : vector<128x128xf32>
    %get3A_182 = arith.constant 0 : index
    %get3A_183 = arith.constant 0 : index
    %get3A_184 = vector.load %arg4[%get3A_182, %get3A_183] : memref<128x128xf32, #tpu.memory_space<vmem>>, vector<128x128xf32>
    %dot_general3A_185 = arith.constant dense<0.000000e+00> : vector<128x128xf32>
    %dot_general3A_186 = tpu.matmul %sub3A_174, %get3A_184, %dot_general3A_185 {dimension_numbers = #tpu.dot_dimension_numbers<[1], [0], [0], [1], [0, 0, 1, 1], [], []>, transpose_lhs_hint = false} : vector<128x128xf32>, vector<128x128xf32>, vector<128x128xf32> -> vector<128x128xf32>
    %add3A_187 = vector.broadcast %get3A_10 : vector<1x128xf32> to vector<128x128xf32>
    %add3A_188 = arith.addf %dot_general3A_186, %add3A_187 : vector<128x128xf32>
    %mul3A_189 = arith.mulf %add3A_181, %add3A_188 : vector<128x128xf32>
    %div3A_190 = arith.constant 2.82842708 : f32
    %div3A_191 = vector.broadcast %div3A_190 : f32 to vector<128x128xf32>
    %div3A_192 = arith.divf %mul3A_189, %div3A_191 : vector<128x128xf32>
    %get3A_193 = arith.constant 0 : index
    %get3A_194 = arith.constant 0 : index
    %get3A_195 = vector.load %arg5[%get3A_193, %get3A_194] : memref<128x128xf32, #tpu.memory_space<vmem>>, vector<128x128xf32>
    %dot_general3A_196 = arith.constant dense<0.000000e+00> : vector<128x128xf32>
    %dot_general3A_197 = tpu.matmul %get3A_167, %get3A_195, %dot_general3A_196 {dimension_numbers = #tpu.dot_dimension_numbers<[1], [0], [0], [1], [0, 0, 1, 1], [], []>, transpose_lhs_hint = false} : vector<128x128xf32>, vector<128x128xf32>, vector<128x128xf32> -> vector<128x128xf32>
    %add3A_198 = vector.broadcast %get3A_13 : vector<1x128xf32> to vector<128x128xf32>
    %add3A_199 = arith.addf %dot_general3A_197, %add3A_198 : vector<128x128xf32>
    %get3A_200 = arith.constant 5 : index
    %get3A_201 = arith.constant 0 : index
    %get3A_202 = arith.constant 0 : index
    %get3A_203 = vector.load %arg2[%get3A_200, %get3A_201, %get3A_202] : memref<8x128x256xf32, #tpu.memory_space<vmem>>, vector<1x128x128xf32>
    %get3A_204 = vector.shape_cast %get3A_203 : vector<1x128x128xf32> to vector<128x128xf32>
    %get3A_205 = arith.constant 5 : index
    %get3A_206 = arith.constant 0 : index
    %get3A_207 = arith.constant 128 : index
    %get3A_208 = vector.load %arg2[%get3A_205, %get3A_206, %get3A_207] : memref<8x128x256xf32, #tpu.memory_space<vmem>>, vector<1x128x8xf32>
    %get3A_209 = vector.shape_cast %get3A_208 : vector<1x128x8xf32> to vector<128x8xf32>
    %sub3A_210 = arith.subf %get3A_209, %get3A_4 : vector<128x8xf32>
    %sub3A_211 = arith.subf %get3A_204, %get3A_1 : vector<128x128xf32>
    %get3A_212 = arith.constant 0 : index
    %get3A_213 = arith.constant 0 : index
    %get3A_214 = vector.load %arg3[%get3A_212, %get3A_213] : memref<8x128xf32, #tpu.memory_space<vmem>>, vector<8x128xf32>
    %dot_general3A_215 = arith.constant dense<0.000000e+00> : vector<128x128xf32>
    %dot_general3A_216 = tpu.matmul %sub3A_210, %get3A_214, %dot_general3A_215 {dimension_numbers = #tpu.dot_dimension_numbers<[1], [0], [0], [1], [0, 0, 1, 1], [], []>, transpose_lhs_hint = false} : vector<128x8xf32>, vector<8x128xf32>, vector<128x128xf32> -> vector<128x128xf32>
    %add3A_217 = vector.broadcast %get3A_7 : vector<1x128xf32> to vector<128x128xf32>
    %add3A_218 = arith.addf %dot_general3A_216, %add3A_217 : vector<128x128xf32>
    %get3A_219 = arith.constant 0 : index
    %get3A_220 = arith.constant 0 : index
    %get3A_221 = vector.load %arg4[%get3A_219, %get3A_220] : memref<128x128xf32, #tpu.memory_space<vmem>>, vector<128x128xf32>
    %dot_general3A_222 = arith.constant dense<0.000000e+00> : vector<128x128xf32>
    %dot_general3A_223 = tpu.matmul %sub3A_211, %get3A_221, %dot_general3A_222 {dimension_numbers = #tpu.dot_dimension_numbers<[1], [0], [0], [1], [0, 0, 1, 1], [], []>, transpose_lhs_hint = false} : vector<128x128xf32>, vector<128x128xf32>, vector<128x128xf32> -> vector<128x128xf32>
    %add3A_224 = vector.broadcast %get3A_10 : vector<1x128xf32> to vector<128x128xf32>
    %add3A_225 = arith.addf %dot_general3A_223, %add3A_224 : vector<128x128xf32>
    %mul3A_226 = arith.mulf %add3A_218, %add3A_225 : vector<128x128xf32>
    %div3A_227 = arith.constant 2.82842708 : f32
    %div3A_228 = vector.broadcast %div3A_227 : f32 to vector<128x128xf32>
    %div3A_229 = arith.divf %mul3A_226, %div3A_228 : vector<128x128xf32>
    %get3A_230 = arith.constant 0 : index
    %get3A_231 = arith.constant 0 : index
    %get3A_232 = vector.load %arg5[%get3A_230, %get3A_231] : memref<128x128xf32, #tpu.memory_space<vmem>>, vector<128x128xf32>
    %dot_general3A_233 = arith.constant dense<0.000000e+00> : vector<128x128xf32>
    %dot_general3A_234 = tpu.matmul %get3A_204, %get3A_232, %dot_general3A_233 {dimension_numbers = #tpu.dot_dimension_numbers<[1], [0], [0], [1], [0, 0, 1, 1], [], []>, transpose_lhs_hint = false} : vector<128x128xf32>, vector<128x128xf32>, vector<128x128xf32> -> vector<128x128xf32>
    %add3A_235 = vector.broadcast %get3A_13 : vector<1x128xf32> to vector<128x128xf32>
    %add3A_236 = arith.addf %dot_general3A_234, %add3A_235 : vector<128x128xf32>
    %get3A_237 = arith.constant 6 : index
    %get3A_238 = arith.constant 0 : index
    %get3A_239 = arith.constant 0 : index
    %get3A_240 = vector.load %arg2[%get3A_237, %get3A_238, %get3A_239] : memref<8x128x256xf32, #tpu.memory_space<vmem>>, vector<1x128x128xf32>
    %get3A_241 = vector.shape_cast %get3A_240 : vector<1x128x128xf32> to vector<128x128xf32>
    %get3A_242 = arith.constant 6 : index
    %get3A_243 = arith.constant 0 : index
    %get3A_244 = arith.constant 128 : index
    %get3A_245 = vector.load %arg2[%get3A_242, %get3A_243, %get3A_244] : memref<8x128x256xf32, #tpu.memory_space<vmem>>, vector<1x128x8xf32>
    %get3A_246 = vector.shape_cast %get3A_245 : vector<1x128x8xf32> to vector<128x8xf32>
    %sub3A_247 = arith.subf %get3A_246, %get3A_4 : vector<128x8xf32>
    %sub3A_248 = arith.subf %get3A_241, %get3A_1 : vector<128x128xf32>
    %get3A_249 = arith.constant 0 : index
    %get3A_250 = arith.constant 0 : index
    %get3A_251 = vector.load %arg3[%get3A_249, %get3A_250] : memref<8x128xf32, #tpu.memory_space<vmem>>, vector<8x128xf32>
    %dot_general3A_252 = arith.constant dense<0.000000e+00> : vector<128x128xf32>
    %dot_general3A_253 = tpu.matmul %sub3A_247, %get3A_251, %dot_general3A_252 {dimension_numbers = #tpu.dot_dimension_numbers<[1], [0], [0], [1], [0, 0, 1, 1], [], []>, transpose_lhs_hint = false} : vector<128x8xf32>, vector<8x128xf32>, vector<128x128xf32> -> vector<128x128xf32>
    %add3A_254 = vector.broadcast %get3A_7 : vector<1x128xf32> to vector<128x128xf32>
    %add3A_255 = arith.addf %dot_general3A_253, %add3A_254 : vector<128x128xf32>
    %get3A_256 = arith.constant 0 : index
    %get3A_257 = arith.constant 0 : index
    %get3A_258 = vector.load %arg4[%get3A_256, %get3A_257] : memref<128x128xf32, #tpu.memory_space<vmem>>, vector<128x128xf32>
    %dot_general3A_259 = arith.constant dense<0.000000e+00> : vector<128x128xf32>
    %dot_general3A_260 = tpu.matmul %sub3A_248, %get3A_258, %dot_general3A_259 {dimension_numbers = #tpu.dot_dimension_numbers<[1], [0], [0], [1], [0, 0, 1, 1], [], []>, transpose_lhs_hint = false} : vector<128x128xf32>, vector<128x128xf32>, vector<128x128xf32> -> vector<128x128xf32>
    %add3A_261 = vector.broadcast %get3A_10 : vector<1x128xf32> to vector<128x128xf32>
    %add3A_262 = arith.addf %dot_general3A_260, %add3A_261 : vector<128x128xf32>
    %mul3A_263 = arith.mulf %add3A_255, %add3A_262 : vector<128x128xf32>
    %div3A_264 = arith.constant 2.82842708 : f32
    %div3A_265 = vector.broadcast %div3A_264 : f32 to vector<128x128xf32>
    %div3A_266 = arith.divf %mul3A_263, %div3A_265 : vector<128x128xf32>
    %get3A_267 = arith.constant 0 : index
    %get3A_268 = arith.constant 0 : index
    %get3A_269 = vector.load %arg5[%get3A_267, %get3A_268] : memref<128x128xf32, #tpu.memory_space<vmem>>, vector<128x128xf32>
    %dot_general3A_270 = arith.constant dense<0.000000e+00> : vector<128x128xf32>
    %dot_general3A_271 = tpu.matmul %get3A_241, %get3A_269, %dot_general3A_270 {dimension_numbers = #tpu.dot_dimension_numbers<[1], [0], [0], [1], [0, 0, 1, 1], [], []>, transpose_lhs_hint = false} : vector<128x128xf32>, vector<128x128xf32>, vector<128x128xf32> -> vector<128x128xf32>
    %add3A_272 = vector.broadcast %get3A_13 : vector<1x128xf32> to vector<128x128xf32>
    %add3A_273 = arith.addf %dot_general3A_271, %add3A_272 : vector<128x128xf32>
    %get3A_274 = arith.constant 7 : index
    %get3A_275 = arith.constant 0 : index
    %get3A_276 = arith.constant 0 : index
    %get3A_277 = vector.load %arg2[%get3A_274, %get3A_275, %get3A_276] : memref<8x128x256xf32, #tpu.memory_space<vmem>>, vector<1x128x128xf32>
    %get3A_278 = vector.shape_cast %get3A_277 : vector<1x128x128xf32> to vector<128x128xf32>
    %get3A_279 = arith.constant 7 : index
    %get3A_280 = arith.constant 0 : index
    %get3A_281 = arith.constant 128 : index
    %get3A_282 = vector.load %arg2[%get3A_279, %get3A_280, %get3A_281] : memref<8x128x256xf32, #tpu.memory_space<vmem>>, vector<1x128x8xf32>
    %get3A_283 = vector.shape_cast %get3A_282 : vector<1x128x8xf32> to vector<128x8xf32>
    %sub3A_284 = arith.subf %get3A_283, %get3A_4 : vector<128x8xf32>
    %sub3A_285 = arith.subf %get3A_278, %get3A_1 : vector<128x128xf32>
    %get3A_286 = arith.constant 0 : index
    %get3A_287 = arith.constant 0 : index
    %get3A_288 = vector.load %arg3[%get3A_286, %get3A_287] : memref<8x128xf32, #tpu.memory_space<vmem>>, vector<8x128xf32>
    %dot_general3A_289 = arith.constant dense<0.000000e+00> : vector<128x128xf32>
    %dot_general3A_290 = tpu.matmul %sub3A_284, %get3A_288, %dot_general3A_289 {dimension_numbers = #tpu.dot_dimension_numbers<[1], [0], [0], [1], [0, 0, 1, 1], [], []>, transpose_lhs_hint = false} : vector<128x8xf32>, vector<8x128xf32>, vector<128x128xf32> -> vector<128x128xf32>
    %add3A_291 = vector.broadcast %get3A_7 : vector<1x128xf32> to vector<128x128xf32>
    %add3A_292 = arith.addf %dot_general3A_290, %add3A_291 : vector<128x128xf32>
    %get3A_293 = arith.constant 0 : index
    %get3A_294 = arith.constant 0 : index
    %get3A_295 = vector.load %arg4[%get3A_293, %get3A_294] : memref<128x128xf32, #tpu.memory_space<vmem>>, vector<128x128xf32>
    %dot_general3A_296 = arith.constant dense<0.000000e+00> : vector<128x128xf32>
    %dot_general3A_297 = tpu.matmul %sub3A_285, %get3A_295, %dot_general3A_296 {dimension_numbers = #tpu.dot_dimension_numbers<[1], [0], [0], [1], [0, 0, 1, 1], [], []>, transpose_lhs_hint = false} : vector<128x128xf32>, vector<128x128xf32>, vector<128x128xf32> -> vector<128x128xf32>
    %add3A_298 = vector.broadcast %get3A_10 : vector<1x128xf32> to vector<128x128xf32>
    %add3A_299 = arith.addf %dot_general3A_297, %add3A_298 : vector<128x128xf32>
    %mul3A_300 = arith.mulf %add3A_292, %add3A_299 : vector<128x128xf32>
    %div3A_301 = arith.constant 2.82842708 : f32
    %div3A_302 = vector.broadcast %div3A_301 : f32 to vector<128x128xf32>
    %div3A_303 = arith.divf %mul3A_300, %div3A_302 : vector<128x128xf32>
    %get3A_304 = arith.constant 0 : index
    %get3A_305 = arith.constant 0 : index
    %get3A_306 = vector.load %arg5[%get3A_304, %get3A_305] : memref<128x128xf32, #tpu.memory_space<vmem>>, vector<128x128xf32>
    %dot_general3A_307 = arith.constant dense<0.000000e+00> : vector<128x128xf32>
    %dot_general3A_308 = tpu.matmul %get3A_278, %get3A_306, %dot_general3A_307 {dimension_numbers = #tpu.dot_dimension_numbers<[1], [0], [0], [1], [0, 0, 1, 1], [], []>, transpose_lhs_hint = false} : vector<128x128xf32>, vector<128x128xf32>, vector<128x128xf32> -> vector<128x128xf32>
    %add3A_309 = vector.broadcast %get3A_13 : vector<1x128xf32> to vector<128x128xf32>
    %add3A_310 = arith.addf %dot_general3A_308, %add3A_309 : vector<128x128xf32>
    %max3A = arith.maximumf %div3A_44, %div3A_81 : vector<128x128xf32>
    %max3A_311 = arith.maximumf %max3A, %div3A_118 : vector<128x128xf32>
    %max3A_312 = arith.maximumf %max3A_311, %div3A_155 : vector<128x128xf32>
    %max3A_313 = arith.maximumf %max3A_312, %div3A_192 : vector<128x128xf32>
    %max3A_314 = arith.maximumf %max3A_313, %div3A_229 : vector<128x128xf32>
    %max3A_315 = arith.maximumf %max3A_314, %div3A_266 : vector<128x128xf32>
    %max3A_316 = arith.maximumf %max3A_315, %div3A_303 : vector<128x128xf32>
    %sub3A_317 = arith.subf %div3A_44, %max3A_316 : vector<128x128xf32>
    %exp3A = math.exp %sub3A_317 : vector<128x128xf32>
    %sub3A_318 = arith.subf %div3A_81, %max3A_316 : vector<128x128xf32>
    %exp3A_319 = math.exp %sub3A_318 : vector<128x128xf32>
    %sub3A_320 = arith.subf %div3A_118, %max3A_316 : vector<128x128xf32>
    %exp3A_321 = math.exp %sub3A_320 : vector<128x128xf32>
    %sub3A_322 = arith.subf %div3A_155, %max3A_316 : vector<128x128xf32>
    %exp3A_323 = math.exp %sub3A_322 : vector<128x128xf32>
    %sub3A_324 = arith.subf %div3A_192, %max3A_316 : vector<128x128xf32>
    %exp3A_325 = math.exp %sub3A_324 : vector<128x128xf32>
    %sub3A_326 = arith.subf %div3A_229, %max3A_316 : vector<128x128xf32>
    %exp3A_327 = math.exp %sub3A_326 : vector<128x128xf32>
    %sub3A_328 = arith.subf %div3A_266, %max3A_316 : vector<128x128xf32>
    %exp3A_329 = math.exp %sub3A_328 : vector<128x128xf32>
    %sub3A_330 = arith.subf %div3A_303, %max3A_316 : vector<128x128xf32>
    %exp3A_331 = math.exp %sub3A_330 : vector<128x128xf32>
    %add3A_332 = arith.addf %exp3A, %exp3A_319 : vector<128x128xf32>
    %add3A_333 = arith.addf %add3A_332, %exp3A_321 : vector<128x128xf32>
    %add3A_334 = arith.addf %add3A_333, %exp3A_323 : vector<128x128xf32>
    %add3A_335 = arith.addf %add3A_334, %exp3A_325 : vector<128x128xf32>
    %add3A_336 = arith.addf %add3A_335, %exp3A_327 : vector<128x128xf32>
    %add3A_337 = arith.addf %add3A_336, %exp3A_329 : vector<128x128xf32>
    %add3A_338 = arith.addf %add3A_337, %exp3A_331 : vector<128x128xf32>
    %div3A_339 = arith.divf %exp3A, %add3A_338 : vector<128x128xf32>
    %mul3A_340 = arith.mulf %div3A_339, %add3A_51 : vector<128x128xf32>
    %div3A_341 = arith.divf %exp3A_319, %add3A_338 : vector<128x128xf32>
    %mul3A_342 = arith.mulf %div3A_341, %add3A_88 : vector<128x128xf32>
    %add3A_343 = arith.addf %mul3A_340, %mul3A_342 : vector<128x128xf32>
    %div3A_344 = arith.divf %exp3A_321, %add3A_338 : vector<128x128xf32>
    %mul3A_345 = arith.mulf %div3A_344, %add3A_125 : vector<128x128xf32>
    %add3A_346 = arith.addf %add3A_343, %mul3A_345 : vector<128x128xf32>
    %div3A_347 = arith.divf %exp3A_323, %add3A_338 : vector<128x128xf32>
    %mul3A_348 = arith.mulf %div3A_347, %add3A_162 : vector<128x128xf32>
    %add3A_349 = arith.addf %add3A_346, %mul3A_348 : vector<128x128xf32>
    %div3A_350 = arith.divf %exp3A_325, %add3A_338 : vector<128x128xf32>
    %mul3A_351 = arith.mulf %div3A_350, %add3A_199 : vector<128x128xf32>
    %add3A_352 = arith.addf %add3A_349, %mul3A_351 : vector<128x128xf32>
    %div3A_353 = arith.divf %exp3A_327, %add3A_338 : vector<128x128xf32>
    %mul3A_354 = arith.mulf %div3A_353, %add3A_236 : vector<128x128xf32>
    %add3A_355 = arith.addf %add3A_352, %mul3A_354 : vector<128x128xf32>
    %div3A_356 = arith.divf %exp3A_329, %add3A_338 : vector<128x128xf32>
    %mul3A_357 = arith.mulf %div3A_356, %add3A_273 : vector<128x128xf32>
    %add3A_358 = arith.addf %add3A_355, %mul3A_357 : vector<128x128xf32>
    %div3A_359 = arith.divf %exp3A_331, %add3A_338 : vector<128x128xf32>
    %mul3A_360 = arith.mulf %div3A_359, %add3A_310 : vector<128x128xf32>
    %add3A_361 = arith.addf %add3A_358, %mul3A_360 : vector<128x128xf32>
    %add3A_362 = arith.addf %add3A_361, %get3A_1 : vector<128x128xf32>
    %reduce_sum3A = arith.constant dense<0.000000e+00> : vector<128xf32>
    %reduce_sum3A_363 = vector.multi_reduction <add>, %add3A_362, %reduce_sum3A [1] : vector<128x128xf32> to vector<128xf32>
    %broadcast_in_dim3A = vector.shape_cast %reduce_sum3A_363 : vector<128xf32> to vector<128x1xf32>
    %div3A_364 = arith.constant 1.280000e+02 : f32
    %div3A_365 = vector.broadcast %div3A_364 : f32 to vector<128x1xf32>
    %div3A_366 = arith.divf %broadcast_in_dim3A, %div3A_365 : vector<128x1xf32>
    %sub3A_367 = vector.broadcast %div3A_366 : vector<128x1xf32> to vector<128x128xf32>
    %sub3A_368 = arith.subf %add3A_362, %sub3A_367 : vector<128x128xf32>
    %integer_pow3A = arith.mulf %sub3A_368, %sub3A_368 : vector<128x128xf32>
    %reduce_sum3A_369 = arith.constant dense<0.000000e+00> : vector<128xf32>
    %reduce_sum3A_370 = vector.multi_reduction <add>, %integer_pow3A, %reduce_sum3A_369 [1] : vector<128x128xf32> to vector<128xf32>
    %broadcast_in_dim3A_371 = vector.shape_cast %reduce_sum3A_370 : vector<128xf32> to vector<128x1xf32>
    %div3A_372 = arith.constant 1.280000e+02 : f32
    %div3A_373 = vector.broadcast %div3A_372 : f32 to vector<128x1xf32>
    %div3A_374 = arith.divf %broadcast_in_dim3A_371, %div3A_373 : vector<128x1xf32>
    %sub3A_375 = vector.broadcast %div3A_366 : vector<128x1xf32> to vector<128x128xf32>
    %sub3A_376 = arith.subf %add3A_362, %sub3A_375 : vector<128x128xf32>
    %add3A_377 = arith.constant 9.99999974E-6 : f32
    %add3A_378 = vector.broadcast %add3A_377 : f32 to vector<128x1xf32>
    %add3A_379 = arith.addf %div3A_374, %add3A_378 : vector<128x1xf32>
    %sqrt3A = math.sqrt %add3A_379 : vector<128x1xf32>
    %div3A_380 = vector.broadcast %sqrt3A : vector<128x1xf32> to vector<128x128xf32>
    %div3A_381 = arith.divf %sub3A_376, %div3A_380 : vector<128x128xf32>
    %mul3A_382 = vector.broadcast %get3A_16 : vector<1x128xf32> to vector<128x128xf32>
    %mul3A_383 = arith.mulf %div3A_381, %mul3A_382 : vector<128x128xf32>
    %add3A_384 = vector.broadcast %get3A_19 : vector<1x128xf32> to vector<128x128xf32>
    %add3A_385 = arith.addf %mul3A_383, %add3A_384 : vector<128x128xf32>
    %swap3A = arith.constant 0 : index
    %swap3A_386 = arith.constant 0 : index
    %swap3A_387 = vector.load %arg7[%swap3A, %swap3A_386] : memref<128x128xf32, #tpu.memory_space<vmem>>, vector<128x128xf32>
    tpu.vector_store %arg7[%swap3A, %swap3A_386], %add3A_385 {strides = array<i32>} : memref<128x128xf32, #tpu.memory_space<vmem>>, vector<128x128xf32>,
    return
  }
  func.func @transform_0(%arg0: i32) -> (i32, i32) {
    %c0_i32 = arith.constant 0 : i32
    %c0_i32_0 = arith.constant 0 : i32
    return %arg0, %c0_i32 : i32, i32
  }
  func.func @transform_1(%arg0: i32) -> (i32, i32, i32) {
    %c0_i32 = arith.constant 0 : i32
    %c0_i32_0 = arith.constant 0 : i32
    %c0_i32_1 = arith.constant 0 : i32
    return %c0_i32, %arg0, %c0_i32_0 : i32, i32, i32
  }
  func.func @transform_2(%arg0: i32) -> (i32, i32) {
    %c0_i32 = arith.constant 0 : i32
    %c0_i32_0 = arith.constant 0 : i32
    %c0_i32_1 = arith.constant 0 : i32
    return %c0_i32, %c0_i32_0 : i32, i32
  }
  func.func @transform_3(%arg0: i32) -> (i32, i32) {
    %c0_i32 = arith.constant 0 : i32
    %c0_i32_0 = arith.constant 0 : i32
    %c0_i32_1 = arith.constant 0 : i32
    return %c0_i32, %c0_i32_0 : i32, i32
  }
  func.func @transform_4(%arg0: i32) -> (i32, i32) {
    %c0_i32 = arith.constant 0 : i32
    %c0_i32_0 = arith.constant 0 : i32
    %c0_i32_1 = arith.constant 0 : i32
    return %c0_i32, %c0_i32_0 : i32, i32
  }
  func.func @transform_5(%arg0: i32) -> (i32, i32) {
    %c0_i32 = arith.constant 0 : i32
    %c0_i32_0 = arith.constant 0 : i32
    %c0_i32_1 = arith.constant 0 : i32
    return %c0_i32, %c0_i32_0 : i32, i32
  }
  func.func @transform_6(%arg0: i32) -> (i32, i32) {
    %c0_i32 = arith.constant 0 : i32
    %c0_i32_0 = arith.constant 0 : i32
    return %arg0, %c0_i32 : i32, i32
  }
}

</mosaic_0001>

<sc_bundles>
// kernel: kernel.5.cloned.1.call-start
scs
__scs_entry_jumppad:
0x0: {  	(pc) =	sbr.rel $0x88, $3  }
0x1: {  	(tag) =	ssettag $0x0;
	lr =	simm.s32 $0x1  }
0x2: {  	[smem:$0x3F97] =	sst lr;
	_ =	strace $0xD0000000  }
0x3: {  	_ = 	snop  }
0x4: {  	_ = 	snop  }
0x5: {  	_ = 	snop  }
0x6: {  	_ = 	snop  }
0x7: {  	_ = 	snop  }
__scs_overlays_trampoline_lowered:
0x8: {  	[smem:$0x3FA6] =	sst s0  }
0x9: {  	[smem:$0x3FA7] =	sst s1  }
0xa: {  	[smem:$0x3FA8] =	sst s2  }
0xb: {  	[smem:$0x3FA9] =	sst s3  }
0xc: {  	[smem:$0x3FAA] =	sst s4  }
0xd: {  	[smem:$0x3FAB] =	sst s5  }
0xe: {  	[smem:$0x3FAC] =	sst s6  }
0xf: {  	[smem:$0x3FAD] =	sst s7  }
0x10: {  	[smem:$0x3FAE] =	sst s8  }
0x11: {  	[smem:$0x3FAF] =	sst s9;
	s0 =	simm.s32 @!p0 $0x0  }
0x12: {  	s1 =	sld [smem:$0x3F95];
	s0 =	simm.s32 @p0 $0x1  }
0x13: {  	[smem:$0x3FB0] =	sst s0;
	s0 =	simm.s32 @!p1 $0x0  }
0x14: {  	s2 =	sld [smem:$0x3F94];
	s0 =	simm.s32 @p1 $0x1  }
0x15: {  	[smem:$0x3FB1] =	sst s0;
	s0 =	simm.s32 @!p2 $0x0  }
0x16: {  	s3 =	sld [smem:$0x3FDB];
	s0 =	simm.s32 @p2 $0x1  }
0x17: {  	s4 =	simm.s32 $0x1BF5;
	[smem:$0x3FB3] =	sst s0  }
0x18: {  	s0 =	sld [smem:$0x3F96];
	_ =	swait.ge [sflag:s4], $0x0  }
0x19: {  	s7 =	sld [smem:$0x3F97]  }
0x1a: {  	s8 =	sadd.s32 $0xFFFFE003, lr  }
0x1b: {  	s9 =	sadd.s32 $0xFFFFFEF7, lr;
	s5 =	simm.s32 $0xFFFFFFFF;
	p2 =	slt.u32 s8, $0xFFFFF086  }
0x1c: {  	p1 =	slt.u32 s9, $0xF7A;
	s5 =	simm.s32 @!p2 $0x0  }
0x1d: {  	s5 =	simm.s32 @p1 $0x1;
	p0 =	seq.s32 s7, s2  }
0x1e: {  	s7 =	smul.u32 @!p0 $0xF7A, s2;
	p2 =	seq.s32 @!p0 s5, $0x0  }
0x1f: {  	s9 =	smul.u32 $0xF7A, s1;
	s8 =	simm.s32 @!p0 $0x1BF5;
	p2 =	por !p2, p0  }
0x20: {  	[sflag:s8] =	ssyncset.s32 @!p0 $0xFFFFF086;
	s6 =	sadd.s32 @!p0 s3, s7;
	s7 =	simm.s32 @!p0 $0x108  }
0x21: {  	s3 =	sadd.s32 s3, s9;
	s6 =	sadd.s32 @!p0 $0x88, s6;
	s7 =	simm.s32 @p2 $0x1082  }
0x22: {  	[simem:s7], [sflag:s8] =	dma.local @!p0 [hbm:s6], $0xF7A  }
0x23: {  	s9 =	sor.u32 $0xD0000000, s2;
	s6 =	simm.s32 $0x108;
	_ =	swait.ge @!p0 [sflag:s8], $0x0  }
0x24: {  	s3 =	sadd.s32 $0x88, s3;
	s6 =	simm.s32 @!p1 $0x1082;
	[sflag:s4] =	ssyncset.s32 $0xFFFFF086  }
0x25: {  	[simem:s6], [sflag:s4] =	dma.local [hbm:s3], $0xF7A  }
0x26: {  	[smem:$0x3F97] =	sst s1;
	(tag) =	ssettag s2;
	_ =	strace s9  }
0x27: {  	s1 =	sld [smem:$0x3FA7]  }
0x28: {  	s2 =	sld [smem:$0x3FA8]  }
0x29: {  	s4 =	sld [smem:$0x3FAA]  }
0x2a: {  	p0 =	seq.s32 s5, $0x0;
	s5 =	sld [smem:$0x3FAB]  }
0x2b: {  	s6 =	sld [smem:$0x3FAC]  }
0x2c: {  	s7 =	sld [smem:$0x3FAD]  }
0x2d: {  	s3 =	simm.s32 $0x108;
	s8 =	sld [smem:$0x3FAE]  }
0x2e: {  	s3 =	simm.s32 @!p0 $0x1082;
	s9 =	sld [smem:$0x3FAF]  }
0x2f: {  	lr =	sadd.s32 s0, s3;
	s0 =	sld [smem:$0x3FA6]  }
0x30: {  	s3 =	sld [smem:$0x3FA9]  }
0x31: {  	[smem:$0x3FB2] =	sst s10  }
0x32: {  	s10 =	sld [smem:$0x3FB0];
	_ =	sdelay $0x3  }
0x33: {  	p0 =	seq.s32 s10, $0x1;
	s10 =	sld [smem:$0x3FB2];
	_ =	sdelay $0x3  }
0x34: {  	[smem:$0x3FB2] =	sst s10  }
0x35: {  	s10 =	sld [smem:$0x3FB1];
	_ =	sdelay $0x3  }
0x36: {  	p1 =	seq.s32 s10, $0x1;
	s10 =	sld [smem:$0x3FB2];
	_ =	sdelay $0x3  }
0x37: {  	[smem:$0x3FB2] =	sst s10  }
0x38: {  	s10 =	sld [smem:$0x3FB3]  }
0x39: {  	_ = 	snop;
	(pc) =	sbr.ind lr, $3  }
0x3a: {  	_ = 	snop  }
0x3b: {  	_ = 	snop  }
0x3c: {  	p2 =	seq.s32 s10, $0x1;
	s10 =	sld [smem:$0x3FB2]  }
0x3d: {  	_ =	shalt  }
0x3e: {  	_ =	shalt  }
0x3f: {  	_ =	shalt  }
0x40: {  	_ =	shalt  }
0x41: {  	_ =	shalt  }
0x42: {  	_ =	shalt  }
0x43: {  	_ =	shalt  }
0x44: {  	_ =	shalt  }
0x45: {  	_ =	shalt  }
0x46: {  	_ =	shalt  }
0x47: {  	_ =	shalt  }
0x48: {  	_ =	shalt  }
0x49: {  	_ =	shalt  }
0x4a: {  	_ =	shalt  }
0x4b: {  	_ =	shalt  }
0x4c: {  	_ =	shalt  }
0x4d: {  	_ =	shalt  }
0x4e: {  	_ =	shalt  }
0x4f: {  	_ =	shalt  }
0x50: {  	_ =	shalt  }
0x51: {  	_ =	shalt  }
0x52: {  	_ =	shalt  }
0x53: {  	_ =	shalt  }
0x54: {  	_ =	shalt  }
0x55: {  	_ =	shalt  }
0x56: {  	_ =	shalt  }
0x57: {  	_ =	shalt  }
0x58: {  	_ =	shalt  }
0x59: {  	_ =	shalt  }
0x5a: {  	_ =	shalt  }
0x5b: {  	_ =	shalt  }
0x5c: {  	_ =	shalt  }
0x5d: {  	_ =	shalt  }
0x5e: {  	_ =	shalt  }
0x5f: {  	_ =	shalt  }
0x60: {  	_ =	shalt  }
0x61: {  	_ =	shalt  }
0x62: {  	_ =	shalt  }
0x63: {  	_ =	shalt  }
0x64: {  	_ =	shalt  }
0x65: {  	_ =	shalt  }
0x66: {  	_ =	shalt  }
0x67: {  	_ =	shalt  }
0x68: {  	_ =	shalt  }
0x69: {  	_ =	shalt  }
0x6a: {  	_ =	shalt  }
0x6b: {  	_ =	shalt  }
0x6c: {  	_ =	shalt  }
0x6d: {  	_ =	shalt  }
0x6e: {  	_ =	shalt  }
0x6f: {  	_ =	shalt  }
0x70: {  	_ =	shalt  }
0x71: {  	_ =	shalt  }
0x72: {  	_ =	shalt  }
0x73: {  	_ =	shalt  }
0x74: {  	_ =	shalt  }
0x75: {  	_ =	shalt  }
0x76: {  	_ =	shalt  }
0x77: {  	_ =	shalt  }
0x78: {  	_ =	shalt  }
0x79: {  	_ =	shalt  }
0x7a: {  	_ =	shalt  }
0x7b: {  	_ =	shalt  }
0x7c: {  	_ =	shalt  }
0x7d: {  	_ =	shalt  }
0x7e: {  	_ =	shalt  }
0x7f: {  	_ =	shalt  }
0x80: {  	_ =	shalt  }
0x81: {  	_ =	shalt  }
0x82: {  	_ =	shalt  }
0x83: {  	_ =	shalt  }
0x84: {  	_ =	shalt  }
0x85: {  	_ =	shalt  }
0x86: {  	_ =	shalt  }
0x87: {  	_ =	shalt  }
.Lfunc_end0:
.L_simem_size_0:
called_computation_lowered:
.L_overlay_start_0:
0x88: {  	s2 =	sld [smem:$0x3FD9]  }
0x89: {  	s3 =	sld [smem:$0x3FFE];
	_ =	sdelay $0x1  }
0x8a: {  	s1 =	srdreg.scid  }
0x8b: {  	s0 =	sand.u32 $0x1, s1  }
0x8c: {  	s17 =	sshll.u32 s0, $0xA;
	s2 =	sadd.s32 s3, s2  }
0x8d: {  	s2 =	sadd.s32 s2, s17  }
0x8e: {  	[smem:$0x3FBE] =	sst s2  }
0x8f: {  	_ = 	snop  }
0x90: {  	s2 =	sld [smem:$0x3FD0];
	(tm) =	ssettm $0x1  }
0x91: {  	s18 =	sld [smem:$0x3FFB];
	_ =	sdelay $0x3  }
0x92: {  	_ =	strace s18  }
0x93: {  	s3 =	sld [smem:$0x3FFC];
	_ =	sdelay $0x3  }
0x94: {  	_ =	strace s3  }
0x95: {  	s3 =	sld [smem:$0x3FFD];
	_ =	sdelay $0x3  }
0x96: {  	_ =	strace s3  }
0x97: {  	_ =	strace $0x8FFFFFFF  }
0x98: {  	s19 =	sld [smem:$0x3FDB];
	_ =	sdelay $0x1  }
0x99: {  	s4 =	simm.s32 $_scs_section_size  }
0x9a: {  	s5 =	simm.s32 $_size__tile_overlayer_lowered;
	s6 =	simm.s32 $_tile_overlayer_lowered  }
0x9b: {  	s22 =	simm.s32 $0x1BFF;
	s21 =	sshll.u32 s6, $0x1;
	s3 =	sadd.s32 s4, s19  }
0x9c: {  	s7 =	simm.s32 $0x0;
	s20 =	sshll.u32 s5, $0x1;
	s5 =	sadd.s32 s21, s3  }
0x9d: {  	[timem:s7], [sflag:s22] =	dma.local [hbm:s5], s20  }
0x9e: {  	_ =	swait.ge [sflag:s22], s20  }
0x9f: {  	s4 =	ssub.s32 $0x0, s20;
	[sflag:s22] =	ssyncset.done $0x0  }
0xa0: {  	[sflag:s22] =	ssyncadd.s32 s4;
	_ =	sdelay $0x1  }
0xa1: {  	s23 =	simm.s32 $0x1B8B  }
0xa2: {  	_ =	swait.ge [sflag:s23], $0x1  }
0xa3: {  	[sflag:s23] =	ssyncset.done $0x0  }
0xa4: {  	s25 =	simm.s32 $0x1B8E;
	s24 =	sld [smem:$0x3FFE];
	[sflag:s23] =	ssyncadd.s32 $0xFFFFFFFF  }
0xa5: {  	s26 =	simm.s32 $execute0_lowered;
	[smem:$0x3FD2] =	sst s25  }
0xa6: {  	s5 =	sshll.u32 s26, $0x1;
	_ =	strace $0x80000046;
	[dreg:$0x1] =	wrdreg $0xFFFFFFFF  }
0xa7: {  	s28 =	simm.s32 $_size_execute0_lowered;
	s3 =	sadd.s32 s3, s5;
	[dreg:$0x0] =	wrdreg $0x0  }
0xa8: {  	s5 =	sshll.u32 s28, $0x1;
	[dreg:$0x2] =	wrdreg s3  }
0xa9: {  	[dreg:$0x3] =	wrdreg s5  }
0xaa: {  	[dreg:$0x4] =	wrdreg $0xC0  }
0xab: {  	_ =	task [dreg:s7], $0x5FFFF  }
0xac: {  	[dreg:$0x1] =	wrdreg $0xFFFFFFFF  }
0xad: {  	[dreg:$0x0] =	wrdreg $0x60  }
0xae: {  	[dreg:$0x2] =	wrdreg s24  }
0xaf: {  	[dreg:$0x3] =	wrdreg s2  }
0xb0: {  	[dreg:$0x4] =	wrdreg $0x9  }
0xb1: {  	_ =	task.clear_ibuf [dreg:s7], $0x5FFFF;
	_ =	strace $0x90000046  }
0xb2: {  	s29 =	simm.s32 $0x9;
	_ =	strace $0x80000048  }
0xb3: {  	_ =	swait.ge [sflag:s29], $0x1  }
0xb4: {  	[sflag:s29] =	ssyncadd.s32 $0xFFFFFFFF  }
0xb5: {  	_ =	strace $0x90000048  }
0xb6: {  	_ =	sfence  }
0xb7: {  	s30 =	sld [smem:$0x0];
	_ =	sdelay $0x2  }
0xb8: {  	s31 =	sshll.u32 s1, $0xD;
	s1 =	sshrl.u32 s1, $0x2  }
0xb9: {  	s3 =	sand.u32 $0x4000, s31;
	s1 =	sadd.s32 s1, s30  }
0xba: {  	s0 =	sor.u32 s3, s0;
	s1 =	sshll.u32 s1, $0x11  }
0xbb: {  	s0 =	sor.u32 s1, s0  }
0xbc: {  	s0 =	sadd.s32 $0x8F2B, s0  }
0xbd: {  	[sflag:s0] =	ssyncadd.remote.s32 $0x1  }
0xbe: {  	_ =	sfence.sel $0xFFFF  }
0xbf: {  	[dreg:$0x0] =	wrdreg $0xFFFFFFFF;
	(pc) =	sbr.abs _section_cstart, $3  }
0xc0: {  	[dreg:$0x1] =	wrdreg $0xFFFFFFFF  }
0xc1: {  	_ =	task.clear_ibuf [dreg:s7], $0x2FFFF;
	_ =	strace $0x9FFFFFFF  }
0xc2: {  	(tm) =	ssettm $0x7FFFFFFF  }
0xc3: {  	_ =	shalt  }
tec
execute0_lowered:
.L_overlay_start_1:
0x0: {  	(tag) =	ssettag $0x1  }
0x1: {  	s0 =	srdreg.scid;
	s2 =	stileid.u32  }
0x2: {  	s0 =	sand.u32 $0x1, s0;
	s2 =	sshll.u32 s2, $0x1  }
0x3: {  	s1 =	rddreg [dreg:$0x0];
	s4 =	sor.u32 s0, s2  }
0x4: {  	s3 =	rddreg [dreg:$0x1];
	s5 =	smul.u32 $0x140, s4  }
0x5: {  	s7 =	sadd.s32 $0x52800, s1;
	s2 =	simm.s32 $0x0;
	s6 =	smul.u32 $0x14000, s4  }
0x6: {  	[smem:$0x7FF] =	sst s2;
	s4 =	smul.u32 $0xA0000, s4;
	s3 =	sadd.s32 s3, s5  }
0x7: {  	_ =	strace $0x80000047;
	s10 =	sadd.s32 s7, s6;
	[dreg:$0x3] =	wrdreg s3  }
0x8: {  	s11 =	sadd.s32 $0x1000, s10;
	[dreg:$0x17] =	wrdreg s10  }
0x9: {  	s4 =	sshrl.u32 s4, $0x3;
	s12 =	sadd.s32 $0x2000, s10;
	[dreg:$0x4] =	wrdreg s11  }
0xa: {  	s13 =	sadd.s32 $0x3000, s10;
	s4 =	sadd.s32 s7, s4;
	[dreg:$0x5] =	wrdreg s12  }
0xb: {  	[dreg:$0x6] =	wrdreg s13;
	s14 =	sadd.s32 $0x4000, s4  }
0xc: {  	s15 =	sadd.s32 $0x5000, s4;
	[dreg:$0x7] =	wrdreg s14  }
0xd: {  	s16 =	sadd.s32 $0x6000, s4;
	[dreg:$0x8] =	wrdreg s15  }
0xe: {  	s17 =	sadd.s32 $0x7000, s4;
	[dreg:$0x9] =	wrdreg s16  }
0xf: {  	s18 =	sadd.s32 $0x8000, s4;
	[dreg:$0xa] =	wrdreg s17  }
0x10: {  	s19 =	sadd.s32 $0x9000, s4;
	[dreg:$0xb] =	wrdreg s18  }
0x11: {  	s20 =	sadd.s32 $0xA000, s4;
	[dreg:$0xc] =	wrdreg s19  }
0x12: {  	s21 =	sadd.s32 $0xB000, s4;
	[dreg:$0xd] =	wrdreg s20  }
0x13: {  	s0 =	ssub.s32 $0x2, s0;
	s22 =	sadd.s32 $0xC000, s4;
	[dreg:$0xe] =	wrdreg s21  }
0x14: {  	s30 =	sshrl.u32 s0, $0x1;
	s23 =	sadd.s32 $0xD000, s4;
	[dreg:$0xf] =	wrdreg s22  }
0x15: {  	s0 =	ssub.s32 s0, s30;
	s24 =	sadd.s32 $0xE000, s4;
	[dreg:$0x10] =	wrdreg s23  }
0x16: {  	s0 =	smax.u32 s0, $0x1;
	s25 =	sadd.s32 $0xF000, s4;
	[dreg:$0x11] =	wrdreg s24  }
0x17: {  	s6 =	simm.s32 $0x3;
	s26 =	sadd.s32 $0x10000, s4;
	[dreg:$0x12] =	wrdreg s25  }
0x18: {  	s7 =	simm.s32 $0xA00;
	s28 =	sadd.s32 $0x11000, s4;
	[dreg:$0x13] =	wrdreg s26  }
0x19: {  	v2 =	vlaneseq.u32;
	s29 =	sadd.s32 $0x12000, s4;
	s31 =	sadd.s32 $0x13000, s4;
	[dreg:$0x14] =	wrdreg s28  }
0x1a: {  	vm0 =	vmmov $0xffff;
	v1 =	vshrl.u32 v2, $0x3;
	s4 =	sadd.s32 $0x2800, s1;
	s13 =	simm.s32 $0x1;
	[dreg:$0x15] =	wrdreg s29  }
0x1b: {  	v0 =	vand.u32 $0x7, v2;
	v2 =	vor.u32 $0x8, v2;
	v1 =	vmul.u32 $0x8, v1;
	[dreg:$0x16] =	wrdreg s31;
	s23 =	simm.s32 $0x8A00;
	s14 =	simm.s32 $0x2  }
.LBB2_1:
0x1c: {  	[dreg:$0x18] =	wrdreg s0  }
0x1d: {  	s15 =	rddreg [dreg:$0x3]  }
0x1e: {  	[tilespmem:s2], [sflag:$0x3] =	stream.linear.gather [hbm4b:s15+s2], $0xA00, $0x38;
	[tilespmem:$0x10A00] =	vst v63  }
0x1f: {  	_ =	swait.ge [sflag:s6], $0xA00  }
0x20: {  	[sflag:s6] =	ssyncset.done $0x0  }
0x21: {  	[sflag:s6] =	ssyncadd.s32 $0xFFFFF600  }
0x22: {  	v3 =	vld [tilespmem:$0x0];
	_ =	sdelay $0x4  }
0x23: {  	v4 =	vshll.u32 v3, $0x1  }
0x24: {  	v3 =	vand.u32 $0x7, v3;
	v4 =	vand.u32 $0xFFFFFFF0, v4  }
0x25: {  	v3 =	vor.u32 v3, v4  }
0x26: {  	v4 =	vperm.xlane v3, v0;
	_ =	sdelay $0x1  }
0x27: {  	v3 =	vperm.xlane v3, v2;
	v4 =	vadd.s32 v1, v4;
	_ =	sdelay $0x1  }
0x28: {  	v3 =	vadd.s32 v1, v3;
	_ =	sdelay $0x2  }
0x29: {  	[tilespmem:s7], [sflag:$0x1] =	stream.indirect_vreg.gather [hbm4b:s4+s2], $0x80, v4, vm0, $0xb8;
	[tilespmem:$0x10A00] =	vst v63  }
0x2a: {  	s3 =	simm.s32 $0x1200  }
0x2b: {  	[tilespmem:s3], [sflag:$0x1] =	stream.indirect_vreg.gather [hbm4b:s4+s2], $0x80, v3, vm0, $0xb8;
	[tilespmem:$0x10A00] =	vst v63  }
0x2c: {  	v3 =	vld [tilespmem:$0x10];
	_ =	sdelay $0x4  }
0x2d: {  	v17 =	vshll.u32 v3, $0x1  }
0x2e: {  	v3 =	vand.u32 $0x7, v3;
	v4 =	vand.u32 $0xFFFFFFF0, v17  }
0x2f: {  	v3 =	vor.u32 v3, v4  }
0x30: {  	v4 =	vperm.xlane v3, v0;
	_ =	sdelay $0x1  }
0x31: {  	v3 =	vperm.xlane v3, v2;
	v4 =	vadd.s32 v1, v4;
	_ =	sdelay $0x1  }
0x32: {  	v3 =	vadd.s32 v1, v3;
	_ =	sdelay $0x1  }
0x33: {  	s5 =	simm.s32 $0x1A00  }
0x34: {  	[tilespmem:s5], [sflag:$0x1] =	stream.indirect_vreg.gather [hbm4b:s4+s2], $0x80, v4, vm0, $0xb8;
	[tilespmem:$0x10A00] =	vst v63  }
0x35: {  	s8 =	simm.s32 $0x2200  }
0x36: {  	[tilespmem:s8], [sflag:$0x1] =	stream.indirect_vreg.gather [hbm4b:s4+s2], $0x80, v3, vm0, $0xb8;
	[tilespmem:$0x10A00] =	vst v63  }
0x37: {  	v3 =	vld [tilespmem:$0x20];
	_ =	sdelay $0x4  }
0x38: {  	v18 =	vshll.u32 v3, $0x1  }
0x39: {  	v3 =	vand.u32 $0x7, v3;
	v4 =	vand.u32 $0xFFFFFFF0, v18  }
0x3a: {  	v3 =	vor.u32 v3, v4  }
0x3b: {  	v4 =	vperm.xlane v3, v0;
	_ =	sdelay $0x1  }
0x3c: {  	v3 =	vperm.xlane v3, v2;
	v4 =	vadd.s32 v1, v4;
	_ =	sdelay $0x1  }
0x3d: {  	v3 =	vadd.s32 v1, v3;
	_ =	sdelay $0x1  }
0x3e: {  	s9 =	simm.s32 $0x2A00  }
0x3f: {  	[tilespmem:s9], [sflag:$0x1] =	stream.indirect_vreg.gather [hbm4b:s4+s2], $0x80, v4, vm0, $0xb8;
	[tilespmem:$0x10A00] =	vst v63  }
0x40: {  	s10 =	simm.s32 $0x3200  }
0x41: {  	[tilespmem:s10], [sflag:$0x1] =	stream.indirect_vreg.gather [hbm4b:s4+s2], $0x80, v3, vm0, $0xb8;
	[tilespmem:$0x10A00] =	vst v63  }
0x42: {  	v3 =	vld [tilespmem:$0x30];
	_ =	sdelay $0x4  }
0x43: {  	v19 =	vshll.u32 v3, $0x1  }
0x44: {  	v3 =	vand.u32 $0x7, v3;
	v4 =	vand.u32 $0xFFFFFFF0, v19  }
0x45: {  	v3 =	vor.u32 v3, v4  }
0x46: {  	v4 =	vperm.xlane v3, v0;
	_ =	sdelay $0x1  }
0x47: {  	v3 =	vperm.xlane v3, v2;
	v4 =	vadd.s32 v1, v4;
	_ =	sdelay $0x1  }
0x48: {  	v3 =	vadd.s32 v1, v3;
	_ =	sdelay $0x1  }
0x49: {  	s11 =	simm.s32 $0x3A00  }
0x4a: {  	[tilespmem:s11], [sflag:$0x1] =	stream.indirect_vreg.gather [hbm4b:s4+s2], $0x80, v4, vm0, $0xb8;
	[tilespmem:$0x10A00] =	vst v63  }
0x4b: {  	s12 =	simm.s32 $0x4200  }
0x4c: {  	[tilespmem:s12], [sflag:$0x1] =	stream.indirect_vreg.gather [hbm4b:s4+s2], $0x80, v3, vm0, $0xb8;
	[tilespmem:$0x10A00] =	vst v63  }
0x4d: {  	v3 =	vld [tilespmem:$0x40];
	_ =	sdelay $0x4  }
0x4e: {  	v20 =	vshll.u32 v3, $0x1  }
0x4f: {  	v3 =	vand.u32 $0x7, v3;
	v4 =	vand.u32 $0xFFFFFFF0, v20  }
0x50: {  	v3 =	vor.u32 v3, v4  }
0x51: {  	v4 =	vperm.xlane v3, v0;
	_ =	sdelay $0x1  }
0x52: {  	v3 =	vperm.xlane v3, v2;
	v4 =	vadd.s32 v1, v4;
	_ =	sdelay $0x1  }
0x53: {  	v3 =	vadd.s32 v1, v3;
	_ =	sdelay $0x1  }
0x54: {  	s15 =	simm.s32 $0x4A00  }
0x55: {  	[tilespmem:s15], [sflag:$0x1] =	stream.indirect_vreg.gather [hbm4b:s4+s2], $0x80, v4, vm0, $0xb8;
	[tilespmem:$0x10A00] =	vst v63  }
0x56: {  	s16 =	simm.s32 $0x5200  }
0x57: {  	[tilespmem:s16], [sflag:$0x1] =	stream.indirect_vreg.gather [hbm4b:s4+s2], $0x80, v3, vm0, $0xb8;
	[tilespmem:$0x10A00] =	vst v63  }
0x58: {  	v3 =	vld [tilespmem:$0x50];
	_ =	sdelay $0x4  }
0x59: {  	v21 =	vshll.u32 v3, $0x1  }
0x5a: {  	v3 =	vand.u32 $0x7, v3;
	v4 =	vand.u32 $0xFFFFFFF0, v21  }
0x5b: {  	v3 =	vor.u32 v3, v4  }
0x5c: {  	v4 =	vperm.xlane v3, v0;
	_ =	sdelay $0x1  }
0x5d: {  	v3 =	vperm.xlane v3, v2;
	v4 =	vadd.s32 v1, v4;
	_ =	sdelay $0x1  }
0x5e: {  	v3 =	vadd.s32 v1, v3;
	_ =	sdelay $0x1  }
0x5f: {  	s17 =	simm.s32 $0x5A00  }
0x60: {  	[tilespmem:s17], [sflag:$0x1] =	stream.indirect_vreg.gather [hbm4b:s4+s2], $0x80, v4, vm0, $0xb8;
	[tilespmem:$0x10A00] =	vst v63  }
0x61: {  	s19 =	simm.s32 $0x6200  }
0x62: {  	[tilespmem:s19], [sflag:$0x1] =	stream.indirect_vreg.gather [hbm4b:s4+s2], $0x80, v3, vm0, $0xb8;
	[tilespmem:$0x10A00] =	vst v63  }
0x63: {  	v3 =	vld [tilespmem:$0x60];
	_ =	sdelay $0x4  }
0x64: {  	v22 =	vshll.u32 v3, $0x1  }
0x65: {  	v3 =	vand.u32 $0x7, v3;
	v4 =	vand.u32 $0xFFFFFFF0, v22  }
0x66: {  	v3 =	vor.u32 v3, v4  }
0x67: {  	v4 =	vperm.xlane v3, v0;
	_ =	sdelay $0x1  }
0x68: {  	v3 =	vperm.xlane v3, v2;
	v4 =	vadd.s32 v1, v4;
	_ =	sdelay $0x1  }
0x69: {  	v3 =	vadd.s32 v1, v3;
	_ =	sdelay $0x1  }
0x6a: {  	s22 =	simm.s32 $0x6A00  }
0x6b: {  	[tilespmem:s22], [sflag:$0x1] =	stream.indirect_vreg.gather [hbm4b:s4+s2], $0x80, v4, vm0, $0xb8;
	[tilespmem:$0x10A00] =	vst v63  }
0x6c: {  	s26 =	simm.s32 $0x7200  }
0x6d: {  	[tilespmem:s26], [sflag:$0x1] =	stream.indirect_vreg.gather [hbm4b:s4+s2], $0x80, v3, vm0, $0xb8;
	[tilespmem:$0x10A00] =	vst v63  }
0x6e: {  	v3 =	vld [tilespmem:$0x70];
	_ =	sdelay $0x4  }
0x6f: {  	v23 =	vshll.u32 v3, $0x1  }
0x70: {  	v3 =	vand.u32 $0x7, v3;
	v4 =	vand.u32 $0xFFFFFFF0, v23  }
0x71: {  	v3 =	vor.u32 v3, v4  }
0x72: {  	v4 =	vperm.xlane v3, v0;
	_ =	sdelay $0x1  }
0x73: {  	v3 =	vperm.xlane v3, v2;
	v4 =	vadd.s32 v1, v4;
	_ =	sdelay $0x1  }
0x74: {  	v3 =	vadd.s32 v1, v3;
	_ =	sdelay $0x1  }
0x75: {  	s28 =	simm.s32 $0x7A00  }
0x76: {  	[tilespmem:s28], [sflag:$0x1] =	stream.indirect_vreg.gather [hbm4b:s4+s2], $0x80, v4, vm0, $0xb8;
	[tilespmem:$0x10A00] =	vst v63  }
0x77: {  	s29 =	simm.s32 $0x8200  }
0x78: {  	[tilespmem:s29], [sflag:$0x1] =	stream.indirect_vreg.gather [hbm4b:s4+s2], $0x80, v3, vm0, $0xb8;
	[tilespmem:$0x10A00] =	vst v63  }
0x79: {  	v3 =	vld [tilespmem:$0x80];
	_ =	sdelay $0x4  }
0x7a: {  	v24 =	vshll.u32 v3, $0x1  }
0x7b: {  	v3 =	vand.u32 $0x7, v3;
	v4 =	vand.u32 $0xFFFFFFF0, v24  }
0x7c: {  	v3 =	vor.u32 v3, v4  }
0x7d: {  	v4 =	vperm.xlane v3, v0;
	_ =	sdelay $0x1  }
0x7e: {  	v3 =	vperm.xlane v3, v2;
	v4 =	vadd.s32 v1, v4;
	_ =	sdelay $0x1  }
0x7f: {  	v3 =	vadd.s32 v1, v3;
	_ =	sdelay $0x2  }
0x80: {  	[tilespmem:s23], [sflag:$0x2] =	stream.indirect_vreg.gather [hbm4b:s4+s2], $0x80, v4, vm0, $0xb8;
	[tilespmem:$0x10A00] =	vst v63  }
0x81: {  	s30 =	simm.s32 $0x9200  }
0x82: {  	[tilespmem:s30], [sflag:$0x2] =	stream.indirect_vreg.gather [hbm4b:s4+s2], $0x80, v3, vm0, $0xb8;
	[tilespmem:$0x10A00] =	vst v63  }
0x83: {  	v3 =	vld [tilespmem:$0x90];
	_ =	sdelay $0x4  }
0x84: {  	v25 =	vshll.u32 v3, $0x1  }
0x85: {  	v3 =	vand.u32 $0x7, v3;
	v4 =	vand.u32 $0xFFFFFFF0, v25  }
0x86: {  	v3 =	vor.u32 v3, v4  }
0x87: {  	v4 =	vperm.xlane v3, v0;
	_ =	sdelay $0x1  }
0x88: {  	v3 =	vperm.xlane v3, v2;
	v4 =	vadd.s32 v1, v4;
	_ =	sdelay $0x1  }
0x89: {  	v3 =	vadd.s32 v1, v3;
	_ =	sdelay $0x1  }
0x8a: {  	s31 =	simm.s32 $0x9A00  }
0x8b: {  	[tilespmem:s31], [sflag:$0x2] =	stream.indirect_vreg.gather [hbm4b:s4+s2], $0x80, v4, vm0, $0xb8;
	[tilespmem:$0x10A00] =	vst v63  }
0x8c: {  	s1 =	simm.s32 $0xA200  }
0x8d: {  	[tilespmem:s1], [sflag:$0x2] =	stream.indirect_vreg.gather [hbm4b:s4+s2], $0x80, v3, vm0, $0xb8;
	[tilespmem:$0x10A00] =	vst v63  }
0x8e: {  	v3 =	vld [tilespmem:$0xA0];
	_ =	sdelay $0x4  }
0x8f: {  	v26 =	vshll.u32 v3, $0x1  }
0x90: {  	v3 =	vand.u32 $0x7, v3;
	v4 =	vand.u32 $0xFFFFFFF0, v26  }
0x91: {  	v3 =	vor.u32 v3, v4  }
0x92: {  	v4 =	vperm.xlane v3, v0;
	_ =	sdelay $0x1  }
0x93: {  	v3 =	vperm.xlane v3, v2;
	v4 =	vadd.s32 v1, v4;
	_ =	sdelay $0x1  }
0x94: {  	v3 =	vadd.s32 v1, v3;
	_ =	sdelay $0x1  }
0x95: {  	s3 =	simm.s32 $0xAA00  }
0x96: {  	[tilespmem:s3], [sflag:$0x2] =	stream.indirect_vreg.gather [hbm4b:s4+s2], $0x80, v4, vm0, $0xb8;
	[tilespmem:$0x10A00] =	vst v63  }
0x97: {  	s5 =	simm.s32 $0xB200  }
0x98: {  	[tilespmem:s5], [sflag:$0x2] =	stream.indirect_vreg.gather [hbm4b:s4+s2], $0x80, v3, vm0, $0xb8;
	[tilespmem:$0x10A00] =	vst v63  }
0x99: {  	v3 =	vld [tilespmem:$0xB0];
	_ =	sdelay $0x4  }
0x9a: {  	v27 =	vshll.u32 v3, $0x1  }
0x9b: {  	v3 =	vand.u32 $0x7, v3;
	v4 =	vand.u32 $0xFFFFFFF0, v27  }
0x9c: {  	v3 =	vor.u32 v3, v4  }
0x9d: {  	v4 =	vperm.xlane v3, v0;
	_ =	sdelay $0x1  }
0x9e: {  	v3 =	vperm.xlane v3, v2;
	v4 =	vadd.s32 v1, v4;
	_ =	sdelay $0x1  }
0x9f: {  	v3 =	vadd.s32 v1, v3;
	_ =	sdelay $0x1  }
0xa0: {  	s8 =	simm.s32 $0xBA00  }
0xa1: {  	[tilespmem:s8], [sflag:$0x2] =	stream.indirect_vreg.gather [hbm4b:s4+s2], $0x80, v4, vm0, $0xb8;
	[tilespmem:$0x10A00] =	vst v63  }
0xa2: {  	s11 =	simm.s32 $0xC200  }
0xa3: {  	[tilespmem:s11], [sflag:$0x2] =	stream.indirect_vreg.gather [hbm4b:s4+s2], $0x80, v3, vm0, $0xb8;
	[tilespmem:$0x10A00] =	vst v63  }
0xa4: {  	v3 =	vld [tilespmem:$0xC0];
	_ =	sdelay $0x4  }
0xa5: {  	v28 =	vshll.u32 v3, $0x1  }
0xa6: {  	v3 =	vand.u32 $0x7, v3;
	v4 =	vand.u32 $0xFFFFFFF0, v28  }
0xa7: {  	v3 =	vor.u32 v3, v4  }
0xa8: {  	v4 =	vperm.xlane v3, v0;
	_ =	sdelay $0x1  }
0xa9: {  	v3 =	vperm.xlane v3, v2;
	v4 =	vadd.s32 v1, v4;
	_ =	sdelay $0x1  }
0xaa: {  	v3 =	vadd.s32 v1, v3;
	_ =	sdelay $0x1  }
0xab: {  	s12 =	simm.s32 $0xCA00  }
0xac: {  	[tilespmem:s12], [sflag:$0x2] =	stream.indirect_vreg.gather [hbm4b:s4+s2], $0x80, v4, vm0, $0xb8;
	[tilespmem:$0x10A00] =	vst v63  }
0xad: {  	s16 =	simm.s32 $0xD200  }
0xae: {  	[tilespmem:s16], [sflag:$0x2] =	stream.indirect_vreg.gather [hbm4b:s4+s2], $0x80, v3, vm0, $0xb8;
	[tilespmem:$0x10A00] =	vst v63  }
0xaf: {  	v3 =	vld [tilespmem:$0xD0];
	_ =	sdelay $0x4  }
0xb0: {  	v29 =	vshll.u32 v3, $0x1  }
0xb1: {  	v3 =	vand.u32 $0x7, v3;
	v4 =	vand.u32 $0xFFFFFFF0, v29  }
0xb2: {  	v3 =	vor.u32 v3, v4  }
0xb3: {  	v4 =	vperm.xlane v3, v0;
	_ =	sdelay $0x1  }
0xb4: {  	v3 =	vperm.xlane v3, v2;
	v4 =	vadd.s32 v1, v4;
	_ =	sdelay $0x1  }
0xb5: {  	v3 =	vadd.s32 v1, v3;
	_ =	sdelay $0x1  }
0xb6: {  	s17 =	simm.s32 $0xDA00  }
0xb7: {  	[tilespmem:s17], [sflag:$0x2] =	stream.indirect_vreg.gather [hbm4b:s4+s2], $0x80, v4, vm0, $0xb8;
	[tilespmem:$0x10A00] =	vst v63  }
0xb8: {  	s22 =	simm.s32 $0xE200  }
0xb9: {  	[tilespmem:s22], [sflag:$0x2] =	stream.indirect_vreg.gather [hbm4b:s4+s2], $0x80, v3, vm0, $0xb8;
	[tilespmem:$0x10A00] =	vst v63  }
0xba: {  	v3 =	vld [tilespmem:$0xE0];
	_ =	sdelay $0x4  }
0xbb: {  	v30 =	vshll.u32 v3, $0x1  }
0xbc: {  	v3 =	vand.u32 $0x7, v3;
	v4 =	vand.u32 $0xFFFFFFF0, v30  }
0xbd: {  	v3 =	vor.u32 v3, v4  }
0xbe: {  	v4 =	vperm.xlane v3, v0;
	_ =	sdelay $0x1  }
0xbf: {  	v3 =	vperm.xlane v3, v2;
	v4 =	vadd.s32 v1, v4;
	_ =	sdelay $0x1  }
0xc0: {  	v3 =	vadd.s32 v1, v3;
	_ =	sdelay $0x1  }
0xc1: {  	s26 =	simm.s32 $0xEA00  }
0xc2: {  	[tilespmem:s26], [sflag:$0x2] =	stream.indirect_vreg.gather [hbm4b:s4+s2], $0x80, v4, vm0, $0xb8;
	[tilespmem:$0x10A00] =	vst v63  }
0xc3: {  	s28 =	simm.s32 $0xF200  }
0xc4: {  	[tilespmem:s28], [sflag:$0x2] =	stream.indirect_vreg.gather [hbm4b:s4+s2], $0x80, v3, vm0, $0xb8;
	[tilespmem:$0x10A00] =	vst v63  }
0xc5: {  	v3 =	vld [tilespmem:$0xF0];
	_ =	sdelay $0x4  }
0xc6: {  	v31 =	vshll.u32 v3, $0x1  }
0xc7: {  	v3 =	vand.u32 $0x7, v3;
	v4 =	vand.u32 $0xFFFFFFF0, v31  }
0xc8: {  	v3 =	vor.u32 v3, v4  }
0xc9: {  	v4 =	vperm.xlane v3, v0;
	_ =	sdelay $0x1  }
0xca: {  	v3 =	vperm.xlane v3, v2;
	v4 =	vadd.s32 v1, v4;
	_ =	sdelay $0x1  }
0xcb: {  	v3 =	vadd.s32 v1, v3;
	_ =	sdelay $0x1  }
0xcc: {  	s29 =	simm.s32 $0xFA00  }
0xcd: {  	[tilespmem:s29], [sflag:$0x2] =	stream.indirect_vreg.gather [hbm4b:s4+s2], $0x80, v4, vm0, $0xb8;
	[tilespmem:$0x10A00] =	vst v63  }
0xce: {  	s30 =	simm.s32 $0x10200  }
0xcf: {  	[tilespmem:s30], [sflag:$0x2] =	stream.indirect_vreg.gather [hbm4b:s4+s2], $0x80, v3, vm0, $0xb8;
	[tilespmem:$0x10A00] =	vst v63  }
0xd0: {  	_ =	swait.ge [sflag:s13], $0x8000  }
0xd1: {  	[sflag:s13] =	ssyncset.done $0x0  }
0xd2: {  	s31 =	rddreg [dreg:$0x17];
	[sflag:s13] =	ssyncadd.s32 $0xFFFF8000  }
0xd3: {  	[hbm4b:s31+s2] =	stream.linear.scatter [tilespmem:s7], [sflag:$0x3], $0x8000, $0x38;
	[tilespmem:$0x10A00] =	vst v63  }
0xd4: {  	_ =	swait.ge [sflag:s6], $0x8000  }
0xd5: {  	[sflag:s6] =	ssyncset.done $0x0  }
0xd6: {  	[sflag:s6] =	ssyncadd.s32 $0xFFFF8000  }
0xd7: {  	v3 =	vld [tilespmem:$0x100];
	_ =	sdelay $0x4  }
0xd8: {  	v32 =	vshll.u32 v3, $0x1  }
0xd9: {  	v3 =	vand.u32 $0x7, v3;
	v4 =	vand.u32 $0xFFFFFFF0, v32  }
0xda: {  	v3 =	vor.u32 v3, v4  }
0xdb: {  	v4 =	vperm.xlane v3, v0;
	_ =	sdelay $0x1  }
0xdc: {  	v3 =	vperm.xlane v3, v2;
	v4 =	vadd.s32 v1, v4;
	_ =	sdelay $0x1  }
0xdd: {  	v3 =	vadd.s32 v1, v3;
	_ =	sdelay $0x2  }
0xde: {  	[tilespmem:s7], [sflag:$0x1] =	stream.indirect_vreg.gather [hbm4b:s4+s2], $0x80, v4, vm0, $0xb8;
	[tilespmem:$0x10A00] =	vst v63  }
0xdf: {  	s20 =	simm.s32 $0x1200  }
0xe0: {  	[tilespmem:s20], [sflag:$0x1] =	stream.indirect_vreg.gather [hbm4b:s4+s2], $0x80, v3, vm0, $0xb8;
	[tilespmem:$0x10A00] =	vst v63  }
0xe1: {  	v3 =	vld [tilespmem:$0x110];
	_ =	sdelay $0x4  }
0xe2: {  	v33 =	vshll.u32 v3, $0x1  }
0xe3: {  	v3 =	vand.u32 $0x7, v3;
	v4 =	vand.u32 $0xFFFFFFF0, v33  }
0xe4: {  	v3 =	vor.u32 v3, v4  }
0xe5: {  	v4 =	vperm.xlane v3, v0;
	_ =	sdelay $0x1  }
0xe6: {  	v3 =	vperm.xlane v3, v2;
	v4 =	vadd.s32 v1, v4;
	_ =	sdelay $0x1  }
0xe7: {  	v3 =	vadd.s32 v1, v3;
	_ =	sdelay $0x1  }
0xe8: {  	s18 =	simm.s32 $0x1A00  }
0xe9: {  	[tilespmem:s18], [sflag:$0x1] =	stream.indirect_vreg.gather [hbm4b:s4+s2], $0x80, v4, vm0, $0xb8;
	[tilespmem:$0x10A00] =	vst v63  }
0xea: {  	s21 =	simm.s32 $0x2200  }
0xeb: {  	[tilespmem:s21], [sflag:$0x1] =	stream.indirect_vreg.gather [hbm4b:s4+s2], $0x80, v3, vm0, $0xb8;
	[tilespmem:$0x10A00] =	vst v63  }
0xec: {  	v3 =	vld [tilespmem:$0x120];
	_ =	sdelay $0x4  }
0xed: {  	v34 =	vshll.u32 v3, $0x1  }
0xee: {  	v3 =	vand.u32 $0x7, v3;
	v4 =	vand.u32 $0xFFFFFFF0, v34  }
0xef: {  	v3 =	vor.u32 v3, v4  }
0xf0: {  	v4 =	vperm.xlane v3, v0;
	_ =	sdelay $0x1  }
0xf1: {  	v3 =	vperm.xlane v3, v2;
	v4 =	vadd.s32 v1, v4;
	_ =	sdelay $0x1  }
0xf2: {  	v3 =	vadd.s32 v1, v3;
	_ =	sdelay $0x1  }
0xf3: {  	s20 =	simm.s32 $0x2A00  }
0xf4: {  	[tilespmem:s20], [sflag:$0x1] =	stream.indirect_vreg.gather [hbm4b:s4+s2], $0x80, v4, vm0, $0xb8;
	[tilespmem:$0x10A00] =	vst v63  }
0xf5: {  	s22 =	simm.s32 $0x3200  }
0xf6: {  	[tilespmem:s22], [sflag:$0x1] =	stream.indirect_vreg.gather [hbm4b:s4+s2], $0x80, v3, vm0, $0xb8;
	[tilespmem:$0x10A00] =	vst v63  }
0xf7: {  	v3 =	vld [tilespmem:$0x130];
	_ =	sdelay $0x4  }
0xf8: {  	v35 =	vshll.u32 v3, $0x1  }
0xf9: {  	v3 =	vand.u32 $0x7, v3;
	v4 =	vand.u32 $0xFFFFFFF0, v35  }
0xfa: {  	v3 =	vor.u32 v3, v4  }
0xfb: {  	v4 =	vperm.xlane v3, v0;
	_ =	sdelay $0x1  }
0xfc: {  	v3 =	vperm.xlane v3, v2;
	v4 =	vadd.s32 v1, v4;
	_ =	sdelay $0x1  }
0xfd: {  	v3 =	vadd.s32 v1, v3;
	_ =	sdelay $0x1  }
0xfe: {  	s21 =	simm.s32 $0x3A00  }
0xff: {  	[tilespmem:s21], [sflag:$0x1] =	stream.indirect_vreg.gather [hbm4b:s4+s2], $0x80, v4, vm0, $0xb8;
	[tilespmem:$0x10A00] =	vst v63  }
0x100: {  	s24 =	simm.s32 $0x4200  }
0x101: {  	[tilespmem:s24], [sflag:$0x1] =	stream.indirect_vreg.gather [hbm4b:s4+s2], $0x80, v3, vm0, $0xb8;
	[tilespmem:$0x10A00] =	vst v63  }
0x102: {  	v3 =	vld [tilespmem:$0x140];
	_ =	sdelay $0x4  }
0x103: {  	v36 =	vshll.u32 v3, $0x1  }
0x104: {  	v3 =	vand.u32 $0x7, v3;
	v4 =	vand.u32 $0xFFFFFFF0, v36  }
0x105: {  	v3 =	vor.u32 v3, v4  }
0x106: {  	v4 =	vperm.xlane v3, v0;
	_ =	sdelay $0x1  }
0x107: {  	v3 =	vperm.xlane v3, v2;
	v4 =	vadd.s32 v1, v4;
	_ =	sdelay $0x1  }
0x108: {  	v3 =	vadd.s32 v1, v3;
	_ =	sdelay $0x1  }
0x109: {  	s24 =	simm.s32 $0x4A00  }
0x10a: {  	[tilespmem:s24], [sflag:$0x1] =	stream.indirect_vreg.gather [hbm4b:s4+s2], $0x80, v4, vm0, $0xb8;
	[tilespmem:$0x10A00] =	vst v63  }
0x10b: {  	s26 =	simm.s32 $0x5200  }
0x10c: {  	[tilespmem:s26], [sflag:$0x1] =	stream.indirect_vreg.gather [hbm4b:s4+s2], $0x80, v3, vm0, $0xb8;
	[tilespmem:$0x10A00] =	vst v63  }
0x10d: {  	v3 =	vld [tilespmem:$0x150];
	_ =	sdelay $0x4  }
0x10e: {  	v37 =	vshll.u32 v3, $0x1  }
0x10f: {  	v3 =	vand.u32 $0x7, v3;
	v4 =	vand.u32 $0xFFFFFFF0, v37  }
0x110: {  	v3 =	vor.u32 v3, v4  }
0x111: {  	v4 =	vperm.xlane v3, v0;
	_ =	sdelay $0x1  }
0x112: {  	v3 =	vperm.xlane v3, v2;
	v4 =	vadd.s32 v1, v4;
	_ =	sdelay $0x1  }
0x113: {  	v3 =	vadd.s32 v1, v3;
	_ =	sdelay $0x1  }
0x114: {  	s25 =	simm.s32 $0x5A00  }
0x115: {  	[tilespmem:s25], [sflag:$0x1] =	stream.indirect_vreg.gather [hbm4b:s4+s2], $0x80, v4, vm0, $0xb8;
	[tilespmem:$0x10A00] =	vst v63  }
0x116: {  	s28 =	simm.s32 $0x6200  }
0x117: {  	[tilespmem:s28], [sflag:$0x1] =	stream.indirect_vreg.gather [hbm4b:s4+s2], $0x80, v3, vm0, $0xb8;
	[tilespmem:$0x10A00] =	vst v63  }
0x118: {  	v3 =	vld [tilespmem:$0x160];
	_ =	sdelay $0x4  }
0x119: {  	v38 =	vshll.u32 v3, $0x1  }
0x11a: {  	v3 =	vand.u32 $0x7, v3;
	v4 =	vand.u32 $0xFFFFFFF0, v38  }
0x11b: {  	v3 =	vor.u32 v3, v4  }
0x11c: {  	v4 =	vperm.xlane v3, v0;
	_ =	sdelay $0x1  }
0x11d: {  	v3 =	vperm.xlane v3, v2;
	v4 =	vadd.s32 v1, v4;
	_ =	sdelay $0x1  }
0x11e: {  	v3 =	vadd.s32 v1, v3;
	_ =	sdelay $0x1  }
0x11f: {  	s29 =	simm.s32 $0x6A00  }
0x120: {  	[tilespmem:s29], [sflag:$0x1] =	stream.indirect_vreg.gather [hbm4b:s4+s2], $0x80, v4, vm0, $0xb8;
	[tilespmem:$0x10A00] =	vst v63  }
0x121: {  	s30 =	simm.s32 $0x7200  }
0x122: {  	[tilespmem:s30], [sflag:$0x1] =	stream.indirect_vreg.gather [hbm4b:s4+s2], $0x80, v3, vm0, $0xb8;
	[tilespmem:$0x10A00] =	vst v63  }
0x123: {  	v3 =	vld [tilespmem:$0x170];
	_ =	sdelay $0x4  }
0x124: {  	v39 =	vshll.u32 v3, $0x1  }
0x125: {  	v3 =	vand.u32 $0x7, v3;
	v4 =	vand.u32 $0xFFFFFFF0, v39  }
0x126: {  	v3 =	vor.u32 v3, v4  }
0x127: {  	v4 =	vperm.xlane v3, v0;
	_ =	sdelay $0x1  }
0x128: {  	v3 =	vperm.xlane v3, v2;
	v4 =	vadd.s32 v1, v4;
	_ =	sdelay $0x1  }
0x129: {  	v3 =	vadd.s32 v1, v3;
	_ =	sdelay $0x1  }
0x12a: {  	s31 =	simm.s32 $0x7A00  }
0x12b: {  	[tilespmem:s31], [sflag:$0x1] =	stream.indirect_vreg.gather [hbm4b:s4+s2], $0x80, v4, vm0, $0xb8;
	[tilespmem:$0x10A00] =	vst v63  }
0x12c: {  	s25 =	simm.s32 $0x8200  }
0x12d: {  	[tilespmem:s25], [sflag:$0x1] =	stream.indirect_vreg.gather [hbm4b:s4+s2], $0x80, v3, vm0, $0xb8;
	[tilespmem:$0x10A00] =	vst v63  }
0x12e: {  	_ =	swait.ge [sflag:s14], $0x8000  }
0x12f: {  	[sflag:s14] =	ssyncset.done $0x0  }
0x130: {  	s18 =	rddreg [dreg:$0x4];
	[sflag:s14] =	ssyncadd.s32 $0xFFFF8000  }
0x131: {  	[hbm4b:s18+s2] =	stream.linear.scatter [tilespmem:s23], [sflag:$0x3], $0x8000, $0x38;
	[tilespmem:$0x10A00] =	vst v63  }
0x132: {  	_ =	swait.ge [sflag:s6], $0x8000  }
0x133: {  	[sflag:s6] =	ssyncset.done $0x0  }
0x134: {  	[sflag:s6] =	ssyncadd.s32 $0xFFFF8000  }
0x135: {  	v3 =	vld [tilespmem:$0x180];
	_ =	sdelay $0x4  }
0x136: {  	v40 =	vshll.u32 v3, $0x1  }
0x137: {  	v3 =	vand.u32 $0x7, v3;
	v4 =	vand.u32 $0xFFFFFFF0, v40  }
0x138: {  	v3 =	vor.u32 v3, v4  }
0x139: {  	v4 =	vperm.xlane v3, v0;
	_ =	sdelay $0x1  }
0x13a: {  	v3 =	vperm.xlane v3, v2;
	v4 =	vadd.s32 v1, v4;
	_ =	sdelay $0x1  }
0x13b: {  	v3 =	vadd.s32 v1, v3;
	_ =	sdelay $0x2  }
0x13c: {  	[tilespmem:s23], [sflag:$0x2] =	stream.indirect_vreg.gather [hbm4b:s4+s2], $0x80, v4, vm0, $0xb8;
	[tilespmem:$0x10A00] =	vst v63  }
0x13d: {  	s9 =	simm.s32 $0x9200  }
0x13e: {  	[tilespmem:s9], [sflag:$0x2] =	stream.indirect_vreg.gather [hbm4b:s4+s2], $0x80, v3, vm0, $0xb8;
	[tilespmem:$0x10A00] =	vst v63  }
0x13f: {  	v3 =	vld [tilespmem:$0x190];
	_ =	sdelay $0x4  }
0x140: {  	v41 =	vshll.u32 v3, $0x1  }
0x141: {  	v3 =	vand.u32 $0x7, v3;
	v4 =	vand.u32 $0xFFFFFFF0, v41  }
0x142: {  	v3 =	vor.u32 v3, v4  }
0x143: {  	v4 =	vperm.xlane v3, v0;
	_ =	sdelay $0x1  }
0x144: {  	v3 =	vperm.xlane v3, v2;
	v4 =	vadd.s32 v1, v4;
	_ =	sdelay $0x1  }
0x145: {  	v3 =	vadd.s32 v1, v3;
	_ =	sdelay $0x1  }
0x146: {  	s9 =	simm.s32 $0x9A00  }
0x147: {  	[tilespmem:s9], [sflag:$0x2] =	stream.indirect_vreg.gather [hbm4b:s4+s2], $0x80, v4, vm0, $0xb8;
	[tilespmem:$0x10A00] =	vst v63  }
0x148: {  	s10 =	simm.s32 $0xA200  }
0x149: {  	[tilespmem:s10], [sflag:$0x2] =	stream.indirect_vreg.gather [hbm4b:s4+s2], $0x80, v3, vm0, $0xb8;
	[tilespmem:$0x10A00] =	vst v63  }
0x14a: {  	v3 =	vld [tilespmem:$0x1A0];
	_ =	sdelay $0x4  }
0x14b: {  	v42 =	vshll.u32 v3, $0x1  }
0x14c: {  	v3 =	vand.u32 $0x7, v3;
	v4 =	vand.u32 $0xFFFFFFF0, v42  }
0x14d: {  	v3 =	vor.u32 v3, v4  }
0x14e: {  	v4 =	vperm.xlane v3, v0;
	_ =	sdelay $0x1  }
0x14f: {  	v3 =	vperm.xlane v3, v2;
	v4 =	vadd.s32 v1, v4;
	_ =	sdelay $0x1  }
0x150: {  	v3 =	vadd.s32 v1, v3;
	_ =	sdelay $0x1  }
0x151: {  	s10 =	simm.s32 $0xAA00  }
0x152: {  	[tilespmem:s10], [sflag:$0x2] =	stream.indirect_vreg.gather [hbm4b:s4+s2], $0x80, v4, vm0, $0xb8;
	[tilespmem:$0x10A00] =	vst v63  }
0x153: {  	s18 =	simm.s32 $0xB200  }
0x154: {  	[tilespmem:s18], [sflag:$0x2] =	stream.indirect_vreg.gather [hbm4b:s4+s2], $0x80, v3, vm0, $0xb8;
	[tilespmem:$0x10A00] =	vst v63  }
0x155: {  	v3 =	vld [tilespmem:$0x1B0];
	_ =	sdelay $0x4  }
0x156: {  	v43 =	vshll.u32 v3, $0x1  }
0x157: {  	v3 =	vand.u32 $0x7, v3;
	v4 =	vand.u32 $0xFFFFFFF0, v43  }
0x158: {  	v3 =	vor.u32 v3, v4  }
0x159: {  	v4 =	vperm.xlane v3, v0;
	_ =	sdelay $0x1  }
0x15a: {  	v3 =	vperm.xlane v3, v2;
	v4 =	vadd.s32 v1, v4;
	_ =	sdelay $0x1  }
0x15b: {  	v3 =	vadd.s32 v1, v3;
	_ =	sdelay $0x1  }
0x15c: {  	s8 =	simm.s32 $0xBA00  }
0x15d: {  	[tilespmem:s8], [sflag:$0x2] =	stream.indirect_vreg.gather [hbm4b:s4+s2], $0x80, v4, vm0, $0xb8;
	[tilespmem:$0x10A00] =	vst v63  }
0x15e: {  	s19 =	simm.s32 $0xC200  }
0x15f: {  	[tilespmem:s19], [sflag:$0x2] =	stream.indirect_vreg.gather [hbm4b:s4+s2], $0x80, v3, vm0, $0xb8;
	[tilespmem:$0x10A00] =	vst v63  }
0x160: {  	v3 =	vld [tilespmem:$0x1C0];
	_ =	sdelay $0x4  }
0x161: {  	v44 =	vshll.u32 v3, $0x1  }
0x162: {  	v3 =	vand.u32 $0x7, v3;
	v4 =	vand.u32 $0xFFFFFFF0, v44  }
0x163: {  	v3 =	vor.u32 v3, v4  }
0x164: {  	v4 =	vperm.xlane v3, v0;
	_ =	sdelay $0x1  }
0x165: {  	v3 =	vperm.xlane v3, v2;
	v4 =	vadd.s32 v1, v4;
	_ =	sdelay $0x1  }
0x166: {  	v3 =	vadd.s32 v1, v3;
	_ =	sdelay $0x1  }
0x167: {  	s0 =	simm.s32 $0xCA00  }
0x168: {  	[tilespmem:s0], [sflag:$0x2] =	stream.indirect_vreg.gather [hbm4b:s4+s2], $0x80, v4, vm0, $0xb8;
	[tilespmem:$0x10A00] =	vst v63  }
0x169: {  	s11 =	simm.s32 $0xD200  }
0x16a: {  	[tilespmem:s11], [sflag:$0x2] =	stream.indirect_vreg.gather [hbm4b:s4+s2], $0x80, v3, vm0, $0xb8;
	[tilespmem:$0x10A00] =	vst v63  }
0x16b: {  	v3 =	vld [tilespmem:$0x1D0];
	_ =	sdelay $0x4  }
0x16c: {  	v45 =	vshll.u32 v3, $0x1  }
0x16d: {  	v3 =	vand.u32 $0x7, v3;
	v4 =	vand.u32 $0xFFFFFFF0, v45  }
0x16e: {  	v3 =	vor.u32 v3, v4  }
0x16f: {  	v4 =	vperm.xlane v3, v0;
	_ =	sdelay $0x1  }
0x170: {  	v3 =	vperm.xlane v3, v2;
	v4 =	vadd.s32 v1, v4;
	_ =	sdelay $0x1  }
0x171: {  	v3 =	vadd.s32 v1, v3;
	_ =	sdelay $0x1  }
0x172: {  	s1 =	simm.s32 $0xDA00  }
0x173: {  	[tilespmem:s1], [sflag:$0x2] =	stream.indirect_vreg.gather [hbm4b:s4+s2], $0x80, v4, vm0, $0xb8;
	[tilespmem:$0x10A00] =	vst v63  }
0x174: {  	s12 =	simm.s32 $0xE200  }
0x175: {  	[tilespmem:s12], [sflag:$0x2] =	stream.indirect_vreg.gather [hbm4b:s4+s2], $0x80, v3, vm0, $0xb8;
	[tilespmem:$0x10A00] =	vst v63  }
0x176: {  	v3 =	vld [tilespmem:$0x1E0];
	_ =	sdelay $0x4  }
0x177: {  	v46 =	vshll.u32 v3, $0x1  }
0x178: {  	v3 =	vand.u32 $0x7, v3;
	v4 =	vand.u32 $0xFFFFFFF0, v46  }
0x179: {  	v3 =	vor.u32 v3, v4  }
0x17a: {  	v4 =	vperm.xlane v3, v0;
	_ =	sdelay $0x1  }
0x17b: {  	v3 =	vperm.xlane v3, v2;
	v4 =	vadd.s32 v1, v4;
	_ =	sdelay $0x1  }
0x17c: {  	v3 =	vadd.s32 v1, v3;
	_ =	sdelay $0x1  }
0x17d: {  	s3 =	simm.s32 $0xEA00  }
0x17e: {  	[tilespmem:s3], [sflag:$0x2] =	stream.indirect_vreg.gather [hbm4b:s4+s2], $0x80, v4, vm0, $0xb8;
	[tilespmem:$0x10A00] =	vst v63  }
0x17f: {  	s16 =	simm.s32 $0xF200  }
0x180: {  	[tilespmem:s16], [sflag:$0x2] =	stream.indirect_vreg.gather [hbm4b:s4+s2], $0x80, v3, vm0, $0xb8;
	[tilespmem:$0x10A00] =	vst v63  }
0x181: {  	v3 =	vld [tilespmem:$0x1F0];
	_ =	sdelay $0x4  }
0x182: {  	v47 =	vshll.u32 v3, $0x1  }
0x183: {  	v3 =	vand.u32 $0x7, v3;
	v4 =	vand.u32 $0xFFFFFFF0, v47  }
0x184: {  	v3 =	vor.u32 v3, v4  }
0x185: {  	v4 =	vperm.xlane v3, v0;
	_ =	sdelay $0x1  }
0x186: {  	v3 =	vperm.xlane v3, v2;
	v4 =	vadd.s32 v1, v4;
	_ =	sdelay $0x1  }
0x187: {  	v3 =	vadd.s32 v1, v3;
	_ =	sdelay $0x1  }
0x188: {  	s5 =	simm.s32 $0xFA00  }
0x189: {  	[tilespmem:s5], [sflag:$0x2] =	stream.indirect_vreg.gather [hbm4b:s4+s2], $0x80, v4, vm0, $0xb8;
	[tilespmem:$0x10A00] =	vst v63  }
0x18a: {  	s17 =	simm.s32 $0x10200  }
0x18b: {  	[tilespmem:s17], [sflag:$0x2] =	stream.indirect_vreg.gather [hbm4b:s4+s2], $0x80, v3, vm0, $0xb8;
	[tilespmem:$0x10A00] =	vst v63  }
0x18c: {  	_ =	swait.ge [sflag:s13], $0x8000  }
0x18d: {  	[sflag:s13] =	ssyncset.done $0x0  }
0x18e: {  	s15 =	rddreg [dreg:$0x5];
	[sflag:s13] =	ssyncadd.s32 $0xFFFF8000  }
0x18f: {  	[hbm4b:s15+s2] =	stream.linear.scatter [tilespmem:s7], [sflag:$0x3], $0x8000, $0x38;
	[tilespmem:$0x10A00] =	vst v63  }
0x190: {  	_ =	swait.ge [sflag:s6], $0x8000  }
0x191: {  	[sflag:s6] =	ssyncset.done $0x0  }
0x192: {  	[sflag:s6] =	ssyncadd.s32 $0xFFFF8000  }
0x193: {  	v3 =	vld [tilespmem:$0x200];
	_ =	sdelay $0x4  }
0x194: {  	v48 =	vshll.u32 v3, $0x1  }
0x195: {  	v3 =	vand.u32 $0x7, v3;
	v4 =	vand.u32 $0xFFFFFFF0, v48  }
0x196: {  	v3 =	vor.u32 v3, v4  }
0x197: {  	v4 =	vperm.xlane v3, v0;
	_ =	sdelay $0x1  }
0x198: {  	v3 =	vperm.xlane v3, v2;
	v4 =	vadd.s32 v1, v4;
	_ =	sdelay $0x1  }
0x199: {  	v3 =	vadd.s32 v1, v3;
	_ =	sdelay $0x2  }
0x19a: {  	[tilespmem:s7], [sflag:$0x1] =	stream.indirect_vreg.gather [hbm4b:s4+s2], $0x80, v4, vm0, $0xb8;
	[tilespmem:$0x10A00] =	vst v63  }
0x19b: {  	s15 =	simm.s32 $0x1200  }
0x19c: {  	[tilespmem:s15], [sflag:$0x1] =	stream.indirect_vreg.gather [hbm4b:s4+s2], $0x80, v3, vm0, $0xb8;
	[tilespmem:$0x10A00] =	vst v63  }
0x19d: {  	v3 =	vld [tilespmem:$0x210];
	_ =	sdelay $0x4  }
0x19e: {  	v49 =	vshll.u32 v3, $0x1  }
0x19f: {  	v3 =	vand.u32 $0x7, v3;
	v4 =	vand.u32 $0xFFFFFFF0, v49  }
0x1a0: {  	v3 =	vor.u32 v3, v4  }
0x1a1: {  	v4 =	vperm.xlane v3, v0;
	_ =	sdelay $0x1  }
0x1a2: {  	v3 =	vperm.xlane v3, v2;
	v4 =	vadd.s32 v1, v4;
	_ =	sdelay $0x1  }
0x1a3: {  	v3 =	vadd.s32 v1, v3;
	_ =	sdelay $0x1  }
0x1a4: {  	s15 =	simm.s32 $0x1A00  }
0x1a5: {  	[tilespmem:s15], [sflag:$0x1] =	stream.indirect_vreg.gather [hbm4b:s4+s2], $0x80, v4, vm0, $0xb8;
	[tilespmem:$0x10A00] =	vst v63  }
0x1a6: {  	s15 =	simm.s32 $0x2200  }
0x1a7: {  	[tilespmem:s15], [sflag:$0x1] =	stream.indirect_vreg.gather [hbm4b:s4+s2], $0x80, v3, vm0, $0xb8;
	[tilespmem:$0x10A00] =	vst v63  }
0x1a8: {  	v3 =	vld [tilespmem:$0x220];
	_ =	sdelay $0x4  }
0x1a9: {  	v50 =	vshll.u32 v3, $0x1  }
0x1aa: {  	v3 =	vand.u32 $0x7, v3;
	v4 =	vand.u32 $0xFFFFFFF0, v50  }
0x1ab: {  	v3 =	vor.u32 v3, v4  }
0x1ac: {  	v4 =	vperm.xlane v3, v0;
	_ =	sdelay $0x1  }
0x1ad: {  	v3 =	vperm.xlane v3, v2;
	v4 =	vadd.s32 v1, v4;
	_ =	sdelay $0x1  }
0x1ae: {  	v3 =	vadd.s32 v1, v3;
	_ =	sdelay $0x2  }
0x1af: {  	[tilespmem:s20], [sflag:$0x1] =	stream.indirect_vreg.gather [hbm4b:s4+s2], $0x80, v4, vm0, $0xb8;
	[tilespmem:$0x10A00] =	vst v63  }
0x1b0: {  	_ = 	snop  }
0x1b1: {  	[tilespmem:s22], [sflag:$0x1] =	stream.indirect_vreg.gather [hbm4b:s4+s2], $0x80, v3, vm0, $0xb8;
	[tilespmem:$0x10A00] =	vst v63  }
0x1b2: {  	v3 =	vld [tilespmem:$0x230];
	_ =	sdelay $0x4  }
0x1b3: {  	v51 =	vshll.u32 v3, $0x1  }
0x1b4: {  	v3 =	vand.u32 $0x7, v3;
	v4 =	vand.u32 $0xFFFFFFF0, v51  }
0x1b5: {  	v3 =	vor.u32 v3, v4  }
0x1b6: {  	v4 =	vperm.xlane v3, v0;
	_ =	sdelay $0x1  }
0x1b7: {  	v3 =	vperm.xlane v3, v2;
	v4 =	vadd.s32 v1, v4;
	_ =	sdelay $0x1  }
0x1b8: {  	v3 =	vadd.s32 v1, v3;
	_ =	sdelay $0x2  }
0x1b9: {  	[tilespmem:s21], [sflag:$0x1] =	stream.indirect_vreg.gather [hbm4b:s4+s2], $0x80, v4, vm0, $0xb8;
	[tilespmem:$0x10A00] =	vst v63  }
0x1ba: {  	s15 =	simm.s32 $0x4200  }
0x1bb: {  	[tilespmem:s15], [sflag:$0x1] =	stream.indirect_vreg.gather [hbm4b:s4+s2], $0x80, v3, vm0, $0xb8;
	[tilespmem:$0x10A00] =	vst v63  }
0x1bc: {  	v3 =	vld [tilespmem:$0x240];
	_ =	sdelay $0x4  }
0x1bd: {  	v52 =	vshll.u32 v3, $0x1  }
0x1be: {  	v3 =	vand.u32 $0x7, v3;
	v4 =	vand.u32 $0xFFFFFFF0, v52  }
0x1bf: {  	v3 =	vor.u32 v3, v4  }
0x1c0: {  	v4 =	vperm.xlane v3, v0;
	_ =	sdelay $0x1  }
0x1c1: {  	v3 =	vperm.xlane v3, v2;
	v4 =	vadd.s32 v1, v4;
	_ =	sdelay $0x1  }
0x1c2: {  	v3 =	vadd.s32 v1, v3;
	_ =	sdelay $0x2  }
0x1c3: {  	[tilespmem:s24], [sflag:$0x1] =	stream.indirect_vreg.gather [hbm4b:s4+s2], $0x80, v4, vm0, $0xb8;
	[tilespmem:$0x10A00] =	vst v63  }
0x1c4: {  	_ = 	snop  }
0x1c5: {  	[tilespmem:s26], [sflag:$0x1] =	stream.indirect_vreg.gather [hbm4b:s4+s2], $0x80, v3, vm0, $0xb8;
	[tilespmem:$0x10A00] =	vst v63  }
0x1c6: {  	v3 =	vld [tilespmem:$0x250];
	_ =	sdelay $0x4  }
0x1c7: {  	v53 =	vshll.u32 v3, $0x1  }
0x1c8: {  	v3 =	vand.u32 $0x7, v3;
	v4 =	vand.u32 $0xFFFFFFF0, v53  }
0x1c9: {  	v3 =	vor.u32 v3, v4  }
0x1ca: {  	v4 =	vperm.xlane v3, v0;
	_ =	sdelay $0x1  }
0x1cb: {  	v3 =	vperm.xlane v3, v2;
	v4 =	vadd.s32 v1, v4;
	_ =	sdelay $0x1  }
0x1cc: {  	v3 =	vadd.s32 v1, v3;
	_ =	sdelay $0x1  }
0x1cd: {  	s15 =	simm.s32 $0x5A00  }
0x1ce: {  	[tilespmem:s15], [sflag:$0x1] =	stream.indirect_vreg.gather [hbm4b:s4+s2], $0x80, v4, vm0, $0xb8;
	[tilespmem:$0x10A00] =	vst v63  }
0x1cf: {  	_ = 	snop  }
0x1d0: {  	[tilespmem:s28], [sflag:$0x1] =	stream.indirect_vreg.gather [hbm4b:s4+s2], $0x80, v3, vm0, $0xb8;
	[tilespmem:$0x10A00] =	vst v63  }
0x1d1: {  	v3 =	vld [tilespmem:$0x260];
	_ =	sdelay $0x4  }
0x1d2: {  	v54 =	vshll.u32 v3, $0x1  }
0x1d3: {  	v3 =	vand.u32 $0x7, v3;
	v4 =	vand.u32 $0xFFFFFFF0, v54  }
0x1d4: {  	v3 =	vor.u32 v3, v4  }
0x1d5: {  	v4 =	vperm.xlane v3, v0;
	_ =	sdelay $0x1  }
0x1d6: {  	v3 =	vperm.xlane v3, v2;
	v4 =	vadd.s32 v1, v4;
	_ =	sdelay $0x1  }
0x1d7: {  	v3 =	vadd.s32 v1, v3;
	_ =	sdelay $0x2  }
0x1d8: {  	[tilespmem:s29], [sflag:$0x1] =	stream.indirect_vreg.gather [hbm4b:s4+s2], $0x80, v4, vm0, $0xb8;
	[tilespmem:$0x10A00] =	vst v63  }
0x1d9: {  	_ = 	snop  }
0x1da: {  	[tilespmem:s30], [sflag:$0x1] =	stream.indirect_vreg.gather [hbm4b:s4+s2], $0x80, v3, vm0, $0xb8;
	[tilespmem:$0x10A00] =	vst v63  }
0x1db: {  	v3 =	vld [tilespmem:$0x270];
	_ =	sdelay $0x4  }
0x1dc: {  	v55 =	vshll.u32 v3, $0x1  }
0x1dd: {  	v3 =	vand.u32 $0x7, v3;
	v4 =	vand.u32 $0xFFFFFFF0, v55  }
0x1de: {  	v3 =	vor.u32 v3, v4  }
0x1df: {  	v4 =	vperm.xlane v3, v0;
	_ =	sdelay $0x1  }
0x1e0: {  	v3 =	vperm.xlane v3, v2;
	v4 =	vadd.s32 v1, v4;
	_ =	sdelay $0x1  }
0x1e1: {  	v3 =	vadd.s32 v1, v3;
	_ =	sdelay $0x2  }
0x1e2: {  	[tilespmem:s31], [sflag:$0x1] =	stream.indirect_vreg.gather [hbm4b:s4+s2], $0x80, v4, vm0, $0xb8;
	[tilespmem:$0x10A00] =	vst v63  }
0x1e3: {  	_ = 	snop  }
0x1e4: {  	[tilespmem:s25], [sflag:$0x1] =	stream.indirect_vreg.gather [hbm4b:s4+s2], $0x80, v3, vm0, $0xb8;
	[tilespmem:$0x10A00] =	vst v63  }
0x1e5: {  	_ =	swait.ge [sflag:s14], $0x8000  }
0x1e6: {  	[sflag:s14] =	ssyncset.done $0x0  }
0x1e7: {  	s15 =	rddreg [dreg:$0x6];
	[sflag:s14] =	ssyncadd.s32 $0xFFFF8000  }
0x1e8: {  	[hbm4b:s15+s2] =	stream.linear.scatter [tilespmem:s23], [sflag:$0x3], $0x8000, $0x38;
	[tilespmem:$0x10A00] =	vst v63  }
0x1e9: {  	_ =	swait.ge [sflag:s6], $0x8000  }
0x1ea: {  	[sflag:s6] =	ssyncset.done $0x0  }
0x1eb: {  	[sflag:s6] =	ssyncadd.s32 $0xFFFF8000  }
0x1ec: {  	v3 =	vld [tilespmem:$0x280];
	_ =	sdelay $0x4  }
0x1ed: {  	v56 =	vshll.u32 v3, $0x1  }
0x1ee: {  	v3 =	vand.u32 $0x7, v3;
	v4 =	vand.u32 $0xFFFFFFF0, v56  }
0x1ef: {  	v3 =	vor.u32 v3, v4  }
0x1f0: {  	v4 =	vperm.xlane v3, v0;
	_ =	sdelay $0x1  }
0x1f1: {  	v3 =	vperm.xlane v3, v2;
	v4 =	vadd.s32 v1, v4;
	_ =	sdelay $0x1  }
0x1f2: {  	v3 =	vadd.s32 v1, v3;
	_ =	sdelay $0x2  }
0x1f3: {  	[tilespmem:s23], [sflag:$0x2] =	stream.indirect_vreg.gather [hbm4b:s4+s2], $0x80, v4, vm0, $0xb8;
	[tilespmem:$0x10A00] =	vst v63  }
0x1f4: {  	s15 =	simm.s32 $0x9200  }
0x1f5: {  	[tilespmem:s15], [sflag:$0x2] =	stream.indirect_vreg.gather [hbm4b:s4+s2], $0x80, v3, vm0, $0xb8;
	[tilespmem:$0x10A00] =	vst v63  }
0x1f6: {  	v3 =	vld [tilespmem:$0x290];
	_ =	sdelay $0x4  }
0x1f7: {  	v57 =	vshll.u32 v3, $0x1  }
0x1f8: {  	v3 =	vand.u32 $0x7, v3;
	v4 =	vand.u32 $0xFFFFFFF0, v57  }
0x1f9: {  	v3 =	vor.u32 v3, v4  }
0x1fa: {  	v4 =	vperm.xlane v3, v0;
	_ =	sdelay $0x1  }
0x1fb: {  	v3 =	vperm.xlane v3, v2;
	v4 =	vadd.s32 v1, v4;
	_ =	sdelay $0x1  }
0x1fc: {  	v3 =	vadd.s32 v1, v3;
	_ =	sdelay $0x2  }
0x1fd: {  	[tilespmem:s9], [sflag:$0x2] =	stream.indirect_vreg.gather [hbm4b:s4+s2], $0x80, v4, vm0, $0xb8;
	[tilespmem:$0x10A00] =	vst v63  }
0x1fe: {  	s15 =	simm.s32 $0xA200  }
0x1ff: {  	[tilespmem:s15], [sflag:$0x2] =	stream.indirect_vreg.gather [hbm4b:s4+s2], $0x80, v3, vm0, $0xb8;
	[tilespmem:$0x10A00] =	vst v63  }
0x200: {  	v3 =	vld [tilespmem:$0x2A0];
	_ =	sdelay $0x4  }
0x201: {  	v58 =	vshll.u32 v3, $0x1  }
0x202: {  	v3 =	vand.u32 $0x7, v3;
	v4 =	vand.u32 $0xFFFFFFF0, v58  }
0x203: {  	v3 =	vor.u32 v3, v4  }
0x204: {  	v4 =	vperm.xlane v3, v0;
	_ =	sdelay $0x1  }
0x205: {  	v3 =	vperm.xlane v3, v2;
	v4 =	vadd.s32 v1, v4;
	_ =	sdelay $0x1  }
0x206: {  	v3 =	vadd.s32 v1, v3;
	_ =	sdelay $0x2  }
0x207: {  	[tilespmem:s10], [sflag:$0x2] =	stream.indirect_vreg.gather [hbm4b:s4+s2], $0x80, v4, vm0, $0xb8;
	[tilespmem:$0x10A00] =	vst v63  }
0x208: {  	_ = 	snop  }
0x209: {  	[tilespmem:s18], [sflag:$0x2] =	stream.indirect_vreg.gather [hbm4b:s4+s2], $0x80, v3, vm0, $0xb8;
	[tilespmem:$0x10A00] =	vst v63  }
0x20a: {  	v3 =	vld [tilespmem:$0x2B0];
	_ =	sdelay $0x4  }
0x20b: {  	v59 =	vshll.u32 v3, $0x1  }
0x20c: {  	v3 =	vand.u32 $0x7, v3;
	v4 =	vand.u32 $0xFFFFFFF0, v59  }
0x20d: {  	v3 =	vor.u32 v3, v4  }
0x20e: {  	v4 =	vperm.xlane v3, v0;
	_ =	sdelay $0x1  }
0x20f: {  	v3 =	vperm.xlane v3, v2;
	v4 =	vadd.s32 v1, v4;
	_ =	sdelay $0x1  }
0x210: {  	v3 =	vadd.s32 v1, v3;
	_ =	sdelay $0x1  }
0x211: {  	s8 =	simm.s32 $0xBA00  }
0x212: {  	[tilespmem:s8], [sflag:$0x2] =	stream.indirect_vreg.gather [hbm4b:s4+s2], $0x80, v4, vm0, $0xb8;
	[tilespmem:$0x10A00] =	vst v63  }
0x213: {  	s19 =	simm.s32 $0xC200  }
0x214: {  	[tilespmem:s19], [sflag:$0x2] =	stream.indirect_vreg.gather [hbm4b:s4+s2], $0x80, v3, vm0, $0xb8;
	[tilespmem:$0x10A00] =	vst v63  }
0x215: {  	v3 =	vld [tilespmem:$0x2C0];
	_ =	sdelay $0x4  }
0x216: {  	v60 =	vshll.u32 v3, $0x1  }
0x217: {  	v3 =	vand.u32 $0x7, v3;
	v4 =	vand.u32 $0xFFFFFFF0, v60  }
0x218: {  	v3 =	vor.u32 v3, v4  }
0x219: {  	v4 =	vperm.xlane v3, v0;
	_ =	sdelay $0x1  }
0x21a: {  	v3 =	vperm.xlane v3, v2;
	v4 =	vadd.s32 v1, v4;
	_ =	sdelay $0x1  }
0x21b: {  	v3 =	vadd.s32 v1, v3;
	_ =	sdelay $0x1  }
0x21c: {  	s0 =	simm.s32 $0xCA00  }
0x21d: {  	[tilespmem:s0], [sflag:$0x2] =	stream.indirect_vreg.gather [hbm4b:s4+s2], $0x80, v4, vm0, $0xb8;
	[tilespmem:$0x10A00] =	vst v63  }
0x21e: {  	s11 =	simm.s32 $0xD200  }
0x21f: {  	[tilespmem:s11], [sflag:$0x2] =	stream.indirect_vreg.gather [hbm4b:s4+s2], $0x80, v3, vm0, $0xb8;
	[tilespmem:$0x10A00] =	vst v63  }
0x220: {  	v3 =	vld [tilespmem:$0x2D0];
	_ =	sdelay $0x4  }
0x221: {  	v61 =	vshll.u32 v3, $0x1  }
0x222: {  	v3 =	vand.u32 $0x7, v3;
	v4 =	vand.u32 $0xFFFFFFF0, v61  }
0x223: {  	v3 =	vor.u32 v3, v4  }
0x224: {  	v4 =	vperm.xlane v3, v0;
	_ =	sdelay $0x1  }
0x225: {  	v3 =	vperm.xlane v3, v2;
	v4 =	vadd.s32 v1, v4;
	_ =	sdelay $0x1  }
0x226: {  	v3 =	vadd.s32 v1, v3;
	_ =	sdelay $0x1  }
0x227: {  	s1 =	simm.s32 $0xDA00  }
0x228: {  	[tilespmem:s1], [sflag:$0x2] =	stream.indirect_vreg.gather [hbm4b:s4+s2], $0x80, v4, vm0, $0xb8;
	[tilespmem:$0x10A00] =	vst v63  }
0x229: {  	s12 =	simm.s32 $0xE200  }
0x22a: {  	[tilespmem:s12], [sflag:$0x2] =	stream.indirect_vreg.gather [hbm4b:s4+s2], $0x80, v3, vm0, $0xb8;
	[tilespmem:$0x10A00] =	vst v63  }
0x22b: {  	v3 =	vld [tilespmem:$0x2E0];
	_ =	sdelay $0x4  }
0x22c: {  	v62 =	vshll.u32 v3, $0x1  }
0x22d: {  	v3 =	vand.u32 $0x7, v3;
	v4 =	vand.u32 $0xFFFFFFF0, v62  }
0x22e: {  	v3 =	vor.u32 v3, v4  }
0x22f: {  	v4 =	vperm.xlane v3, v0;
	_ =	sdelay $0x1  }
0x230: {  	v3 =	vperm.xlane v3, v2;
	v4 =	vadd.s32 v1, v4;
	_ =	sdelay $0x1  }
0x231: {  	v3 =	vadd.s32 v1, v3;
	_ =	sdelay $0x1  }
0x232: {  	s3 =	simm.s32 $0xEA00  }
0x233: {  	[tilespmem:s3], [sflag:$0x2] =	stream.indirect_vreg.gather [hbm4b:s4+s2], $0x80, v4, vm0, $0xb8;
	[tilespmem:$0x10A00] =	vst v63  }
0x234: {  	s16 =	simm.s32 $0xF200  }
0x235: {  	[tilespmem:s16], [sflag:$0x2] =	stream.indirect_vreg.gather [hbm4b:s4+s2], $0x80, v3, vm0, $0xb8;
	[tilespmem:$0x10A00] =	vst v63  }
0x236: {  	v3 =	vld [tilespmem:$0x2F0];
	_ =	sdelay $0x4  }
0x237: {  	v63 =	vshll.u32 v3, $0x1  }
0x238: {  	v3 =	vand.u32 $0x7, v3;
	v4 =	vand.u32 $0xFFFFFFF0, v63  }
0x239: {  	v3 =	vor.u32 v3, v4  }
0x23a: {  	v4 =	vperm.xlane v3, v0;
	_ =	sdelay $0x1  }
0x23b: {  	v3 =	vperm.xlane v3, v2;
	v4 =	vadd.s32 v1, v4;
	_ =	sdelay $0x1  }
0x23c: {  	v3 =	vadd.s32 v1, v3;
	_ =	sdelay $0x1  }
0x23d: {  	s5 =	simm.s32 $0xFA00  }
0x23e: {  	[tilespmem:s5], [sflag:$0x2] =	stream.indirect_vreg.gather [hbm4b:s4+s2], $0x80, v4, vm0, $0xb8;
	[tilespmem:$0x10A00] =	vst v63  }
0x23f: {  	s17 =	simm.s32 $0x10200  }
0x240: {  	[tilespmem:s17], [sflag:$0x2] =	stream.indirect_vreg.gather [hbm4b:s4+s2], $0x80, v3, vm0, $0xb8;
	[tilespmem:$0x10A00] =	vst v63  }
0x241: {  	_ =	swait.ge [sflag:s13], $0x8000  }
0x242: {  	[sflag:s13] =	ssyncset.done $0x0  }
0x243: {  	s15 =	rddreg [dreg:$0x7];
	[sflag:s13] =	ssyncadd.s32 $0xFFFF8000  }
0x244: {  	[hbm4b:s15+s2] =	stream.linear.scatter [tilespmem:s7], [sflag:$0x3], $0x8000, $0x38;
	[tilespmem:$0x10A00] =	vst v63  }
0x245: {  	_ =	swait.ge [sflag:s6], $0x8000  }
0x246: {  	[sflag:s6] =	ssyncset.done $0x0  }
0x247: {  	[sflag:s6] =	ssyncadd.s32 $0xFFFF8000  }
0x248: {  	v3 =	vld [tilespmem:$0x300];
	_ =	sdelay $0x4  }
0x249: {  	v8 =	vshll.u32 v3, $0x1  }
0x24a: {  	v3 =	vand.u32 $0x7, v3;
	v4 =	vand.u32 $0xFFFFFFF0, v8  }
0x24b: {  	v3 =	vor.u32 v3, v4  }
0x24c: {  	v4 =	vperm.xlane v3, v0;
	_ =	sdelay $0x1  }
0x24d: {  	v3 =	vperm.xlane v3, v2;
	v4 =	vadd.s32 v1, v4;
	_ =	sdelay $0x1  }
0x24e: {  	v3 =	vadd.s32 v1, v3;
	_ =	sdelay $0x2  }
0x24f: {  	[tilespmem:s7], [sflag:$0x1] =	stream.indirect_vreg.gather [hbm4b:s4+s2], $0x80, v4, vm0, $0xb8;
	[tilespmem:$0x10A00] =	vst v63  }
0x250: {  	s15 =	simm.s32 $0x1200  }
0x251: {  	[tilespmem:s15], [sflag:$0x1] =	stream.indirect_vreg.gather [hbm4b:s4+s2], $0x80, v3, vm0, $0xb8;
	[tilespmem:$0x10A00] =	vst v63  }
0x252: {  	v3 =	vld [tilespmem:$0x310];
	_ =	sdelay $0x4  }
0x253: {  	v9 =	vshll.u32 v3, $0x1  }
0x254: {  	v3 =	vand.u32 $0x7, v3;
	v4 =	vand.u32 $0xFFFFFFF0, v9  }
0x255: {  	v3 =	vor.u32 v3, v4  }
0x256: {  	v4 =	vperm.xlane v3, v0;
	_ =	sdelay $0x1  }
0x257: {  	v3 =	vperm.xlane v3, v2;
	v4 =	vadd.s32 v1, v4;
	_ =	sdelay $0x1  }
0x258: {  	v3 =	vadd.s32 v1, v3;
	_ =	sdelay $0x1  }
0x259: {  	s15 =	simm.s32 $0x1A00  }
0x25a: {  	[tilespmem:s15], [sflag:$0x1] =	stream.indirect_vreg.gather [hbm4b:s4+s2], $0x80, v4, vm0, $0xb8;
	[tilespmem:$0x10A00] =	vst v63  }
0x25b: {  	s15 =	simm.s32 $0x2200  }
0x25c: {  	[tilespmem:s15], [sflag:$0x1] =	stream.indirect_vreg.gather [hbm4b:s4+s2], $0x80, v3, vm0, $0xb8;
	[tilespmem:$0x10A00] =	vst v63  }
0x25d: {  	v3 =	vld [tilespmem:$0x320];
	_ =	sdelay $0x4  }
0x25e: {  	v10 =	vshll.u32 v3, $0x1  }
0x25f: {  	v3 =	vand.u32 $0x7, v3;
	v4 =	vand.u32 $0xFFFFFFF0, v10  }
0x260: {  	v3 =	vor.u32 v3, v4  }
0x261: {  	v4 =	vperm.xlane v3, v0;
	_ =	sdelay $0x1  }
0x262: {  	v3 =	vperm.xlane v3, v2;
	v4 =	vadd.s32 v1, v4;
	_ =	sdelay $0x1  }
0x263: {  	v3 =	vadd.s32 v1, v3;
	_ =	sdelay $0x1  }
0x264: {  	s20 =	simm.s32 $0x2A00  }
0x265: {  	[tilespmem:s20], [sflag:$0x1] =	stream.indirect_vreg.gather [hbm4b:s4+s2], $0x80, v4, vm0, $0xb8;
	[tilespmem:$0x10A00] =	vst v63  }
0x266: {  	s22 =	simm.s32 $0x3200  }
0x267: {  	[tilespmem:s22], [sflag:$0x1] =	stream.indirect_vreg.gather [hbm4b:s4+s2], $0x80, v3, vm0, $0xb8;
	[tilespmem:$0x10A00] =	vst v63  }
0x268: {  	v3 =	vld [tilespmem:$0x330];
	_ =	sdelay $0x4  }
0x269: {  	v11 =	vshll.u32 v3, $0x1  }
0x26a: {  	v3 =	vand.u32 $0x7, v3;
	v4 =	vand.u32 $0xFFFFFFF0, v11  }
0x26b: {  	v3 =	vor.u32 v3, v4  }
0x26c: {  	v4 =	vperm.xlane v3, v0;
	_ =	sdelay $0x1  }
0x26d: {  	v3 =	vperm.xlane v3, v2;
	v4 =	vadd.s32 v1, v4;
	_ =	sdelay $0x1  }
0x26e: {  	v3 =	vadd.s32 v1, v3;
	_ =	sdelay $0x1  }
0x26f: {  	s21 =	simm.s32 $0x3A00  }
0x270: {  	[tilespmem:s21], [sflag:$0x1] =	stream.indirect_vreg.gather [hbm4b:s4+s2], $0x80, v4, vm0, $0xb8;
	[tilespmem:$0x10A00] =	vst v63  }
0x271: {  	s15 =	simm.s32 $0x4200  }
0x272: {  	[tilespmem:s15], [sflag:$0x1] =	stream.indirect_vreg.gather [hbm4b:s4+s2], $0x80, v3, vm0, $0xb8;
	[tilespmem:$0x10A00] =	vst v63  }
0x273: {  	v3 =	vld [tilespmem:$0x340];
	_ =	sdelay $0x4  }
0x274: {  	v12 =	vshll.u32 v3, $0x1  }
0x275: {  	v3 =	vand.u32 $0x7, v3;
	v4 =	vand.u32 $0xFFFFFFF0, v12  }
0x276: {  	v3 =	vor.u32 v3, v4  }
0x277: {  	v4 =	vperm.xlane v3, v0;
	_ =	sdelay $0x1  }
0x278: {  	v3 =	vperm.xlane v3, v2;
	v4 =	vadd.s32 v1, v4;
	_ =	sdelay $0x1  }
0x279: {  	v3 =	vadd.s32 v1, v3;
	_ =	sdelay $0x1  }
0x27a: {  	s24 =	simm.s32 $0x4A00  }
0x27b: {  	[tilespmem:s24], [sflag:$0x1] =	stream.indirect_vreg.gather [hbm4b:s4+s2], $0x80, v4, vm0, $0xb8;
	[tilespmem:$0x10A00] =	vst v63  }
0x27c: {  	s26 =	simm.s32 $0x5200  }
0x27d: {  	[tilespmem:s26], [sflag:$0x1] =	stream.indirect_vreg.gather [hbm4b:s4+s2], $0x80, v3, vm0, $0xb8;
	[tilespmem:$0x10A00] =	vst v63  }
0x27e: {  	v3 =	vld [tilespmem:$0x350];
	_ =	sdelay $0x4  }
0x27f: {  	v13 =	vshll.u32 v3, $0x1  }
0x280: {  	v3 =	vand.u32 $0x7, v3;
	v4 =	vand.u32 $0xFFFFFFF0, v13  }
0x281: {  	v3 =	vor.u32 v3, v4  }
0x282: {  	v4 =	vperm.xlane v3, v0;
	_ =	sdelay $0x1  }
0x283: {  	v3 =	vperm.xlane v3, v2;
	v4 =	vadd.s32 v1, v4;
	_ =	sdelay $0x1  }
0x284: {  	v3 =	vadd.s32 v1, v3;
	_ =	sdelay $0x1  }
0x285: {  	s15 =	simm.s32 $0x5A00  }
0x286: {  	[tilespmem:s15], [sflag:$0x1] =	stream.indirect_vreg.gather [hbm4b:s4+s2], $0x80, v4, vm0, $0xb8;
	[tilespmem:$0x10A00] =	vst v63  }
0x287: {  	s28 =	simm.s32 $0x6200  }
0x288: {  	[tilespmem:s28], [sflag:$0x1] =	stream.indirect_vreg.gather [hbm4b:s4+s2], $0x80, v3, vm0, $0xb8;
	[tilespmem:$0x10A00] =	vst v63  }
0x289: {  	v3 =	vld [tilespmem:$0x360];
	_ =	sdelay $0x4  }
0x28a: {  	v14 =	vshll.u32 v3, $0x1  }
0x28b: {  	v3 =	vand.u32 $0x7, v3;
	v4 =	vand.u32 $0xFFFFFFF0, v14  }
0x28c: {  	v3 =	vor.u32 v3, v4  }
0x28d: {  	v4 =	vperm.xlane v3, v0;
	_ =	sdelay $0x1  }
0x28e: {  	v3 =	vperm.xlane v3, v2;
	v4 =	vadd.s32 v1, v4;
	_ =	sdelay $0x1  }
0x28f: {  	v3 =	vadd.s32 v1, v3;
	_ =	sdelay $0x1  }
0x290: {  	s29 =	simm.s32 $0x6A00  }
0x291: {  	[tilespmem:s29], [sflag:$0x1] =	stream.indirect_vreg.gather [hbm4b:s4+s2], $0x80, v4, vm0, $0xb8;
	[tilespmem:$0x10A00] =	vst v63  }
0x292: {  	s30 =	simm.s32 $0x7200  }
0x293: {  	[tilespmem:s30], [sflag:$0x1] =	stream.indirect_vreg.gather [hbm4b:s4+s2], $0x80, v3, vm0, $0xb8;
	[tilespmem:$0x10A00] =	vst v63  }
0x294: {  	v3 =	vld [tilespmem:$0x370];
	_ =	sdelay $0x4  }
0x295: {  	v15 =	vshll.u32 v3, $0x1  }
0x296: {  	v3 =	vand.u32 $0x7, v3;
	v4 =	vand.u32 $0xFFFFFFF0, v15  }
0x297: {  	v3 =	vor.u32 v3, v4  }
0x298: {  	v4 =	vperm.xlane v3, v0;
	_ =	sdelay $0x1  }
0x299: {  	v3 =	vperm.xlane v3, v2;
	v4 =	vadd.s32 v1, v4;
	_ =	sdelay $0x1  }
0x29a: {  	v3 =	vadd.s32 v1, v3;
	_ =	sdelay $0x1  }
0x29b: {  	s31 =	simm.s32 $0x7A00  }
0x29c: {  	[tilespmem:s31], [sflag:$0x1] =	stream.indirect_vreg.gather [hbm4b:s4+s2], $0x80, v4, vm0, $0xb8;
	[tilespmem:$0x10A00] =	vst v63  }
0x29d: {  	s25 =	simm.s32 $0x8200  }
0x29e: {  	[tilespmem:s25], [sflag:$0x1] =	stream.indirect_vreg.gather [hbm4b:s4+s2], $0x80, v3, vm0, $0xb8;
	[tilespmem:$0x10A00] =	vst v63  }
0x29f: {  	_ =	swait.ge [sflag:s14], $0x8000  }
0x2a0: {  	[sflag:s14] =	ssyncset.done $0x0  }
0x2a1: {  	s15 =	rddreg [dreg:$0x8];
	[sflag:s14] =	ssyncadd.s32 $0xFFFF8000  }
0x2a2: {  	[hbm4b:s15+s2] =	stream.linear.scatter [tilespmem:s23], [sflag:$0x3], $0x8000, $0x38;
	[tilespmem:$0x10A00] =	vst v63  }
0x2a3: {  	_ =	swait.ge [sflag:s6], $0x8000  }
0x2a4: {  	[sflag:s6] =	ssyncset.done $0x0  }
0x2a5: {  	[sflag:s6] =	ssyncadd.s32 $0xFFFF8000  }
0x2a6: {  	v3 =	vld [tilespmem:$0x380];
	_ =	sdelay $0x4  }
0x2a7: {  	v16 =	vshll.u32 v3, $0x1  }
0x2a8: {  	v3 =	vand.u32 $0x7, v3;
	v4 =	vand.u32 $0xFFFFFFF0, v16  }
0x2a9: {  	v3 =	vor.u32 v3, v4  }
0x2aa: {  	v4 =	vperm.xlane v3, v0;
	_ =	sdelay $0x1  }
0x2ab: {  	v3 =	vperm.xlane v3, v2;
	v4 =	vadd.s32 v1, v4;
	_ =	sdelay $0x1  }
0x2ac: {  	v3 =	vadd.s32 v1, v3;
	_ =	sdelay $0x2  }
0x2ad: {  	[tilespmem:s23], [sflag:$0x2] =	stream.indirect_vreg.gather [hbm4b:s4+s2], $0x80, v4, vm0, $0xb8;
	[tilespmem:$0x10A00] =	vst v63  }
0x2ae: {  	s15 =	simm.s32 $0x9200  }
0x2af: {  	[tilespmem:s15], [sflag:$0x2] =	stream.indirect_vreg.gather [hbm4b:s4+s2], $0x80, v3, vm0, $0xb8;
	[tilespmem:$0x10A00] =	vst v63  }
0x2b0: {  	v3 =	vld [tilespmem:$0x390];
	_ =	sdelay $0x4  }
0x2b1: {  	v17 =	vshll.u32 v3, $0x1  }
0x2b2: {  	v3 =	vand.u32 $0x7, v3;
	v4 =	vand.u32 $0xFFFFFFF0, v17  }
0x2b3: {  	v3 =	vor.u32 v3, v4  }
0x2b4: {  	v4 =	vperm.xlane v3, v0;
	_ =	sdelay $0x1  }
0x2b5: {  	v3 =	vperm.xlane v3, v2;
	v4 =	vadd.s32 v1, v4;
	_ =	sdelay $0x1  }
0x2b6: {  	v3 =	vadd.s32 v1, v3;
	_ =	sdelay $0x1  }
0x2b7: {  	s9 =	simm.s32 $0x9A00  }
0x2b8: {  	[tilespmem:s9], [sflag:$0x2] =	stream.indirect_vreg.gather [hbm4b:s4+s2], $0x80, v4, vm0, $0xb8;
	[tilespmem:$0x10A00] =	vst v63  }
0x2b9: {  	s15 =	simm.s32 $0xA200  }
0x2ba: {  	[tilespmem:s15], [sflag:$0x2] =	stream.indirect_vreg.gather [hbm4b:s4+s2], $0x80, v3, vm0, $0xb8;
	[tilespmem:$0x10A00] =	vst v63  }
0x2bb: {  	v3 =	vld [tilespmem:$0x3A0];
	_ =	sdelay $0x4  }
0x2bc: {  	v18 =	vshll.u32 v3, $0x1  }
0x2bd: {  	v3 =	vand.u32 $0x7, v3;
	v4 =	vand.u32 $0xFFFFFFF0, v18  }
0x2be: {  	v3 =	vor.u32 v3, v4  }
0x2bf: {  	v4 =	vperm.xlane v3, v0;
	_ =	sdelay $0x1  }
0x2c0: {  	v3 =	vperm.xlane v3, v2;
	v4 =	vadd.s32 v1, v4;
	_ =	sdelay $0x1  }
0x2c1: {  	v3 =	vadd.s32 v1, v3;
	_ =	sdelay $0x1  }
0x2c2: {  	s10 =	simm.s32 $0xAA00  }
0x2c3: {  	[tilespmem:s10], [sflag:$0x2] =	stream.indirect_vreg.gather [hbm4b:s4+s2], $0x80, v4, vm0, $0xb8;
	[tilespmem:$0x10A00] =	vst v63  }
0x2c4: {  	s18 =	simm.s32 $0xB200  }
0x2c5: {  	[tilespmem:s18], [sflag:$0x2] =	stream.indirect_vreg.gather [hbm4b:s4+s2], $0x80, v3, vm0, $0xb8;
	[tilespmem:$0x10A00] =	vst v63  }
0x2c6: {  	v3 =	vld [tilespmem:$0x3B0];
	_ =	sdelay $0x4  }
0x2c7: {  	v19 =	vshll.u32 v3, $0x1  }
0x2c8: {  	v3 =	vand.u32 $0x7, v3;
	v4 =	vand.u32 $0xFFFFFFF0, v19  }
0x2c9: {  	v3 =	vor.u32 v3, v4  }
0x2ca: {  	v4 =	vperm.xlane v3, v0;
	_ =	sdelay $0x1  }
0x2cb: {  	v3 =	vperm.xlane v3, v2;
	v4 =	vadd.s32 v1, v4;
	_ =	sdelay $0x1  }
0x2cc: {  	v3 =	vadd.s32 v1, v3;
	_ =	sdelay $0x1  }
0x2cd: {  	s8 =	simm.s32 $0xBA00  }
0x2ce: {  	[tilespmem:s8], [sflag:$0x2] =	stream.indirect_vreg.gather [hbm4b:s4+s2], $0x80, v4, vm0, $0xb8;
	[tilespmem:$0x10A00] =	vst v63  }
0x2cf: {  	s19 =	simm.s32 $0xC200  }
0x2d0: {  	[tilespmem:s19], [sflag:$0x2] =	stream.indirect_vreg.gather [hbm4b:s4+s2], $0x80, v3, vm0, $0xb8;
	[tilespmem:$0x10A00] =	vst v63  }
0x2d1: {  	v3 =	vld [tilespmem:$0x3C0];
	_ =	sdelay $0x4  }
0x2d2: {  	v20 =	vshll.u32 v3, $0x1  }
0x2d3: {  	v3 =	vand.u32 $0x7, v3;
	v4 =	vand.u32 $0xFFFFFFF0, v20  }
0x2d4: {  	v3 =	vor.u32 v3, v4  }
0x2d5: {  	v4 =	vperm.xlane v3, v0;
	_ =	sdelay $0x1  }
0x2d6: {  	v3 =	vperm.xlane v3, v2;
	v4 =	vadd.s32 v1, v4;
	_ =	sdelay $0x1  }
0x2d7: {  	v3 =	vadd.s32 v1, v3;
	_ =	sdelay $0x1  }
0x2d8: {  	s0 =	simm.s32 $0xCA00  }
0x2d9: {  	[tilespmem:s0], [sflag:$0x2] =	stream.indirect_vreg.gather [hbm4b:s4+s2], $0x80, v4, vm0, $0xb8;
	[tilespmem:$0x10A00] =	vst v63  }
0x2da: {  	s11 =	simm.s32 $0xD200  }
0x2db: {  	[tilespmem:s11], [sflag:$0x2] =	stream.indirect_vreg.gather [hbm4b:s4+s2], $0x80, v3, vm0, $0xb8;
	[tilespmem:$0x10A00] =	vst v63  }
0x2dc: {  	v3 =	vld [tilespmem:$0x3D0];
	_ =	sdelay $0x4  }
0x2dd: {  	v21 =	vshll.u32 v3, $0x1  }
0x2de: {  	v3 =	vand.u32 $0x7, v3;
	v4 =	vand.u32 $0xFFFFFFF0, v21  }
0x2df: {  	v3 =	vor.u32 v3, v4  }
0x2e0: {  	v4 =	vperm.xlane v3, v0;
	_ =	sdelay $0x1  }
0x2e1: {  	v3 =	vperm.xlane v3, v2;
	v4 =	vadd.s32 v1, v4;
	_ =	sdelay $0x1  }
0x2e2: {  	v3 =	vadd.s32 v1, v3;
	_ =	sdelay $0x1  }
0x2e3: {  	s1 =	simm.s32 $0xDA00  }
0x2e4: {  	[tilespmem:s1], [sflag:$0x2] =	stream.indirect_vreg.gather [hbm4b:s4+s2], $0x80, v4, vm0, $0xb8;
	[tilespmem:$0x10A00] =	vst v63  }
0x2e5: {  	s12 =	simm.s32 $0xE200  }
0x2e6: {  	[tilespmem:s12], [sflag:$0x2] =	stream.indirect_vreg.gather [hbm4b:s4+s2], $0x80, v3, vm0, $0xb8;
	[tilespmem:$0x10A00] =	vst v63  }
0x2e7: {  	v3 =	vld [tilespmem:$0x3E0];
	_ =	sdelay $0x4  }
0x2e8: {  	v22 =	vshll.u32 v3, $0x1  }
0x2e9: {  	v3 =	vand.u32 $0x7, v3;
	v4 =	vand.u32 $0xFFFFFFF0, v22  }
0x2ea: {  	v3 =	vor.u32 v3, v4  }
0x2eb: {  	v4 =	vperm.xlane v3, v0;
	_ =	sdelay $0x1  }
0x2ec: {  	v3 =	vperm.xlane v3, v2;
	v4 =	vadd.s32 v1, v4;
	_ =	sdelay $0x1  }
0x2ed: {  	v3 =	vadd.s32 v1, v3;
	_ =	sdelay $0x1  }
0x2ee: {  	s3 =	simm.s32 $0xEA00  }
0x2ef: {  	[tilespmem:s3], [sflag:$0x2] =	stream.indirect_vreg.gather [hbm4b:s4+s2], $0x80, v4, vm0, $0xb8;
	[tilespmem:$0x10A00] =	vst v63  }
0x2f0: {  	s16 =	simm.s32 $0xF200  }
0x2f1: {  	[tilespmem:s16], [sflag:$0x2] =	stream.indirect_vreg.gather [hbm4b:s4+s2], $0x80, v3, vm0, $0xb8;
	[tilespmem:$0x10A00] =	vst v63  }
0x2f2: {  	v3 =	vld [tilespmem:$0x3F0];
	_ =	sdelay $0x4  }
0x2f3: {  	v23 =	vshll.u32 v3, $0x1  }
0x2f4: {  	v3 =	vand.u32 $0x7, v3;
	v4 =	vand.u32 $0xFFFFFFF0, v23  }
0x2f5: {  	v3 =	vor.u32 v3, v4  }
0x2f6: {  	v4 =	vperm.xlane v3, v0;
	_ =	sdelay $0x1  }
0x2f7: {  	v3 =	vperm.xlane v3, v2;
	v4 =	vadd.s32 v1, v4;
	_ =	sdelay $0x1  }
0x2f8: {  	v3 =	vadd.s32 v1, v3;
	_ =	sdelay $0x1  }
0x2f9: {  	s5 =	simm.s32 $0xFA00  }
0x2fa: {  	[tilespmem:s5], [sflag:$0x2] =	stream.indirect_vreg.gather [hbm4b:s4+s2], $0x80, v4, vm0, $0xb8;
	[tilespmem:$0x10A00] =	vst v63  }
0x2fb: {  	s17 =	simm.s32 $0x10200  }
0x2fc: {  	[tilespmem:s17], [sflag:$0x2] =	stream.indirect_vreg.gather [hbm4b:s4+s2], $0x80, v3, vm0, $0xb8;
	[tilespmem:$0x10A00] =	vst v63  }
0x2fd: {  	_ =	swait.ge [sflag:s13], $0x8000  }
0x2fe: {  	[sflag:s13] =	ssyncset.done $0x0  }
0x2ff: {  	s15 =	rddreg [dreg:$0x9];
	[sflag:s13] =	ssyncadd.s32 $0xFFFF8000  }
0x300: {  	[hbm4b:s15+s2] =	stream.linear.scatter [tilespmem:s7], [sflag:$0x3], $0x8000, $0x38;
	[tilespmem:$0x10A00] =	vst v63  }
0x301: {  	_ =	swait.ge [sflag:s6], $0x8000  }
0x302: {  	[sflag:s6] =	ssyncset.done $0x0  }
0x303: {  	[sflag:s6] =	ssyncadd.s32 $0xFFFF8000  }
0x304: {  	v3 =	vld [tilespmem:$0x400];
	_ =	sdelay $0x4  }
0x305: {  	v24 =	vshll.u32 v3, $0x1  }
0x306: {  	v3 =	vand.u32 $0x7, v3;
	v4 =	vand.u32 $0xFFFFFFF0, v24  }
0x307: {  	v3 =	vor.u32 v3, v4  }
0x308: {  	v4 =	vperm.xlane v3, v0;
	_ =	sdelay $0x1  }
0x309: {  	v3 =	vperm.xlane v3, v2;
	v4 =	vadd.s32 v1, v4;
	_ =	sdelay $0x1  }
0x30a: {  	v3 =	vadd.s32 v1, v3;
	_ =	sdelay $0x2  }
0x30b: {  	[tilespmem:s7], [sflag:$0x1] =	stream.indirect_vreg.gather [hbm4b:s4+s2], $0x80, v4, vm0, $0xb8;
	[tilespmem:$0x10A00] =	vst v63  }
0x30c: {  	s15 =	simm.s32 $0x1200  }
0x30d: {  	[tilespmem:s15], [sflag:$0x1] =	stream.indirect_vreg.gather [hbm4b:s4+s2], $0x80, v3, vm0, $0xb8;
	[tilespmem:$0x10A00] =	vst v63  }
0x30e: {  	v3 =	vld [tilespmem:$0x410];
	_ =	sdelay $0x4  }
0x30f: {  	v25 =	vshll.u32 v3, $0x1  }
0x310: {  	v3 =	vand.u32 $0x7, v3;
	v4 =	vand.u32 $0xFFFFFFF0, v25  }
0x311: {  	v3 =	vor.u32 v3, v4  }
0x312: {  	v4 =	vperm.xlane v3, v0;
	_ =	sdelay $0x1  }
0x313: {  	v3 =	vperm.xlane v3, v2;
	v4 =	vadd.s32 v1, v4;
	_ =	sdelay $0x1  }
0x314: {  	v3 =	vadd.s32 v1, v3;
	_ =	sdelay $0x1  }
0x315: {  	s15 =	simm.s32 $0x1A00  }
0x316: {  	[tilespmem:s15], [sflag:$0x1] =	stream.indirect_vreg.gather [hbm4b:s4+s2], $0x80, v4, vm0, $0xb8;
	[tilespmem:$0x10A00] =	vst v63  }
0x317: {  	s15 =	simm.s32 $0x2200  }
0x318: {  	[tilespmem:s15], [sflag:$0x1] =	stream.indirect_vreg.gather [hbm4b:s4+s2], $0x80, v3, vm0, $0xb8;
	[tilespmem:$0x10A00] =	vst v63  }
0x319: {  	v3 =	vld [tilespmem:$0x420];
	_ =	sdelay $0x4  }
0x31a: {  	v26 =	vshll.u32 v3, $0x1  }
0x31b: {  	v3 =	vand.u32 $0x7, v3;
	v4 =	vand.u32 $0xFFFFFFF0, v26  }
0x31c: {  	v3 =	vor.u32 v3, v4  }
0x31d: {  	v4 =	vperm.xlane v3, v0;
	_ =	sdelay $0x1  }
0x31e: {  	v3 =	vperm.xlane v3, v2;
	v4 =	vadd.s32 v1, v4;
	_ =	sdelay $0x1  }
0x31f: {  	v3 =	vadd.s32 v1, v3;
	_ =	sdelay $0x1  }
0x320: {  	s20 =	simm.s32 $0x2A00  }
0x321: {  	[tilespmem:s20], [sflag:$0x1] =	stream.indirect_vreg.gather [hbm4b:s4+s2], $0x80, v4, vm0, $0xb8;
	[tilespmem:$0x10A00] =	vst v63  }
0x322: {  	s22 =	simm.s32 $0x3200  }
0x323: {  	[tilespmem:s22], [sflag:$0x1] =	stream.indirect_vreg.gather [hbm4b:s4+s2], $0x80, v3, vm0, $0xb8;
	[tilespmem:$0x10A00] =	vst v63  }
0x324: {  	v3 =	vld [tilespmem:$0x430];
	_ =	sdelay $0x4  }
0x325: {  	v27 =	vshll.u32 v3, $0x1  }
0x326: {  	v3 =	vand.u32 $0x7, v3;
	v4 =	vand.u32 $0xFFFFFFF0, v27  }
0x327: {  	v3 =	vor.u32 v3, v4  }
0x328: {  	v4 =	vperm.xlane v3, v0;
	_ =	sdelay $0x1  }
0x329: {  	v3 =	vperm.xlane v3, v2;
	v4 =	vadd.s32 v1, v4;
	_ =	sdelay $0x1  }
0x32a: {  	v3 =	vadd.s32 v1, v3;
	_ =	sdelay $0x1  }
0x32b: {  	s21 =	simm.s32 $0x3A00  }
0x32c: {  	[tilespmem:s21], [sflag:$0x1] =	stream.indirect_vreg.gather [hbm4b:s4+s2], $0x80, v4, vm0, $0xb8;
	[tilespmem:$0x10A00] =	vst v63  }
0x32d: {  	s15 =	simm.s32 $0x4200  }
0x32e: {  	[tilespmem:s15], [sflag:$0x1] =	stream.indirect_vreg.gather [hbm4b:s4+s2], $0x80, v3, vm0, $0xb8;
	[tilespmem:$0x10A00] =	vst v63  }
0x32f: {  	v3 =	vld [tilespmem:$0x440];
	_ =	sdelay $0x4  }
0x330: {  	v28 =	vshll.u32 v3, $0x1  }
0x331: {  	v3 =	vand.u32 $0x7, v3;
	v4 =	vand.u32 $0xFFFFFFF0, v28  }
0x332: {  	v3 =	vor.u32 v3, v4  }
0x333: {  	v4 =	vperm.xlane v3, v0;
	_ =	sdelay $0x1  }
0x334: {  	v3 =	vperm.xlane v3, v2;
	v4 =	vadd.s32 v1, v4;
	_ =	sdelay $0x1  }
0x335: {  	v3 =	vadd.s32 v1, v3;
	_ =	sdelay $0x1  }
0x336: {  	s24 =	simm.s32 $0x4A00  }
0x337: {  	[tilespmem:s24], [sflag:$0x1] =	stream.indirect_vreg.gather [hbm4b:s4+s2], $0x80, v4, vm0, $0xb8;
	[tilespmem:$0x10A00] =	vst v63  }
0x338: {  	s26 =	simm.s32 $0x5200  }
0x339: {  	[tilespmem:s26], [sflag:$0x1] =	stream.indirect_vreg.gather [hbm4b:s4+s2], $0x80, v3, vm0, $0xb8;
	[tilespmem:$0x10A00] =	vst v63  }
0x33a: {  	v3 =	vld [tilespmem:$0x450];
	_ =	sdelay $0x4  }
0x33b: {  	v29 =	vshll.u32 v3, $0x1  }
0x33c: {  	v3 =	vand.u32 $0x7, v3;
	v4 =	vand.u32 $0xFFFFFFF0, v29  }
0x33d: {  	v3 =	vor.u32 v3, v4  }
0x33e: {  	v4 =	vperm.xlane v3, v0;
	_ =	sdelay $0x1  }
0x33f: {  	v3 =	vperm.xlane v3, v2;
	v4 =	vadd.s32 v1, v4;
	_ =	sdelay $0x1  }
0x340: {  	v3 =	vadd.s32 v1, v3;
	_ =	sdelay $0x1  }
0x341: {  	s15 =	simm.s32 $0x5A00  }
0x342: {  	[tilespmem:s15], [sflag:$0x1] =	stream.indirect_vreg.gather [hbm4b:s4+s2], $0x80, v4, vm0, $0xb8;
	[tilespmem:$0x10A00] =	vst v63  }
0x343: {  	s28 =	simm.s32 $0x6200  }
0x344: {  	[tilespmem:s28], [sflag:$0x1] =	stream.indirect_vreg.gather [hbm4b:s4+s2], $0x80, v3, vm0, $0xb8;
	[tilespmem:$0x10A00] =	vst v63  }
0x345: {  	v3 =	vld [tilespmem:$0x460];
	_ =	sdelay $0x4  }
0x346: {  	v30 =	vshll.u32 v3, $0x1  }
0x347: {  	v3 =	vand.u32 $0x7, v3;
	v4 =	vand.u32 $0xFFFFFFF0, v30  }
0x348: {  	v3 =	vor.u32 v3, v4  }
0x349: {  	v4 =	vperm.xlane v3, v0;
	_ =	sdelay $0x1  }
0x34a: {  	v3 =	vperm.xlane v3, v2;
	v4 =	vadd.s32 v1, v4;
	_ =	sdelay $0x1  }
0x34b: {  	v3 =	vadd.s32 v1, v3;
	_ =	sdelay $0x1  }
0x34c: {  	s29 =	simm.s32 $0x6A00  }
0x34d: {  	[tilespmem:s29], [sflag:$0x1] =	stream.indirect_vreg.gather [hbm4b:s4+s2], $0x80, v4, vm0, $0xb8;
	[tilespmem:$0x10A00] =	vst v63  }
0x34e: {  	s30 =	simm.s32 $0x7200  }
0x34f: {  	[tilespmem:s30], [sflag:$0x1] =	stream.indirect_vreg.gather [hbm4b:s4+s2], $0x80, v3, vm0, $0xb8;
	[tilespmem:$0x10A00] =	vst v63  }
0x350: {  	v3 =	vld [tilespmem:$0x470];
	_ =	sdelay $0x4  }
0x351: {  	v31 =	vshll.u32 v3, $0x1  }
0x352: {  	v3 =	vand.u32 $0x7, v3;
	v4 =	vand.u32 $0xFFFFFFF0, v31  }
0x353: {  	v3 =	vor.u32 v3, v4  }
0x354: {  	v4 =	vperm.xlane v3, v0;
	_ =	sdelay $0x1  }
0x355: {  	v3 =	vperm.xlane v3, v2;
	v4 =	vadd.s32 v1, v4;
	_ =	sdelay $0x1  }
0x356: {  	v3 =	vadd.s32 v1, v3;
	_ =	sdelay $0x1  }
0x357: {  	s31 =	simm.s32 $0x7A00  }
0x358: {  	[tilespmem:s31], [sflag:$0x1] =	stream.indirect_vreg.gather [hbm4b:s4+s2], $0x80, v4, vm0, $0xb8;
	[tilespmem:$0x10A00] =	vst v63  }
0x359: {  	s25 =	simm.s32 $0x8200  }
0x35a: {  	[tilespmem:s25], [sflag:$0x1] =	stream.indirect_vreg.gather [hbm4b:s4+s2], $0x80, v3, vm0, $0xb8;
	[tilespmem:$0x10A00] =	vst v63  }
0x35b: {  	_ =	swait.ge [sflag:s14], $0x8000  }
0x35c: {  	[sflag:s14] =	ssyncset.done $0x0  }
0x35d: {  	s15 =	rddreg [dreg:$0xa];
	[sflag:s14] =	ssyncadd.s32 $0xFFFF8000  }
0x35e: {  	[hbm4b:s15+s2] =	stream.linear.scatter [tilespmem:s23], [sflag:$0x3], $0x8000, $0x38;
	[tilespmem:$0x10A00] =	vst v63  }
0x35f: {  	_ =	swait.ge [sflag:s6], $0x8000  }
0x360: {  	[sflag:s6] =	ssyncset.done $0x0  }
0x361: {  	[sflag:s6] =	ssyncadd.s32 $0xFFFF8000  }
0x362: {  	v3 =	vld [tilespmem:$0x480];
	_ =	sdelay $0x4  }
0x363: {  	v32 =	vshll.u32 v3, $0x1  }
0x364: {  	v3 =	vand.u32 $0x7, v3;
	v4 =	vand.u32 $0xFFFFFFF0, v32  }
0x365: {  	v3 =	vor.u32 v3, v4  }
0x366: {  	v4 =	vperm.xlane v3, v0;
	_ =	sdelay $0x1  }
0x367: {  	v3 =	vperm.xlane v3, v2;
	v4 =	vadd.s32 v1, v4;
	_ =	sdelay $0x1  }
0x368: {  	v3 =	vadd.s32 v1, v3;
	_ =	sdelay $0x2  }
0x369: {  	[tilespmem:s23], [sflag:$0x2] =	stream.indirect_vreg.gather [hbm4b:s4+s2], $0x80, v4, vm0, $0xb8;
	[tilespmem:$0x10A00] =	vst v63  }
0x36a: {  	s15 =	simm.s32 $0x9200  }
0x36b: {  	[tilespmem:s15], [sflag:$0x2] =	stream.indirect_vreg.gather [hbm4b:s4+s2], $0x80, v3, vm0, $0xb8;
	[tilespmem:$0x10A00] =	vst v63  }
0x36c: {  	v3 =	vld [tilespmem:$0x490];
	_ =	sdelay $0x4  }
0x36d: {  	v33 =	vshll.u32 v3, $0x1  }
0x36e: {  	v3 =	vand.u32 $0x7, v3;
	v4 =	vand.u32 $0xFFFFFFF0, v33  }
0x36f: {  	v3 =	vor.u32 v3, v4  }
0x370: {  	v4 =	vperm.xlane v3, v0;
	_ =	sdelay $0x1  }
0x371: {  	v3 =	vperm.xlane v3, v2;
	v4 =	vadd.s32 v1, v4;
	_ =	sdelay $0x1  }
0x372: {  	v3 =	vadd.s32 v1, v3;
	_ =	sdelay $0x1  }
0x373: {  	s9 =	simm.s32 $0x9A00  }
0x374: {  	[tilespmem:s9], [sflag:$0x2] =	stream.indirect_vreg.gather [hbm4b:s4+s2], $0x80, v4, vm0, $0xb8;
	[tilespmem:$0x10A00] =	vst v63  }
0x375: {  	s15 =	simm.s32 $0xA200  }
0x376: {  	[tilespmem:s15], [sflag:$0x2] =	stream.indirect_vreg.gather [hbm4b:s4+s2], $0x80, v3, vm0, $0xb8;
	[tilespmem:$0x10A00] =	vst v63  }
0x377: {  	v3 =	vld [tilespmem:$0x4A0];
	_ =	sdelay $0x4  }
0x378: {  	v34 =	vshll.u32 v3, $0x1  }
0x379: {  	v3 =	vand.u32 $0x7, v3;
	v4 =	vand.u32 $0xFFFFFFF0, v34  }
0x37a: {  	v3 =	vor.u32 v3, v4  }
0x37b: {  	v4 =	vperm.xlane v3, v0;
	_ =	sdelay $0x1  }
0x37c: {  	v3 =	vperm.xlane v3, v2;
	v4 =	vadd.s32 v1, v4;
	_ =	sdelay $0x1  }
0x37d: {  	v3 =	vadd.s32 v1, v3;
	_ =	sdelay $0x1  }
0x37e: {  	s10 =	simm.s32 $0xAA00  }
0x37f: {  	[tilespmem:s10], [sflag:$0x2] =	stream.indirect_vreg.gather [hbm4b:s4+s2], $0x80, v4, vm0, $0xb8;
	[tilespmem:$0x10A00] =	vst v63  }
0x380: {  	s18 =	simm.s32 $0xB200  }
0x381: {  	[tilespmem:s18], [sflag:$0x2] =	stream.indirect_vreg.gather [hbm4b:s4+s2], $0x80, v3, vm0, $0xb8;
	[tilespmem:$0x10A00] =	vst v63  }
0x382: {  	v3 =	vld [tilespmem:$0x4B0];
	_ =	sdelay $0x4  }
0x383: {  	v35 =	vshll.u32 v3, $0x1  }
0x384: {  	v3 =	vand.u32 $0x7, v3;
	v4 =	vand.u32 $0xFFFFFFF0, v35  }
0x385: {  	v3 =	vor.u32 v3, v4  }
0x386: {  	v4 =	vperm.xlane v3, v0;
	_ =	sdelay $0x1  }
0x387: {  	v3 =	vperm.xlane v3, v2;
	v4 =	vadd.s32 v1, v4;
	_ =	sdelay $0x1  }
0x388: {  	v3 =	vadd.s32 v1, v3;
	_ =	sdelay $0x1  }
0x389: {  	s8 =	simm.s32 $0xBA00  }
0x38a: {  	[tilespmem:s8], [sflag:$0x2] =	stream.indirect_vreg.gather [hbm4b:s4+s2], $0x80, v4, vm0, $0xb8;
	[tilespmem:$0x10A00] =	vst v63  }
0x38b: {  	s19 =	simm.s32 $0xC200  }
0x38c: {  	[tilespmem:s19], [sflag:$0x2] =	stream.indirect_vreg.gather [hbm4b:s4+s2], $0x80, v3, vm0, $0xb8;
	[tilespmem:$0x10A00] =	vst v63  }
0x38d: {  	v3 =	vld [tilespmem:$0x4C0];
	_ =	sdelay $0x4  }
0x38e: {  	v36 =	vshll.u32 v3, $0x1  }
0x38f: {  	v3 =	vand.u32 $0x7, v3;
	v4 =	vand.u32 $0xFFFFFFF0, v36  }
0x390: {  	v3 =	vor.u32 v3, v4  }
0x391: {  	v4 =	vperm.xlane v3, v0;
	_ =	sdelay $0x1  }
0x392: {  	v3 =	vperm.xlane v3, v2;
	v4 =	vadd.s32 v1, v4;
	_ =	sdelay $0x1  }
0x393: {  	v3 =	vadd.s32 v1, v3;
	_ =	sdelay $0x1  }
0x394: {  	s0 =	simm.s32 $0xCA00  }
0x395: {  	[tilespmem:s0], [sflag:$0x2] =	stream.indirect_vreg.gather [hbm4b:s4+s2], $0x80, v4, vm0, $0xb8;
	[tilespmem:$0x10A00] =	vst v63  }
0x396: {  	s11 =	simm.s32 $0xD200  }
0x397: {  	[tilespmem:s11], [sflag:$0x2] =	stream.indirect_vreg.gather [hbm4b:s4+s2], $0x80, v3, vm0, $0xb8;
	[tilespmem:$0x10A00] =	vst v63  }
0x398: {  	v3 =	vld [tilespmem:$0x4D0];
	_ =	sdelay $0x4  }
0x399: {  	v37 =	vshll.u32 v3, $0x1  }
0x39a: {  	v3 =	vand.u32 $0x7, v3;
	v4 =	vand.u32 $0xFFFFFFF0, v37  }
0x39b: {  	v3 =	vor.u32 v3, v4  }
0x39c: {  	v4 =	vperm.xlane v3, v0;
	_ =	sdelay $0x1  }
0x39d: {  	v3 =	vperm.xlane v3, v2;
	v4 =	vadd.s32 v1, v4;
	_ =	sdelay $0x1  }
0x39e: {  	v3 =	vadd.s32 v1, v3;
	_ =	sdelay $0x1  }
0x39f: {  	s1 =	simm.s32 $0xDA00  }
0x3a0: {  	[tilespmem:s1], [sflag:$0x2] =	stream.indirect_vreg.gather [hbm4b:s4+s2], $0x80, v4, vm0, $0xb8;
	[tilespmem:$0x10A00] =	vst v63  }
0x3a1: {  	s12 =	simm.s32 $0xE200  }
0x3a2: {  	[tilespmem:s12], [sflag:$0x2] =	stream.indirect_vreg.gather [hbm4b:s4+s2], $0x80, v3, vm0, $0xb8;
	[tilespmem:$0x10A00] =	vst v63  }
0x3a3: {  	v3 =	vld [tilespmem:$0x4E0];
	_ =	sdelay $0x4  }
0x3a4: {  	v38 =	vshll.u32 v3, $0x1  }
0x3a5: {  	v3 =	vand.u32 $0x7, v3;
	v4 =	vand.u32 $0xFFFFFFF0, v38  }
0x3a6: {  	v3 =	vor.u32 v3, v4  }
0x3a7: {  	v4 =	vperm.xlane v3, v0;
	_ =	sdelay $0x1  }
0x3a8: {  	v3 =	vperm.xlane v3, v2;
	v4 =	vadd.s32 v1, v4;
	_ =	sdelay $0x1  }
0x3a9: {  	v3 =	vadd.s32 v1, v3;
	_ =	sdelay $0x1  }
0x3aa: {  	s3 =	simm.s32 $0xEA00  }
0x3ab: {  	[tilespmem:s3], [sflag:$0x2] =	stream.indirect_vreg.gather [hbm4b:s4+s2], $0x80, v4, vm0, $0xb8;
	[tilespmem:$0x10A00] =	vst v63  }
0x3ac: {  	s16 =	simm.s32 $0xF200  }
0x3ad: {  	[tilespmem:s16], [sflag:$0x2] =	stream.indirect_vreg.gather [hbm4b:s4+s2], $0x80, v3, vm0, $0xb8;
	[tilespmem:$0x10A00] =	vst v63  }
0x3ae: {  	v3 =	vld [tilespmem:$0x4F0];
	_ =	sdelay $0x4  }
0x3af: {  	v39 =	vshll.u32 v3, $0x1  }
0x3b0: {  	v3 =	vand.u32 $0x7, v3;
	v4 =	vand.u32 $0xFFFFFFF0, v39  }
0x3b1: {  	v3 =	vor.u32 v3, v4  }
0x3b2: {  	v4 =	vperm.xlane v3, v0;
	_ =	sdelay $0x1  }
0x3b3: {  	v3 =	vperm.xlane v3, v2;
	v4 =	vadd.s32 v1, v4;
	_ =	sdelay $0x1  }
0x3b4: {  	v3 =	vadd.s32 v1, v3;
	_ =	sdelay $0x1  }
0x3b5: {  	s5 =	simm.s32 $0xFA00  }
0x3b6: {  	[tilespmem:s5], [sflag:$0x2] =	stream.indirect_vreg.gather [hbm4b:s4+s2], $0x80, v4, vm0, $0xb8;
	[tilespmem:$0x10A00] =	vst v63  }
0x3b7: {  	s17 =	simm.s32 $0x10200  }
0x3b8: {  	[tilespmem:s17], [sflag:$0x2] =	stream.indirect_vreg.gather [hbm4b:s4+s2], $0x80, v3, vm0, $0xb8;
	[tilespmem:$0x10A00] =	vst v63  }
0x3b9: {  	_ =	swait.ge [sflag:s13], $0x8000  }
0x3ba: {  	[sflag:s13] =	ssyncset.done $0x0  }
0x3bb: {  	s15 =	rddreg [dreg:$0xb];
	[sflag:s13] =	ssyncadd.s32 $0xFFFF8000  }
0x3bc: {  	[hbm4b:s15+s2] =	stream.linear.scatter [tilespmem:s7], [sflag:$0x3], $0x8000, $0x38;
	[tilespmem:$0x10A00] =	vst v63  }
0x3bd: {  	_ =	swait.ge [sflag:s6], $0x8000  }
0x3be: {  	[sflag:s6] =	ssyncset.done $0x0  }
0x3bf: {  	[sflag:s6] =	ssyncadd.s32 $0xFFFF8000  }
0x3c0: {  	v3 =	vld [tilespmem:$0x500];
	_ =	sdelay $0x4  }
0x3c1: {  	v40 =	vshll.u32 v3, $0x1  }
0x3c2: {  	v3 =	vand.u32 $0x7, v3;
	v4 =	vand.u32 $0xFFFFFFF0, v40  }
0x3c3: {  	v3 =	vor.u32 v3, v4  }
0x3c4: {  	v4 =	vperm.xlane v3, v0;
	_ =	sdelay $0x1  }
0x3c5: {  	v3 =	vperm.xlane v3, v2;
	v4 =	vadd.s32 v1, v4;
	_ =	sdelay $0x1  }
0x3c6: {  	v3 =	vadd.s32 v1, v3;
	_ =	sdelay $0x2  }
0x3c7: {  	[tilespmem:s7], [sflag:$0x1] =	stream.indirect_vreg.gather [hbm4b:s4+s2], $0x80, v4, vm0, $0xb8;
	[tilespmem:$0x10A00] =	vst v63  }
0x3c8: {  	s15 =	simm.s32 $0x1200  }
0x3c9: {  	[tilespmem:s15], [sflag:$0x1] =	stream.indirect_vreg.gather [hbm4b:s4+s2], $0x80, v3, vm0, $0xb8;
	[tilespmem:$0x10A00] =	vst v63  }
0x3ca: {  	v3 =	vld [tilespmem:$0x510];
	_ =	sdelay $0x4  }
0x3cb: {  	v41 =	vshll.u32 v3, $0x1  }
0x3cc: {  	v3 =	vand.u32 $0x7, v3;
	v4 =	vand.u32 $0xFFFFFFF0, v41  }
0x3cd: {  	v3 =	vor.u32 v3, v4  }
0x3ce: {  	v4 =	vperm.xlane v3, v0;
	_ =	sdelay $0x1  }
0x3cf: {  	v3 =	vperm.xlane v3, v2;
	v4 =	vadd.s32 v1, v4;
	_ =	sdelay $0x1  }
0x3d0: {  	v3 =	vadd.s32 v1, v3;
	_ =	sdelay $0x1  }
0x3d1: {  	s15 =	simm.s32 $0x1A00  }
0x3d2: {  	[tilespmem:s15], [sflag:$0x1] =	stream.indirect_vreg.gather [hbm4b:s4+s2], $0x80, v4, vm0, $0xb8;
	[tilespmem:$0x10A00] =	vst v63  }
0x3d3: {  	s15 =	simm.s32 $0x2200  }
0x3d4: {  	[tilespmem:s15], [sflag:$0x1] =	stream.indirect_vreg.gather [hbm4b:s4+s2], $0x80, v3, vm0, $0xb8;
	[tilespmem:$0x10A00] =	vst v63  }
0x3d5: {  	v3 =	vld [tilespmem:$0x520];
	_ =	sdelay $0x4  }
0x3d6: {  	v42 =	vshll.u32 v3, $0x1  }
0x3d7: {  	v3 =	vand.u32 $0x7, v3;
	v4 =	vand.u32 $0xFFFFFFF0, v42  }
0x3d8: {  	v3 =	vor.u32 v3, v4  }
0x3d9: {  	v4 =	vperm.xlane v3, v0;
	_ =	sdelay $0x1  }
0x3da: {  	v3 =	vperm.xlane v3, v2;
	v4 =	vadd.s32 v1, v4;
	_ =	sdelay $0x1  }
0x3db: {  	v3 =	vadd.s32 v1, v3;
	_ =	sdelay $0x1  }
0x3dc: {  	s20 =	simm.s32 $0x2A00  }
0x3dd: {  	[tilespmem:s20], [sflag:$0x1] =	stream.indirect_vreg.gather [hbm4b:s4+s2], $0x80, v4, vm0, $0xb8;
	[tilespmem:$0x10A00] =	vst v63  }
0x3de: {  	s22 =	simm.s32 $0x3200  }
0x3df: {  	[tilespmem:s22], [sflag:$0x1] =	stream.indirect_vreg.gather [hbm4b:s4+s2], $0x80, v3, vm0, $0xb8;
	[tilespmem:$0x10A00] =	vst v63  }
0x3e0: {  	v3 =	vld [tilespmem:$0x530];
	_ =	sdelay $0x4  }
0x3e1: {  	v43 =	vshll.u32 v3, $0x1  }
0x3e2: {  	v3 =	vand.u32 $0x7, v3;
	v4 =	vand.u32 $0xFFFFFFF0, v43  }
0x3e3: {  	v3 =	vor.u32 v3, v4  }
0x3e4: {  	v4 =	vperm.xlane v3, v0;
	_ =	sdelay $0x1  }
0x3e5: {  	v3 =	vperm.xlane v3, v2;
	v4 =	vadd.s32 v1, v4;
	_ =	sdelay $0x1  }
0x3e6: {  	v3 =	vadd.s32 v1, v3;
	_ =	sdelay $0x1  }
0x3e7: {  	s21 =	simm.s32 $0x3A00  }
0x3e8: {  	[tilespmem:s21], [sflag:$0x1] =	stream.indirect_vreg.gather [hbm4b:s4+s2], $0x80, v4, vm0, $0xb8;
	[tilespmem:$0x10A00] =	vst v63  }
0x3e9: {  	s15 =	simm.s32 $0x4200  }
0x3ea: {  	[tilespmem:s15], [sflag:$0x1] =	stream.indirect_vreg.gather [hbm4b:s4+s2], $0x80, v3, vm0, $0xb8;
	[tilespmem:$0x10A00] =	vst v63  }
0x3eb: {  	v3 =	vld [tilespmem:$0x540];
	_ =	sdelay $0x4  }
0x3ec: {  	v44 =	vshll.u32 v3, $0x1  }
0x3ed: {  	v3 =	vand.u32 $0x7, v3;
	v4 =	vand.u32 $0xFFFFFFF0, v44  }
0x3ee: {  	v3 =	vor.u32 v3, v4  }
0x3ef: {  	v4 =	vperm.xlane v3, v0;
	_ =	sdelay $0x1  }
0x3f0: {  	v3 =	vperm.xlane v3, v2;
	v4 =	vadd.s32 v1, v4;
	_ =	sdelay $0x1  }
0x3f1: {  	v3 =	vadd.s32 v1, v3;
	_ =	sdelay $0x1  }
0x3f2: {  	s24 =	simm.s32 $0x4A00  }
0x3f3: {  	[tilespmem:s24], [sflag:$0x1] =	stream.indirect_vreg.gather [hbm4b:s4+s2], $0x80, v4, vm0, $0xb8;
	[tilespmem:$0x10A00] =	vst v63  }
0x3f4: {  	s26 =	simm.s32 $0x5200  }
0x3f5: {  	[tilespmem:s26], [sflag:$0x1] =	stream.indirect_vreg.gather [hbm4b:s4+s2], $0x80, v3, vm0, $0xb8;
	[tilespmem:$0x10A00] =	vst v63  }
0x3f6: {  	v3 =	vld [tilespmem:$0x550];
	_ =	sdelay $0x4  }
0x3f7: {  	v45 =	vshll.u32 v3, $0x1  }
0x3f8: {  	v3 =	vand.u32 $0x7, v3;
	v4 =	vand.u32 $0xFFFFFFF0, v45  }
0x3f9: {  	v3 =	vor.u32 v3, v4  }
0x3fa: {  	v4 =	vperm.xlane v3, v0;
	_ =	sdelay $0x1  }
0x3fb: {  	v3 =	vperm.xlane v3, v2;
	v4 =	vadd.s32 v1, v4;
	_ =	sdelay $0x1  }
0x3fc: {  	v3 =	vadd.s32 v1, v3;
	_ =	sdelay $0x1  }
0x3fd: {  	s15 =	simm.s32 $0x5A00  }
0x3fe: {  	[tilespmem:s15], [sflag:$0x1] =	stream.indirect_vreg.gather [hbm4b:s4+s2], $0x80, v4, vm0, $0xb8;
	[tilespmem:$0x10A00] =	vst v63  }
0x3ff: {  	s28 =	simm.s32 $0x6200  }
0x400: {  	[tilespmem:s28], [sflag:$0x1] =	stream.indirect_vreg.gather [hbm4b:s4+s2], $0x80, v3, vm0, $0xb8;
	[tilespmem:$0x10A00] =	vst v63  }
0x401: {  	v3 =	vld [tilespmem:$0x560];
	_ =	sdelay $0x4  }
0x402: {  	v46 =	vshll.u32 v3, $0x1  }
0x403: {  	v3 =	vand.u32 $0x7, v3;
	v4 =	vand.u32 $0xFFFFFFF0, v46  }
0x404: {  	v3 =	vor.u32 v3, v4  }
0x405: {  	v4 =	vperm.xlane v3, v0;
	_ =	sdelay $0x1  }
0x406: {  	v3 =	vperm.xlane v3, v2;
	v4 =	vadd.s32 v1, v4;
	_ =	sdelay $0x1  }
0x407: {  	v3 =	vadd.s32 v1, v3;
	_ =	sdelay $0x1  }
0x408: {  	s29 =	simm.s32 $0x6A00  }
0x409: {  	[tilespmem:s29], [sflag:$0x1] =	stream.indirect_vreg.gather [hbm4b:s4+s2], $0x80, v4, vm0, $0xb8;
	[tilespmem:$0x10A00] =	vst v63  }
0x40a: {  	s30 =	simm.s32 $0x7200  }
0x40b: {  	[tilespmem:s30], [sflag:$0x1] =	stream.indirect_vreg.gather [hbm4b:s4+s2], $0x80, v3, vm0, $0xb8;
	[tilespmem:$0x10A00] =	vst v63  }
0x40c: {  	v3 =	vld [tilespmem:$0x570];
	_ =	sdelay $0x4  }
0x40d: {  	v47 =	vshll.u32 v3, $0x1  }
0x40e: {  	v3 =	vand.u32 $0x7, v3;
	v4 =	vand.u32 $0xFFFFFFF0, v47  }
0x40f: {  	v3 =	vor.u32 v3, v4  }
0x410: {  	v4 =	vperm.xlane v3, v0;
	_ =	sdelay $0x1  }
0x411: {  	v3 =	vperm.xlane v3, v2;
	v4 =	vadd.s32 v1, v4;
	_ =	sdelay $0x1  }
0x412: {  	v3 =	vadd.s32 v1, v3;
	_ =	sdelay $0x1  }
0x413: {  	s31 =	simm.s32 $0x7A00  }
0x414: {  	[tilespmem:s31], [sflag:$0x1] =	stream.indirect_vreg.gather [hbm4b:s4+s2], $0x80, v4, vm0, $0xb8;
	[tilespmem:$0x10A00] =	vst v63  }
0x415: {  	s25 =	simm.s32 $0x8200  }
0x416: {  	[tilespmem:s25], [sflag:$0x1] =	stream.indirect_vreg.gather [hbm4b:s4+s2], $0x80, v3, vm0, $0xb8;
	[tilespmem:$0x10A00] =	vst v63  }
0x417: {  	_ =	swait.ge [sflag:s14], $0x8000  }
0x418: {  	[sflag:s14] =	ssyncset.done $0x0  }
0x419: {  	s15 =	rddreg [dreg:$0xc];
	[sflag:s14] =	ssyncadd.s32 $0xFFFF8000  }
0x41a: {  	[hbm4b:s15+s2] =	stream.linear.scatter [tilespmem:s23], [sflag:$0x3], $0x8000, $0x38;
	[tilespmem:$0x10A00] =	vst v63  }
0x41b: {  	_ =	swait.ge [sflag:s6], $0x8000  }
0x41c: {  	[sflag:s6] =	ssyncset.done $0x0  }
0x41d: {  	[sflag:s6] =	ssyncadd.s32 $0xFFFF8000  }
0x41e: {  	v3 =	vld [tilespmem:$0x580];
	_ =	sdelay $0x4  }
0x41f: {  	v48 =	vshll.u32 v3, $0x1  }
0x420: {  	v3 =	vand.u32 $0x7, v3;
	v4 =	vand.u32 $0xFFFFFFF0, v48  }
0x421: {  	v3 =	vor.u32 v3, v4  }
0x422: {  	v4 =	vperm.xlane v3, v0;
	_ =	sdelay $0x1  }
0x423: {  	v3 =	vperm.xlane v3, v2;
	v4 =	vadd.s32 v1, v4;
	_ =	sdelay $0x1  }
0x424: {  	v3 =	vadd.s32 v1, v3;
	_ =	sdelay $0x2  }
0x425: {  	[tilespmem:s23], [sflag:$0x2] =	stream.indirect_vreg.gather [hbm4b:s4+s2], $0x80, v4, vm0, $0xb8;
	[tilespmem:$0x10A00] =	vst v63  }
0x426: {  	s15 =	simm.s32 $0x9200  }
0x427: {  	[tilespmem:s15], [sflag:$0x2] =	stream.indirect_vreg.gather [hbm4b:s4+s2], $0x80, v3, vm0, $0xb8;
	[tilespmem:$0x10A00] =	vst v63  }
0x428: {  	v3 =	vld [tilespmem:$0x590];
	_ =	sdelay $0x4  }
0x429: {  	v49 =	vshll.u32 v3, $0x1  }
0x42a: {  	v3 =	vand.u32 $0x7, v3;
	v4 =	vand.u32 $0xFFFFFFF0, v49  }
0x42b: {  	v3 =	vor.u32 v3, v4  }
0x42c: {  	v4 =	vperm.xlane v3, v0;
	_ =	sdelay $0x1  }
0x42d: {  	v3 =	vperm.xlane v3, v2;
	v4 =	vadd.s32 v1, v4;
	_ =	sdelay $0x1  }
0x42e: {  	v3 =	vadd.s32 v1, v3;
	_ =	sdelay $0x1  }
0x42f: {  	s9 =	simm.s32 $0x9A00  }
0x430: {  	[tilespmem:s9], [sflag:$0x2] =	stream.indirect_vreg.gather [hbm4b:s4+s2], $0x80, v4, vm0, $0xb8;
	[tilespmem:$0x10A00] =	vst v63  }
0x431: {  	s15 =	simm.s32 $0xA200  }
0x432: {  	[tilespmem:s15], [sflag:$0x2] =	stream.indirect_vreg.gather [hbm4b:s4+s2], $0x80, v3, vm0, $0xb8;
	[tilespmem:$0x10A00] =	vst v63  }
0x433: {  	v3 =	vld [tilespmem:$0x5A0];
	_ =	sdelay $0x4  }
0x434: {  	v50 =	vshll.u32 v3, $0x1  }
0x435: {  	v3 =	vand.u32 $0x7, v3;
	v4 =	vand.u32 $0xFFFFFFF0, v50  }
0x436: {  	v3 =	vor.u32 v3, v4  }
0x437: {  	v4 =	vperm.xlane v3, v0;
	_ =	sdelay $0x1  }
0x438: {  	v3 =	vperm.xlane v3, v2;
	v4 =	vadd.s32 v1, v4;
	_ =	sdelay $0x1  }
0x439: {  	v3 =	vadd.s32 v1, v3;
	_ =	sdelay $0x1  }
0x43a: {  	s10 =	simm.s32 $0xAA00  }
0x43b: {  	[tilespmem:s10], [sflag:$0x2] =	stream.indirect_vreg.gather [hbm4b:s4+s2], $0x80, v4, vm0, $0xb8;
	[tilespmem:$0x10A00] =	vst v63  }
0x43c: {  	s18 =	simm.s32 $0xB200  }
0x43d: {  	[tilespmem:s18], [sflag:$0x2] =	stream.indirect_vreg.gather [hbm4b:s4+s2], $0x80, v3, vm0, $0xb8;
	[tilespmem:$0x10A00] =	vst v63  }
0x43e: {  	v3 =	vld [tilespmem:$0x5B0];
	_ =	sdelay $0x4  }
0x43f: {  	v51 =	vshll.u32 v3, $0x1  }
0x440: {  	v3 =	vand.u32 $0x7, v3;
	v4 =	vand.u32 $0xFFFFFFF0, v51  }
0x441: {  	v3 =	vor.u32 v3, v4  }
0x442: {  	v4 =	vperm.xlane v3, v0;
	_ =	sdelay $0x1  }
0x443: {  	v3 =	vperm.xlane v3, v2;
	v4 =	vadd.s32 v1, v4;
	_ =	sdelay $0x1  }
0x444: {  	v3 =	vadd.s32 v1, v3;
	_ =	sdelay $0x1  }
0x445: {  	s8 =	simm.s32 $0xBA00  }
0x446: {  	[tilespmem:s8], [sflag:$0x2] =	stream.indirect_vreg.gather [hbm4b:s4+s2], $0x80, v4, vm0, $0xb8;
	[tilespmem:$0x10A00] =	vst v63  }
0x447: {  	s19 =	simm.s32 $0xC200  }
0x448: {  	[tilespmem:s19], [sflag:$0x2] =	stream.indirect_vreg.gather [hbm4b:s4+s2], $0x80, v3, vm0, $0xb8;
	[tilespmem:$0x10A00] =	vst v63  }
0x449: {  	v3 =	vld [tilespmem:$0x5C0];
	_ =	sdelay $0x4  }
0x44a: {  	v52 =	vshll.u32 v3, $0x1  }
0x44b: {  	v3 =	vand.u32 $0x7, v3;
	v4 =	vand.u32 $0xFFFFFFF0, v52  }
0x44c: {  	v3 =	vor.u32 v3, v4  }
0x44d: {  	v4 =	vperm.xlane v3, v0;
	_ =	sdelay $0x1  }
0x44e: {  	v3 =	vperm.xlane v3, v2;
	v4 =	vadd.s32 v1, v4;
	_ =	sdelay $0x1  }
0x44f: {  	v3 =	vadd.s32 v1, v3;
	_ =	sdelay $0x1  }
0x450: {  	s0 =	simm.s32 $0xCA00  }
0x451: {  	[tilespmem:s0], [sflag:$0x2] =	stream.indirect_vreg.gather [hbm4b:s4+s2], $0x80, v4, vm0, $0xb8;
	[tilespmem:$0x10A00] =	vst v63  }
0x452: {  	s11 =	simm.s32 $0xD200  }
0x453: {  	[tilespmem:s11], [sflag:$0x2] =	stream.indirect_vreg.gather [hbm4b:s4+s2], $0x80, v3, vm0, $0xb8;
	[tilespmem:$0x10A00] =	vst v63  }
0x454: {  	v3 =	vld [tilespmem:$0x5D0];
	_ =	sdelay $0x4  }
0x455: {  	v53 =	vshll.u32 v3, $0x1  }
0x456: {  	v3 =	vand.u32 $0x7, v3;
	v4 =	vand.u32 $0xFFFFFFF0, v53  }
0x457: {  	v3 =	vor.u32 v3, v4  }
0x458: {  	v4 =	vperm.xlane v3, v0;
	_ =	sdelay $0x1  }
0x459: {  	v3 =	vperm.xlane v3, v2;
	v4 =	vadd.s32 v1, v4;
	_ =	sdelay $0x1  }
0x45a: {  	v3 =	vadd.s32 v1, v3;
	_ =	sdelay $0x1  }
0x45b: {  	s1 =	simm.s32 $0xDA00  }
0x45c: {  	[tilespmem:s1], [sflag:$0x2] =	stream.indirect_vreg.gather [hbm4b:s4+s2], $0x80, v4, vm0, $0xb8;
	[tilespmem:$0x10A00] =	vst v63  }
0x45d: {  	s12 =	simm.s32 $0xE200  }
0x45e: {  	[tilespmem:s12], [sflag:$0x2] =	stream.indirect_vreg.gather [hbm4b:s4+s2], $0x80, v3, vm0, $0xb8;
	[tilespmem:$0x10A00] =	vst v63  }
0x45f: {  	v3 =	vld [tilespmem:$0x5E0];
	_ =	sdelay $0x4  }
0x460: {  	v54 =	vshll.u32 v3, $0x1  }
0x461: {  	v3 =	vand.u32 $0x7, v3;
	v4 =	vand.u32 $0xFFFFFFF0, v54  }
0x462: {  	v3 =	vor.u32 v3, v4  }
0x463: {  	v4 =	vperm.xlane v3, v0;
	_ =	sdelay $0x1  }
0x464: {  	v3 =	vperm.xlane v3, v2;
	v4 =	vadd.s32 v1, v4;
	_ =	sdelay $0x1  }
0x465: {  	v3 =	vadd.s32 v1, v3;
	_ =	sdelay $0x1  }
0x466: {  	s3 =	simm.s32 $0xEA00  }
0x467: {  	[tilespmem:s3], [sflag:$0x2] =	stream.indirect_vreg.gather [hbm4b:s4+s2], $0x80, v4, vm0, $0xb8;
	[tilespmem:$0x10A00] =	vst v63  }
0x468: {  	s16 =	simm.s32 $0xF200  }
0x469: {  	[tilespmem:s16], [sflag:$0x2] =	stream.indirect_vreg.gather [hbm4b:s4+s2], $0x80, v3, vm0, $0xb8;
	[tilespmem:$0x10A00] =	vst v63  }
0x46a: {  	v3 =	vld [tilespmem:$0x5F0];
	_ =	sdelay $0x4  }
0x46b: {  	v55 =	vshll.u32 v3, $0x1  }
0x46c: {  	v3 =	vand.u32 $0x7, v3;
	v4 =	vand.u32 $0xFFFFFFF0, v55  }
0x46d: {  	v3 =	vor.u32 v3, v4  }
0x46e: {  	v4 =	vperm.xlane v3, v0;
	_ =	sdelay $0x1  }
0x46f: {  	v3 =	vperm.xlane v3, v2;
	v4 =	vadd.s32 v1, v4;
	_ =	sdelay $0x1  }
0x470: {  	v3 =	vadd.s32 v1, v3;
	_ =	sdelay $0x1  }
0x471: {  	s5 =	simm.s32 $0xFA00  }
0x472: {  	[tilespmem:s5], [sflag:$0x2] =	stream.indirect_vreg.gather [hbm4b:s4+s2], $0x80, v4, vm0, $0xb8;
	[tilespmem:$0x10A00] =	vst v63  }
0x473: {  	s17 =	simm.s32 $0x10200  }
0x474: {  	[tilespmem:s17], [sflag:$0x2] =	stream.indirect_vreg.gather [hbm4b:s4+s2], $0x80, v3, vm0, $0xb8;
	[tilespmem:$0x10A00] =	vst v63  }
0x475: {  	_ =	swait.ge [sflag:s13], $0x8000  }
0x476: {  	[sflag:s13] =	ssyncset.done $0x0  }
0x477: {  	s15 =	rddreg [dreg:$0xd];
	[sflag:s13] =	ssyncadd.s32 $0xFFFF8000  }
0x478: {  	[hbm4b:s15+s2] =	stream.linear.scatter [tilespmem:s7], [sflag:$0x3], $0x8000, $0x38;
	[tilespmem:$0x10A00] =	vst v63  }
0x479: {  	_ =	swait.ge [sflag:s6], $0x8000  }
0x47a: {  	[sflag:s6] =	ssyncset.done $0x0  }
0x47b: {  	[sflag:s6] =	ssyncadd.s32 $0xFFFF8000  }
0x47c: {  	v3 =	vld [tilespmem:$0x600];
	_ =	sdelay $0x4  }
0x47d: {  	v56 =	vshll.u32 v3, $0x1  }
0x47e: {  	v3 =	vand.u32 $0x7, v3;
	v4 =	vand.u32 $0xFFFFFFF0, v56  }
0x47f: {  	v3 =	vor.u32 v3, v4  }
0x480: {  	v4 =	vperm.xlane v3, v0;
	_ =	sdelay $0x1  }
0x481: {  	v3 =	vperm.xlane v3, v2;
	v4 =	vadd.s32 v1, v4;
	_ =	sdelay $0x1  }
0x482: {  	v3 =	vadd.s32 v1, v3;
	_ =	sdelay $0x2  }
0x483: {  	[tilespmem:s7], [sflag:$0x1] =	stream.indirect_vreg.gather [hbm4b:s4+s2], $0x80, v4, vm0, $0xb8;
	[tilespmem:$0x10A00] =	vst v63  }
0x484: {  	s15 =	simm.s32 $0x1200  }
0x485: {  	[tilespmem:s15], [sflag:$0x1] =	stream.indirect_vreg.gather [hbm4b:s4+s2], $0x80, v3, vm0, $0xb8;
	[tilespmem:$0x10A00] =	vst v63  }
0x486: {  	v3 =	vld [tilespmem:$0x610];
	_ =	sdelay $0x4  }
0x487: {  	v57 =	vshll.u32 v3, $0x1  }
0x488: {  	v3 =	vand.u32 $0x7, v3;
	v4 =	vand.u32 $0xFFFFFFF0, v57  }
0x489: {  	v3 =	vor.u32 v3, v4  }
0x48a: {  	v4 =	vperm.xlane v3, v0;
	_ =	sdelay $0x1  }
0x48b: {  	v3 =	vperm.xlane v3, v2;
	v4 =	vadd.s32 v1, v4;
	_ =	sdelay $0x1  }
0x48c: {  	v3 =	vadd.s32 v1, v3;
	_ =	sdelay $0x1  }
0x48d: {  	s15 =	simm.s32 $0x1A00  }
0x48e: {  	[tilespmem:s15], [sflag:$0x1] =	stream.indirect_vreg.gather [hbm4b:s4+s2], $0x80, v4, vm0, $0xb8;
	[tilespmem:$0x10A00] =	vst v63  }
0x48f: {  	s15 =	simm.s32 $0x2200  }
0x490: {  	[tilespmem:s15], [sflag:$0x1] =	stream.indirect_vreg.gather [hbm4b:s4+s2], $0x80, v3, vm0, $0xb8;
	[tilespmem:$0x10A00] =	vst v63  }
0x491: {  	v3 =	vld [tilespmem:$0x620];
	_ =	sdelay $0x4  }
0x492: {  	v58 =	vshll.u32 v3, $0x1  }
0x493: {  	v3 =	vand.u32 $0x7, v3;
	v4 =	vand.u32 $0xFFFFFFF0, v58  }
0x494: {  	v3 =	vor.u32 v3, v4  }
0x495: {  	v4 =	vperm.xlane v3, v0;
	_ =	sdelay $0x1  }
0x496: {  	v3 =	vperm.xlane v3, v2;
	v4 =	vadd.s32 v1, v4;
	_ =	sdelay $0x1  }
0x497: {  	v3 =	vadd.s32 v1, v3;
	_ =	sdelay $0x1  }
0x498: {  	s20 =	simm.s32 $0x2A00  }
0x499: {  	[tilespmem:s20], [sflag:$0x1] =	stream.indirect_vreg.gather [hbm4b:s4+s2], $0x80, v4, vm0, $0xb8;
	[tilespmem:$0x10A00] =	vst v63  }
0x49a: {  	s22 =	simm.s32 $0x3200  }
0x49b: {  	[tilespmem:s22], [sflag:$0x1] =	stream.indirect_vreg.gather [hbm4b:s4+s2], $0x80, v3, vm0, $0xb8;
	[tilespmem:$0x10A00] =	vst v63  }
0x49c: {  	v3 =	vld [tilespmem:$0x630];
	_ =	sdelay $0x4  }
0x49d: {  	v59 =	vshll.u32 v3, $0x1  }
0x49e: {  	v3 =	vand.u32 $0x7, v3;
	v4 =	vand.u32 $0xFFFFFFF0, v59  }
0x49f: {  	v3 =	vor.u32 v3, v4  }
0x4a0: {  	v4 =	vperm.xlane v3, v0;
	_ =	sdelay $0x1  }
0x4a1: {  	v3 =	vperm.xlane v3, v2;
	v4 =	vadd.s32 v1, v4;
	_ =	sdelay $0x1  }
0x4a2: {  	v3 =	vadd.s32 v1, v3;
	_ =	sdelay $0x1  }
0x4a3: {  	s21 =	simm.s32 $0x3A00  }
0x4a4: {  	[tilespmem:s21], [sflag:$0x1] =	stream.indirect_vreg.gather [hbm4b:s4+s2], $0x80, v4, vm0, $0xb8;
	[tilespmem:$0x10A00] =	vst v63  }
0x4a5: {  	s15 =	simm.s32 $0x4200  }
0x4a6: {  	[tilespmem:s15], [sflag:$0x1] =	stream.indirect_vreg.gather [hbm4b:s4+s2], $0x80, v3, vm0, $0xb8;
	[tilespmem:$0x10A00] =	vst v63  }
0x4a7: {  	v3 =	vld [tilespmem:$0x640];
	_ =	sdelay $0x4  }
0x4a8: {  	v60 =	vshll.u32 v3, $0x1  }
0x4a9: {  	v3 =	vand.u32 $0x7, v3;
	v4 =	vand.u32 $0xFFFFFFF0, v60  }
0x4aa: {  	v3 =	vor.u32 v3, v4  }
0x4ab: {  	v4 =	vperm.xlane v3, v0;
	_ =	sdelay $0x1  }
0x4ac: {  	v3 =	vperm.xlane v3, v2;
	v4 =	vadd.s32 v1, v4;
	_ =	sdelay $0x1  }
0x4ad: {  	v3 =	vadd.s32 v1, v3;
	_ =	sdelay $0x1  }
0x4ae: {  	s24 =	simm.s32 $0x4A00  }
0x4af: {  	[tilespmem:s24], [sflag:$0x1] =	stream.indirect_vreg.gather [hbm4b:s4+s2], $0x80, v4, vm0, $0xb8;
	[tilespmem:$0x10A00] =	vst v63  }
0x4b0: {  	s26 =	simm.s32 $0x5200  }
0x4b1: {  	[tilespmem:s26], [sflag:$0x1] =	stream.indirect_vreg.gather [hbm4b:s4+s2], $0x80, v3, vm0, $0xb8;
	[tilespmem:$0x10A00] =	vst v63  }
0x4b2: {  	v3 =	vld [tilespmem:$0x650];
	_ =	sdelay $0x4  }
0x4b3: {  	v61 =	vshll.u32 v3, $0x1  }
0x4b4: {  	v3 =	vand.u32 $0x7, v3;
	v4 =	vand.u32 $0xFFFFFFF0, v61  }
0x4b5: {  	v3 =	vor.u32 v3, v4  }
0x4b6: {  	v4 =	vperm.xlane v3, v0;
	_ =	sdelay $0x1  }
0x4b7: {  	v3 =	vperm.xlane v3, v2;
	v4 =	vadd.s32 v1, v4;
	_ =	sdelay $0x1  }
0x4b8: {  	v3 =	vadd.s32 v1, v3;
	_ =	sdelay $0x1  }
0x4b9: {  	s15 =	simm.s32 $0x5A00  }
0x4ba: {  	[tilespmem:s15], [sflag:$0x1] =	stream.indirect_vreg.gather [hbm4b:s4+s2], $0x80, v4, vm0, $0xb8;
	[tilespmem:$0x10A00] =	vst v63  }
0x4bb: {  	s28 =	simm.s32 $0x6200  }
0x4bc: {  	[tilespmem:s28], [sflag:$0x1] =	stream.indirect_vreg.gather [hbm4b:s4+s2], $0x80, v3, vm0, $0xb8;
	[tilespmem:$0x10A00] =	vst v63  }
0x4bd: {  	v3 =	vld [tilespmem:$0x660];
	_ =	sdelay $0x4  }
0x4be: {  	v62 =	vshll.u32 v3, $0x1  }
0x4bf: {  	v3 =	vand.u32 $0x7, v3;
	v4 =	vand.u32 $0xFFFFFFF0, v62  }
0x4c0: {  	v3 =	vor.u32 v3, v4  }
0x4c1: {  	v4 =	vperm.xlane v3, v0;
	_ =	sdelay $0x1  }
0x4c2: {  	v3 =	vperm.xlane v3, v2;
	v4 =	vadd.s32 v1, v4;
	_ =	sdelay $0x1  }
0x4c3: {  	v3 =	vadd.s32 v1, v3;
	_ =	sdelay $0x1  }
0x4c4: {  	s29 =	simm.s32 $0x6A00  }
0x4c5: {  	[tilespmem:s29], [sflag:$0x1] =	stream.indirect_vreg.gather [hbm4b:s4+s2], $0x80, v4, vm0, $0xb8;
	[tilespmem:$0x10A00] =	vst v63  }
0x4c6: {  	s30 =	simm.s32 $0x7200  }
0x4c7: {  	[tilespmem:s30], [sflag:$0x1] =	stream.indirect_vreg.gather [hbm4b:s4+s2], $0x80, v3, vm0, $0xb8;
	[tilespmem:$0x10A00] =	vst v63  }
0x4c8: {  	v3 =	vld [tilespmem:$0x670];
	_ =	sdelay $0x4  }
0x4c9: {  	v63 =	vshll.u32 v3, $0x1  }
0x4ca: {  	v3 =	vand.u32 $0x7, v3;
	v4 =	vand.u32 $0xFFFFFFF0, v63  }
0x4cb: {  	v3 =	vor.u32 v3, v4  }
0x4cc: {  	v4 =	vperm.xlane v3, v0;
	_ =	sdelay $0x1  }
0x4cd: {  	v3 =	vperm.xlane v3, v2;
	v4 =	vadd.s32 v1, v4;
	_ =	sdelay $0x1  }
0x4ce: {  	v3 =	vadd.s32 v1, v3;
	_ =	sdelay $0x1  }
0x4cf: {  	s31 =	simm.s32 $0x7A00  }
0x4d0: {  	[tilespmem:s31], [sflag:$0x1] =	stream.indirect_vreg.gather [hbm4b:s4+s2], $0x80, v4, vm0, $0xb8;
	[tilespmem:$0x10A00] =	vst v63  }
0x4d1: {  	s25 =	simm.s32 $0x8200  }
0x4d2: {  	[tilespmem:s25], [sflag:$0x1] =	stream.indirect_vreg.gather [hbm4b:s4+s2], $0x80, v3, vm0, $0xb8;
	[tilespmem:$0x10A00] =	vst v63  }
0x4d3: {  	_ =	swait.ge [sflag:s14], $0x8000  }
0x4d4: {  	[sflag:s14] =	ssyncset.done $0x0  }
0x4d5: {  	s15 =	rddreg [dreg:$0xe];
	[sflag:s14] =	ssyncadd.s32 $0xFFFF8000  }
0x4d6: {  	[hbm4b:s15+s2] =	stream.linear.scatter [tilespmem:s23], [sflag:$0x3], $0x8000, $0x38;
	[tilespmem:$0x10A00] =	vst v63  }
0x4d7: {  	_ =	swait.ge [sflag:s6], $0x8000  }
0x4d8: {  	[sflag:s6] =	ssyncset.done $0x0  }
0x4d9: {  	[sflag:s6] =	ssyncadd.s32 $0xFFFF8000  }
0x4da: {  	v3 =	vld [tilespmem:$0x680];
	_ =	sdelay $0x4  }
0x4db: {  	v8 =	vshll.u32 v3, $0x1  }
0x4dc: {  	v3 =	vand.u32 $0x7, v3;
	v4 =	vand.u32 $0xFFFFFFF0, v8  }
0x4dd: {  	v3 =	vor.u32 v3, v4  }
0x4de: {  	v4 =	vperm.xlane v3, v0;
	_ =	sdelay $0x1  }
0x4df: {  	v3 =	vperm.xlane v3, v2;
	v4 =	vadd.s32 v1, v4;
	_ =	sdelay $0x1  }
0x4e0: {  	v3 =	vadd.s32 v1, v3;
	_ =	sdelay $0x2  }
0x4e1: {  	[tilespmem:s23], [sflag:$0x2] =	stream.indirect_vreg.gather [hbm4b:s4+s2], $0x80, v4, vm0, $0xb8;
	[tilespmem:$0x10A00] =	vst v63  }
0x4e2: {  	s15 =	simm.s32 $0x9200  }
0x4e3: {  	[tilespmem:s15], [sflag:$0x2] =	stream.indirect_vreg.gather [hbm4b:s4+s2], $0x80, v3, vm0, $0xb8;
	[tilespmem:$0x10A00] =	vst v63  }
0x4e4: {  	v3 =	vld [tilespmem:$0x690];
	_ =	sdelay $0x4  }
0x4e5: {  	v9 =	vshll.u32 v3, $0x1  }
0x4e6: {  	v3 =	vand.u32 $0x7, v3;
	v4 =	vand.u32 $0xFFFFFFF0, v9  }
0x4e7: {  	v3 =	vor.u32 v3, v4  }
0x4e8: {  	v4 =	vperm.xlane v3, v0;
	_ =	sdelay $0x1  }
0x4e9: {  	v3 =	vperm.xlane v3, v2;
	v4 =	vadd.s32 v1, v4;
	_ =	sdelay $0x1  }
0x4ea: {  	v3 =	vadd.s32 v1, v3;
	_ =	sdelay $0x1  }
0x4eb: {  	s9 =	simm.s32 $0x9A00  }
0x4ec: {  	[tilespmem:s9], [sflag:$0x2] =	stream.indirect_vreg.gather [hbm4b:s4+s2], $0x80, v4, vm0, $0xb8;
	[tilespmem:$0x10A00] =	vst v63  }
0x4ed: {  	s15 =	simm.s32 $0xA200  }
0x4ee: {  	[tilespmem:s15], [sflag:$0x2] =	stream.indirect_vreg.gather [hbm4b:s4+s2], $0x80, v3, vm0, $0xb8;
	[tilespmem:$0x10A00] =	vst v63  }
0x4ef: {  	v3 =	vld [tilespmem:$0x6A0];
	_ =	sdelay $0x4  }
0x4f0: {  	v10 =	vshll.u32 v3, $0x1  }
0x4f1: {  	v3 =	vand.u32 $0x7, v3;
	v4 =	vand.u32 $0xFFFFFFF0, v10  }
0x4f2: {  	v3 =	vor.u32 v3, v4  }
0x4f3: {  	v4 =	vperm.xlane v3, v0;
	_ =	sdelay $0x1  }
0x4f4: {  	v3 =	vperm.xlane v3, v2;
	v4 =	vadd.s32 v1, v4;
	_ =	sdelay $0x1  }
0x4f5: {  	v3 =	vadd.s32 v1, v3;
	_ =	sdelay $0x1  }
0x4f6: {  	s10 =	simm.s32 $0xAA00  }
0x4f7: {  	[tilespmem:s10], [sflag:$0x2] =	stream.indirect_vreg.gather [hbm4b:s4+s2], $0x80, v4, vm0, $0xb8;
	[tilespmem:$0x10A00] =	vst v63  }
0x4f8: {  	s18 =	simm.s32 $0xB200  }
0x4f9: {  	[tilespmem:s18], [sflag:$0x2] =	stream.indirect_vreg.gather [hbm4b:s4+s2], $0x80, v3, vm0, $0xb8;
	[tilespmem:$0x10A00] =	vst v63  }
0x4fa: {  	v3 =	vld [tilespmem:$0x6B0];
	_ =	sdelay $0x4  }
0x4fb: {  	v11 =	vshll.u32 v3, $0x1  }
0x4fc: {  	v3 =	vand.u32 $0x7, v3;
	v4 =	vand.u32 $0xFFFFFFF0, v11  }
0x4fd: {  	v3 =	vor.u32 v3, v4  }
0x4fe: {  	v4 =	vperm.xlane v3, v0;
	_ =	sdelay $0x1  }
0x4ff: {  	v3 =	vperm.xlane v3, v2;
	v4 =	vadd.s32 v1, v4;
	_ =	sdelay $0x1  }
0x500: {  	v3 =	vadd.s32 v1, v3;
	_ =	sdelay $0x1  }
0x501: {  	s8 =	simm.s32 $0xBA00  }
0x502: {  	[tilespmem:s8], [sflag:$0x2] =	stream.indirect_vreg.gather [hbm4b:s4+s2], $0x80, v4, vm0, $0xb8;
	[tilespmem:$0x10A00] =	vst v63  }
0x503: {  	s19 =	simm.s32 $0xC200  }
0x504: {  	[tilespmem:s19], [sflag:$0x2] =	stream.indirect_vreg.gather [hbm4b:s4+s2], $0x80, v3, vm0, $0xb8;
	[tilespmem:$0x10A00] =	vst v63  }
0x505: {  	v3 =	vld [tilespmem:$0x6C0];
	_ =	sdelay $0x4  }
0x506: {  	v12 =	vshll.u32 v3, $0x1  }
0x507: {  	v3 =	vand.u32 $0x7, v3;
	v4 =	vand.u32 $0xFFFFFFF0, v12  }
0x508: {  	v3 =	vor.u32 v3, v4  }
0x509: {  	v4 =	vperm.xlane v3, v0;
	_ =	sdelay $0x1  }
0x50a: {  	v3 =	vperm.xlane v3, v2;
	v4 =	vadd.s32 v1, v4;
	_ =	sdelay $0x1  }
0x50b: {  	v3 =	vadd.s32 v1, v3;
	_ =	sdelay $0x1  }
0x50c: {  	s0 =	simm.s32 $0xCA00  }
0x50d: {  	[tilespmem:s0], [sflag:$0x2] =	stream.indirect_vreg.gather [hbm4b:s4+s2], $0x80, v4, vm0, $0xb8;
	[tilespmem:$0x10A00] =	vst v63  }
0x50e: {  	s11 =	simm.s32 $0xD200  }
0x50f: {  	[tilespmem:s11], [sflag:$0x2] =	stream.indirect_vreg.gather [hbm4b:s4+s2], $0x80, v3, vm0, $0xb8;
	[tilespmem:$0x10A00] =	vst v63  }
0x510: {  	v3 =	vld [tilespmem:$0x6D0];
	_ =	sdelay $0x4  }
0x511: {  	v13 =	vshll.u32 v3, $0x1  }
0x512: {  	v3 =	vand.u32 $0x7, v3;
	v4 =	vand.u32 $0xFFFFFFF0, v13  }
0x513: {  	v3 =	vor.u32 v3, v4  }
0x514: {  	v4 =	vperm.xlane v3, v0;
	_ =	sdelay $0x1  }
0x515: {  	v3 =	vperm.xlane v3, v2;
	v4 =	vadd.s32 v1, v4;
	_ =	sdelay $0x1  }
0x516: {  	v3 =	vadd.s32 v1, v3;
	_ =	sdelay $0x1  }
0x517: {  	s1 =	simm.s32 $0xDA00  }
0x518: {  	[tilespmem:s1], [sflag:$0x2] =	stream.indirect_vreg.gather [hbm4b:s4+s2], $0x80, v4, vm0, $0xb8;
	[tilespmem:$0x10A00] =	vst v63  }
0x519: {  	s12 =	simm.s32 $0xE200  }
0x51a: {  	[tilespmem:s12], [sflag:$0x2] =	stream.indirect_vreg.gather [hbm4b:s4+s2], $0x80, v3, vm0, $0xb8;
	[tilespmem:$0x10A00] =	vst v63  }
0x51b: {  	v3 =	vld [tilespmem:$0x6E0];
	_ =	sdelay $0x4  }
0x51c: {  	v14 =	vshll.u32 v3, $0x1  }
0x51d: {  	v3 =	vand.u32 $0x7, v3;
	v4 =	vand.u32 $0xFFFFFFF0, v14  }
0x51e: {  	v3 =	vor.u32 v3, v4  }
0x51f: {  	v4 =	vperm.xlane v3, v0;
	_ =	sdelay $0x1  }
0x520: {  	v3 =	vperm.xlane v3, v2;
	v4 =	vadd.s32 v1, v4;
	_ =	sdelay $0x1  }
0x521: {  	v3 =	vadd.s32 v1, v3;
	_ =	sdelay $0x1  }
0x522: {  	s3 =	simm.s32 $0xEA00  }
0x523: {  	[tilespmem:s3], [sflag:$0x2] =	stream.indirect_vreg.gather [hbm4b:s4+s2], $0x80, v4, vm0, $0xb8;
	[tilespmem:$0x10A00] =	vst v63  }
0x524: {  	s16 =	simm.s32 $0xF200  }
0x525: {  	[tilespmem:s16], [sflag:$0x2] =	stream.indirect_vreg.gather [hbm4b:s4+s2], $0x80, v3, vm0, $0xb8;
	[tilespmem:$0x10A00] =	vst v63  }
0x526: {  	v3 =	vld [tilespmem:$0x6F0];
	_ =	sdelay $0x4  }
0x527: {  	v15 =	vshll.u32 v3, $0x1  }
0x528: {  	v3 =	vand.u32 $0x7, v3;
	v4 =	vand.u32 $0xFFFFFFF0, v15  }
0x529: {  	v3 =	vor.u32 v3, v4  }
0x52a: {  	v4 =	vperm.xlane v3, v0;
	_ =	sdelay $0x1  }
0x52b: {  	v3 =	vperm.xlane v3, v2;
	v4 =	vadd.s32 v1, v4;
	_ =	sdelay $0x1  }
0x52c: {  	v3 =	vadd.s32 v1, v3;
	_ =	sdelay $0x1  }
0x52d: {  	s5 =	simm.s32 $0xFA00  }
0x52e: {  	[tilespmem:s5], [sflag:$0x2] =	stream.indirect_vreg.gather [hbm4b:s4+s2], $0x80, v4, vm0, $0xb8;
	[tilespmem:$0x10A00] =	vst v63  }
0x52f: {  	s17 =	simm.s32 $0x10200  }
0x530: {  	[tilespmem:s17], [sflag:$0x2] =	stream.indirect_vreg.gather [hbm4b:s4+s2], $0x80, v3, vm0, $0xb8;
	[tilespmem:$0x10A00] =	vst v63  }
0x531: {  	_ =	swait.ge [sflag:s13], $0x8000  }
0x532: {  	[sflag:s13] =	ssyncset.done $0x0  }
0x533: {  	s15 =	rddreg [dreg:$0xf];
	[sflag:s13] =	ssyncadd.s32 $0xFFFF8000  }
0x534: {  	[hbm4b:s15+s2] =	stream.linear.scatter [tilespmem:s7], [sflag:$0x3], $0x8000, $0x38;
	[tilespmem:$0x10A00] =	vst v63  }
0x535: {  	_ =	swait.ge [sflag:s6], $0x8000  }
0x536: {  	[sflag:s6] =	ssyncset.done $0x0  }
0x537: {  	[sflag:s6] =	ssyncadd.s32 $0xFFFF8000  }
0x538: {  	v3 =	vld [tilespmem:$0x700];
	_ =	sdelay $0x4  }
0x539: {  	v16 =	vshll.u32 v3, $0x1  }
0x53a: {  	v3 =	vand.u32 $0x7, v3;
	v4 =	vand.u32 $0xFFFFFFF0, v16  }
0x53b: {  	v3 =	vor.u32 v3, v4  }
0x53c: {  	v4 =	vperm.xlane v3, v0;
	_ =	sdelay $0x1  }
0x53d: {  	v3 =	vperm.xlane v3, v2;
	v4 =	vadd.s32 v1, v4;
	_ =	sdelay $0x1  }
0x53e: {  	v3 =	vadd.s32 v1, v3;
	_ =	sdelay $0x2  }
0x53f: {  	[tilespmem:s7], [sflag:$0x1] =	stream.indirect_vreg.gather [hbm4b:s4+s2], $0x80, v4, vm0, $0xb8;
	[tilespmem:$0x10A00] =	vst v63  }
0x540: {  	s15 =	simm.s32 $0x1200  }
0x541: {  	[tilespmem:s15], [sflag:$0x1] =	stream.indirect_vreg.gather [hbm4b:s4+s2], $0x80, v3, vm0, $0xb8;
	[tilespmem:$0x10A00] =	vst v63  }
0x542: {  	v3 =	vld [tilespmem:$0x710];
	_ =	sdelay $0x4  }
0x543: {  	v17 =	vshll.u32 v3, $0x1  }
0x544: {  	v3 =	vand.u32 $0x7, v3;
	v4 =	vand.u32 $0xFFFFFFF0, v17  }
0x545: {  	v3 =	vor.u32 v3, v4  }
0x546: {  	v4 =	vperm.xlane v3, v0;
	_ =	sdelay $0x1  }
0x547: {  	v3 =	vperm.xlane v3, v2;
	v4 =	vadd.s32 v1, v4;
	_ =	sdelay $0x1  }
0x548: {  	v3 =	vadd.s32 v1, v3;
	_ =	sdelay $0x1  }
0x549: {  	s15 =	simm.s32 $0x1A00  }
0x54a: {  	[tilespmem:s15], [sflag:$0x1] =	stream.indirect_vreg.gather [hbm4b:s4+s2], $0x80, v4, vm0, $0xb8;
	[tilespmem:$0x10A00] =	vst v63  }
0x54b: {  	s15 =	simm.s32 $0x2200  }
0x54c: {  	[tilespmem:s15], [sflag:$0x1] =	stream.indirect_vreg.gather [hbm4b:s4+s2], $0x80, v3, vm0, $0xb8;
	[tilespmem:$0x10A00] =	vst v63  }
0x54d: {  	v3 =	vld [tilespmem:$0x720];
	_ =	sdelay $0x4  }
0x54e: {  	v18 =	vshll.u32 v3, $0x1  }
0x54f: {  	v3 =	vand.u32 $0x7, v3;
	v4 =	vand.u32 $0xFFFFFFF0, v18  }
0x550: {  	v3 =	vor.u32 v3, v4  }
0x551: {  	v4 =	vperm.xlane v3, v0;
	_ =	sdelay $0x1  }
0x552: {  	v3 =	vperm.xlane v3, v2;
	v4 =	vadd.s32 v1, v4;
	_ =	sdelay $0x1  }
0x553: {  	v3 =	vadd.s32 v1, v3;
	_ =	sdelay $0x1  }
0x554: {  	s20 =	simm.s32 $0x2A00  }
0x555: {  	[tilespmem:s20], [sflag:$0x1] =	stream.indirect_vreg.gather [hbm4b:s4+s2], $0x80, v4, vm0, $0xb8;
	[tilespmem:$0x10A00] =	vst v63  }
0x556: {  	s22 =	simm.s32 $0x3200  }
0x557: {  	[tilespmem:s22], [sflag:$0x1] =	stream.indirect_vreg.gather [hbm4b:s4+s2], $0x80, v3, vm0, $0xb8;
	[tilespmem:$0x10A00] =	vst v63  }
0x558: {  	v3 =	vld [tilespmem:$0x730];
	_ =	sdelay $0x4  }
0x559: {  	v19 =	vshll.u32 v3, $0x1  }
0x55a: {  	v3 =	vand.u32 $0x7, v3;
	v4 =	vand.u32 $0xFFFFFFF0, v19  }
0x55b: {  	v3 =	vor.u32 v3, v4  }
0x55c: {  	v4 =	vperm.xlane v3, v0;
	_ =	sdelay $0x1  }
0x55d: {  	v3 =	vperm.xlane v3, v2;
	v4 =	vadd.s32 v1, v4;
	_ =	sdelay $0x1  }
0x55e: {  	v3 =	vadd.s32 v1, v3;
	_ =	sdelay $0x1  }
0x55f: {  	s21 =	simm.s32 $0x3A00  }
0x560: {  	[tilespmem:s21], [sflag:$0x1] =	stream.indirect_vreg.gather [hbm4b:s4+s2], $0x80, v4, vm0, $0xb8;
	[tilespmem:$0x10A00] =	vst v63  }
0x561: {  	s15 =	simm.s32 $0x4200  }
0x562: {  	[tilespmem:s15], [sflag:$0x1] =	stream.indirect_vreg.gather [hbm4b:s4+s2], $0x80, v3, vm0, $0xb8;
	[tilespmem:$0x10A00] =	vst v63  }
0x563: {  	v3 =	vld [tilespmem:$0x740];
	_ =	sdelay $0x4  }
0x564: {  	v20 =	vshll.u32 v3, $0x1  }
0x565: {  	v3 =	vand.u32 $0x7, v3;
	v4 =	vand.u32 $0xFFFFFFF0, v20  }
0x566: {  	v3 =	vor.u32 v3, v4  }
0x567: {  	v4 =	vperm.xlane v3, v0;
	_ =	sdelay $0x1  }
0x568: {  	v3 =	vperm.xlane v3, v2;
	v4 =	vadd.s32 v1, v4;
	_ =	sdelay $0x1  }
0x569: {  	v3 =	vadd.s32 v1, v3;
	_ =	sdelay $0x1  }
0x56a: {  	s24 =	simm.s32 $0x4A00  }
0x56b: {  	[tilespmem:s24], [sflag:$0x1] =	stream.indirect_vreg.gather [hbm4b:s4+s2], $0x80, v4, vm0, $0xb8;
	[tilespmem:$0x10A00] =	vst v63  }
0x56c: {  	s26 =	simm.s32 $0x5200  }
0x56d: {  	[tilespmem:s26], [sflag:$0x1] =	stream.indirect_vreg.gather [hbm4b:s4+s2], $0x80, v3, vm0, $0xb8;
	[tilespmem:$0x10A00] =	vst v63  }
0x56e: {  	v3 =	vld [tilespmem:$0x750];
	_ =	sdelay $0x4  }
0x56f: {  	v21 =	vshll.u32 v3, $0x1  }
0x570: {  	v3 =	vand.u32 $0x7, v3;
	v4 =	vand.u32 $0xFFFFFFF0, v21  }
0x571: {  	v3 =	vor.u32 v3, v4  }
0x572: {  	v4 =	vperm.xlane v3, v0;
	_ =	sdelay $0x1  }
0x573: {  	v3 =	vperm.xlane v3, v2;
	v4 =	vadd.s32 v1, v4;
	_ =	sdelay $0x1  }
0x574: {  	v3 =	vadd.s32 v1, v3;
	_ =	sdelay $0x1  }
0x575: {  	s15 =	simm.s32 $0x5A00  }
0x576: {  	[tilespmem:s15], [sflag:$0x1] =	stream.indirect_vreg.gather [hbm4b:s4+s2], $0x80, v4, vm0, $0xb8;
	[tilespmem:$0x10A00] =	vst v63  }
0x577: {  	s28 =	simm.s32 $0x6200  }
0x578: {  	[tilespmem:s28], [sflag:$0x1] =	stream.indirect_vreg.gather [hbm4b:s4+s2], $0x80, v3, vm0, $0xb8;
	[tilespmem:$0x10A00] =	vst v63  }
0x579: {  	v3 =	vld [tilespmem:$0x760];
	_ =	sdelay $0x4  }
0x57a: {  	v22 =	vshll.u32 v3, $0x1  }
0x57b: {  	v3 =	vand.u32 $0x7, v3;
	v4 =	vand.u32 $0xFFFFFFF0, v22  }
0x57c: {  	v3 =	vor.u32 v3, v4  }
0x57d: {  	v4 =	vperm.xlane v3, v0;
	_ =	sdelay $0x1  }
0x57e: {  	v3 =	vperm.xlane v3, v2;
	v4 =	vadd.s32 v1, v4;
	_ =	sdelay $0x1  }
0x57f: {  	v3 =	vadd.s32 v1, v3;
	_ =	sdelay $0x1  }
0x580: {  	s29 =	simm.s32 $0x6A00  }
0x581: {  	[tilespmem:s29], [sflag:$0x1] =	stream.indirect_vreg.gather [hbm4b:s4+s2], $0x80, v4, vm0, $0xb8;
	[tilespmem:$0x10A00] =	vst v63  }
0x582: {  	s30 =	simm.s32 $0x7200  }
0x583: {  	[tilespmem:s30], [sflag:$0x1] =	stream.indirect_vreg.gather [hbm4b:s4+s2], $0x80, v3, vm0, $0xb8;
	[tilespmem:$0x10A00] =	vst v63  }
0x584: {  	v3 =	vld [tilespmem:$0x770];
	_ =	sdelay $0x4  }
0x585: {  	v23 =	vshll.u32 v3, $0x1  }
0x586: {  	v3 =	vand.u32 $0x7, v3;
	v4 =	vand.u32 $0xFFFFFFF0, v23  }
0x587: {  	v3 =	vor.u32 v3, v4  }
0x588: {  	v4 =	vperm.xlane v3, v0;
	_ =	sdelay $0x1  }
0x589: {  	v3 =	vperm.xlane v3, v2;
	v4 =	vadd.s32 v1, v4;
	_ =	sdelay $0x1  }
0x58a: {  	v3 =	vadd.s32 v1, v3;
	_ =	sdelay $0x1  }
0x58b: {  	s31 =	simm.s32 $0x7A00  }
0x58c: {  	[tilespmem:s31], [sflag:$0x1] =	stream.indirect_vreg.gather [hbm4b:s4+s2], $0x80, v4, vm0, $0xb8;
	[tilespmem:$0x10A00] =	vst v63  }
0x58d: {  	s25 =	simm.s32 $0x8200  }
0x58e: {  	[tilespmem:s25], [sflag:$0x1] =	stream.indirect_vreg.gather [hbm4b:s4+s2], $0x80, v3, vm0, $0xb8;
	[tilespmem:$0x10A00] =	vst v63  }
0x58f: {  	_ =	swait.ge [sflag:s14], $0x8000  }
0x590: {  	[sflag:s14] =	ssyncset.done $0x0  }
0x591: {  	s15 =	rddreg [dreg:$0x10];
	[sflag:s14] =	ssyncadd.s32 $0xFFFF8000  }
0x592: {  	[hbm4b:s15+s2] =	stream.linear.scatter [tilespmem:s23], [sflag:$0x3], $0x8000, $0x38;
	[tilespmem:$0x10A00] =	vst v63  }
0x593: {  	_ =	swait.ge [sflag:s6], $0x8000  }
0x594: {  	[sflag:s6] =	ssyncset.done $0x0  }
0x595: {  	[sflag:s6] =	ssyncadd.s32 $0xFFFF8000  }
0x596: {  	v3 =	vld [tilespmem:$0x780];
	_ =	sdelay $0x4  }
0x597: {  	v24 =	vshll.u32 v3, $0x1  }
0x598: {  	v3 =	vand.u32 $0x7, v3;
	v4 =	vand.u32 $0xFFFFFFF0, v24  }
0x599: {  	v3 =	vor.u32 v3, v4  }
0x59a: {  	v4 =	vperm.xlane v3, v0;
	_ =	sdelay $0x1  }
0x59b: {  	v3 =	vperm.xlane v3, v2;
	v4 =	vadd.s32 v1, v4;
	_ =	sdelay $0x1  }
0x59c: {  	v3 =	vadd.s32 v1, v3;
	_ =	sdelay $0x2  }
0x59d: {  	[tilespmem:s23], [sflag:$0x2] =	stream.indirect_vreg.gather [hbm4b:s4+s2], $0x80, v4, vm0, $0xb8;
	[tilespmem:$0x10A00] =	vst v63  }
0x59e: {  	s15 =	simm.s32 $0x9200  }
0x59f: {  	[tilespmem:s15], [sflag:$0x2] =	stream.indirect_vreg.gather [hbm4b:s4+s2], $0x80, v3, vm0, $0xb8;
	[tilespmem:$0x10A00] =	vst v63  }
0x5a0: {  	v3 =	vld [tilespmem:$0x790];
	_ =	sdelay $0x4  }
0x5a1: {  	v25 =	vshll.u32 v3, $0x1  }
0x5a2: {  	v3 =	vand.u32 $0x7, v3;
	v4 =	vand.u32 $0xFFFFFFF0, v25  }
0x5a3: {  	v3 =	vor.u32 v3, v4  }
0x5a4: {  	v4 =	vperm.xlane v3, v0;
	_ =	sdelay $0x1  }
0x5a5: {  	v3 =	vperm.xlane v3, v2;
	v4 =	vadd.s32 v1, v4;
	_ =	sdelay $0x1  }
0x5a6: {  	v3 =	vadd.s32 v1, v3;
	_ =	sdelay $0x1  }
0x5a7: {  	s9 =	simm.s32 $0x9A00  }
0x5a8: {  	[tilespmem:s9], [sflag:$0x2] =	stream.indirect_vreg.gather [hbm4b:s4+s2], $0x80, v4, vm0, $0xb8;
	[tilespmem:$0x10A00] =	vst v63  }
0x5a9: {  	s15 =	simm.s32 $0xA200  }
0x5aa: {  	[tilespmem:s15], [sflag:$0x2] =	stream.indirect_vreg.gather [hbm4b:s4+s2], $0x80, v3, vm0, $0xb8;
	[tilespmem:$0x10A00] =	vst v63  }
0x5ab: {  	v3 =	vld [tilespmem:$0x7A0];
	_ =	sdelay $0x4  }
0x5ac: {  	v26 =	vshll.u32 v3, $0x1  }
0x5ad: {  	v3 =	vand.u32 $0x7, v3;
	v4 =	vand.u32 $0xFFFFFFF0, v26  }
0x5ae: {  	v3 =	vor.u32 v3, v4  }
0x5af: {  	v4 =	vperm.xlane v3, v0;
	_ =	sdelay $0x1  }
0x5b0: {  	v3 =	vperm.xlane v3, v2;
	v4 =	vadd.s32 v1, v4;
	_ =	sdelay $0x1  }
0x5b1: {  	v3 =	vadd.s32 v1, v3;
	_ =	sdelay $0x1  }
0x5b2: {  	s10 =	simm.s32 $0xAA00  }
0x5b3: {  	[tilespmem:s10], [sflag:$0x2] =	stream.indirect_vreg.gather [hbm4b:s4+s2], $0x80, v4, vm0, $0xb8;
	[tilespmem:$0x10A00] =	vst v63  }
0x5b4: {  	s18 =	simm.s32 $0xB200  }
0x5b5: {  	[tilespmem:s18], [sflag:$0x2] =	stream.indirect_vreg.gather [hbm4b:s4+s2], $0x80, v3, vm0, $0xb8;
	[tilespmem:$0x10A00] =	vst v63  }
0x5b6: {  	v3 =	vld [tilespmem:$0x7B0];
	_ =	sdelay $0x4  }
0x5b7: {  	v27 =	vshll.u32 v3, $0x1  }
0x5b8: {  	v3 =	vand.u32 $0x7, v3;
	v4 =	vand.u32 $0xFFFFFFF0, v27  }
0x5b9: {  	v3 =	vor.u32 v3, v4  }
0x5ba: {  	v4 =	vperm.xlane v3, v0;
	_ =	sdelay $0x1  }
0x5bb: {  	v3 =	vperm.xlane v3, v2;
	v4 =	vadd.s32 v1, v4;
	_ =	sdelay $0x1  }
0x5bc: {  	v3 =	vadd.s32 v1, v3;
	_ =	sdelay $0x1  }
0x5bd: {  	s8 =	simm.s32 $0xBA00  }
0x5be: {  	[tilespmem:s8], [sflag:$0x2] =	stream.indirect_vreg.gather [hbm4b:s4+s2], $0x80, v4, vm0, $0xb8;
	[tilespmem:$0x10A00] =	vst v63  }
0x5bf: {  	s19 =	simm.s32 $0xC200  }
0x5c0: {  	[tilespmem:s19], [sflag:$0x2] =	stream.indirect_vreg.gather [hbm4b:s4+s2], $0x80, v3, vm0, $0xb8;
	[tilespmem:$0x10A00] =	vst v63  }
0x5c1: {  	v3 =	vld [tilespmem:$0x7C0];
	_ =	sdelay $0x4  }
0x5c2: {  	v28 =	vshll.u32 v3, $0x1  }
0x5c3: {  	v3 =	vand.u32 $0x7, v3;
	v4 =	vand.u32 $0xFFFFFFF0, v28  }
0x5c4: {  	v3 =	vor.u32 v3, v4  }
0x5c5: {  	v4 =	vperm.xlane v3, v0;
	_ =	sdelay $0x1  }
0x5c6: {  	v3 =	vperm.xlane v3, v2;
	v4 =	vadd.s32 v1, v4;
	_ =	sdelay $0x1  }
0x5c7: {  	v3 =	vadd.s32 v1, v3;
	_ =	sdelay $0x1  }
0x5c8: {  	s0 =	simm.s32 $0xCA00  }
0x5c9: {  	[tilespmem:s0], [sflag:$0x2] =	stream.indirect_vreg.gather [hbm4b:s4+s2], $0x80, v4, vm0, $0xb8;
	[tilespmem:$0x10A00] =	vst v63  }
0x5ca: {  	s11 =	simm.s32 $0xD200  }
0x5cb: {  	[tilespmem:s11], [sflag:$0x2] =	stream.indirect_vreg.gather [hbm4b:s4+s2], $0x80, v3, vm0, $0xb8;
	[tilespmem:$0x10A00] =	vst v63  }
0x5cc: {  	v3 =	vld [tilespmem:$0x7D0];
	_ =	sdelay $0x4  }
0x5cd: {  	v29 =	vshll.u32 v3, $0x1  }
0x5ce: {  	v3 =	vand.u32 $0x7, v3;
	v4 =	vand.u32 $0xFFFFFFF0, v29  }
0x5cf: {  	v3 =	vor.u32 v3, v4  }
0x5d0: {  	v4 =	vperm.xlane v3, v0;
	_ =	sdelay $0x1  }
0x5d1: {  	v3 =	vperm.xlane v3, v2;
	v4 =	vadd.s32 v1, v4;
	_ =	sdelay $0x1  }
0x5d2: {  	v3 =	vadd.s32 v1, v3;
	_ =	sdelay $0x1  }
0x5d3: {  	s1 =	simm.s32 $0xDA00  }
0x5d4: {  	[tilespmem:s1], [sflag:$0x2] =	stream.indirect_vreg.gather [hbm4b:s4+s2], $0x80, v4, vm0, $0xb8;
	[tilespmem:$0x10A00] =	vst v63  }
0x5d5: {  	s12 =	simm.s32 $0xE200  }
0x5d6: {  	[tilespmem:s12], [sflag:$0x2] =	stream.indirect_vreg.gather [hbm4b:s4+s2], $0x80, v3, vm0, $0xb8;
	[tilespmem:$0x10A00] =	vst v63  }
0x5d7: {  	v3 =	vld [tilespmem:$0x7E0];
	_ =	sdelay $0x4  }
0x5d8: {  	v30 =	vshll.u32 v3, $0x1  }
0x5d9: {  	v3 =	vand.u32 $0x7, v3;
	v4 =	vand.u32 $0xFFFFFFF0, v30  }
0x5da: {  	v3 =	vor.u32 v3, v4  }
0x5db: {  	v4 =	vperm.xlane v3, v0;
	_ =	sdelay $0x1  }
0x5dc: {  	v3 =	vperm.xlane v3, v2;
	v4 =	vadd.s32 v1, v4;
	_ =	sdelay $0x1  }
0x5dd: {  	v3 =	vadd.s32 v1, v3;
	_ =	sdelay $0x1  }
0x5de: {  	s3 =	simm.s32 $0xEA00  }
0x5df: {  	[tilespmem:s3], [sflag:$0x2] =	stream.indirect_vreg.gather [hbm4b:s4+s2], $0x80, v4, vm0, $0xb8;
	[tilespmem:$0x10A00] =	vst v63  }
0x5e0: {  	s16 =	simm.s32 $0xF200  }
0x5e1: {  	[tilespmem:s16], [sflag:$0x2] =	stream.indirect_vreg.gather [hbm4b:s4+s2], $0x80, v3, vm0, $0xb8;
	[tilespmem:$0x10A00] =	vst v63  }
0x5e2: {  	v3 =	vld [tilespmem:$0x7F0];
	_ =	sdelay $0x4  }
0x5e3: {  	v31 =	vshll.u32 v3, $0x1  }
0x5e4: {  	v3 =	vand.u32 $0x7, v3;
	v4 =	vand.u32 $0xFFFFFFF0, v31  }
0x5e5: {  	v3 =	vor.u32 v3, v4  }
0x5e6: {  	v4 =	vperm.xlane v3, v0;
	_ =	sdelay $0x1  }
0x5e7: {  	v3 =	vperm.xlane v3, v2;
	v4 =	vadd.s32 v1, v4;
	_ =	sdelay $0x1  }
0x5e8: {  	v3 =	vadd.s32 v1, v3;
	_ =	sdelay $0x1  }
0x5e9: {  	s5 =	simm.s32 $0xFA00  }
0x5ea: {  	[tilespmem:s5], [sflag:$0x2] =	stream.indirect_vreg.gather [hbm4b:s4+s2], $0x80, v4, vm0, $0xb8;
	[tilespmem:$0x10A00] =	vst v63  }
0x5eb: {  	s17 =	simm.s32 $0x10200  }
0x5ec: {  	[tilespmem:s17], [sflag:$0x2] =	stream.indirect_vreg.gather [hbm4b:s4+s2], $0x80, v3, vm0, $0xb8;
	[tilespmem:$0x10A00] =	vst v63  }
0x5ed: {  	_ =	swait.ge [sflag:s13], $0x8000  }
0x5ee: {  	[sflag:s13] =	ssyncset.done $0x0  }
0x5ef: {  	s19 =	rddreg [dreg:$0x11];
	[sflag:s13] =	ssyncadd.s32 $0xFFFF8000  }
0x5f0: {  	[hbm4b:s19+s2] =	stream.linear.scatter [tilespmem:s7], [sflag:$0x3], $0x8000, $0x38;
	[tilespmem:$0x10A00] =	vst v63  }
0x5f1: {  	_ =	swait.ge [sflag:s6], $0x8000  }
0x5f2: {  	[sflag:s6] =	ssyncset.done $0x0  }
0x5f3: {  	[sflag:s6] =	ssyncadd.s32 $0xFFFF8000  }
0x5f4: {  	v3 =	vld [tilespmem:$0x800];
	_ =	sdelay $0x4  }
0x5f5: {  	v32 =	vshll.u32 v3, $0x1  }
0x5f6: {  	v3 =	vand.u32 $0x7, v3;
	v4 =	vand.u32 $0xFFFFFFF0, v32  }
0x5f7: {  	v3 =	vor.u32 v3, v4  }
0x5f8: {  	v4 =	vperm.xlane v3, v0;
	_ =	sdelay $0x1  }
0x5f9: {  	v3 =	vperm.xlane v3, v2;
	v4 =	vadd.s32 v1, v4;
	_ =	sdelay $0x1  }
0x5fa: {  	v3 =	vadd.s32 v1, v3;
	_ =	sdelay $0x2  }
0x5fb: {  	[tilespmem:s7], [sflag:$0x1] =	stream.indirect_vreg.gather [hbm4b:s4+s2], $0x80, v4, vm0, $0xb8;
	[tilespmem:$0x10A00] =	vst v63  }
0x5fc: {  	s16 =	simm.s32 $0x1200  }
0x5fd: {  	[tilespmem:s16], [sflag:$0x1] =	stream.indirect_vreg.gather [hbm4b:s4+s2], $0x80, v3, vm0, $0xb8;
	[tilespmem:$0x10A00] =	vst v63  }
0x5fe: {  	v3 =	vld [tilespmem:$0x810];
	_ =	sdelay $0x4  }
0x5ff: {  	v33 =	vshll.u32 v3, $0x1  }
0x600: {  	v3 =	vand.u32 $0x7, v3;
	v4 =	vand.u32 $0xFFFFFFF0, v33  }
0x601: {  	v3 =	vor.u32 v3, v4  }
0x602: {  	v4 =	vperm.xlane v3, v0;
	_ =	sdelay $0x1  }
0x603: {  	v3 =	vperm.xlane v3, v2;
	v4 =	vadd.s32 v1, v4;
	_ =	sdelay $0x1  }
0x604: {  	v3 =	vadd.s32 v1, v3;
	_ =	sdelay $0x1  }
0x605: {  	s17 =	simm.s32 $0x1A00  }
0x606: {  	[tilespmem:s17], [sflag:$0x1] =	stream.indirect_vreg.gather [hbm4b:s4+s2], $0x80, v4, vm0, $0xb8;
	[tilespmem:$0x10A00] =	vst v63  }
0x607: {  	s19 =	simm.s32 $0x2200  }
0x608: {  	[tilespmem:s19], [sflag:$0x1] =	stream.indirect_vreg.gather [hbm4b:s4+s2], $0x80, v3, vm0, $0xb8;
	[tilespmem:$0x10A00] =	vst v63  }
0x609: {  	v3 =	vld [tilespmem:$0x820];
	_ =	sdelay $0x4  }
0x60a: {  	v34 =	vshll.u32 v3, $0x1  }
0x60b: {  	v3 =	vand.u32 $0x7, v3;
	v4 =	vand.u32 $0xFFFFFFF0, v34  }
0x60c: {  	v3 =	vor.u32 v3, v4  }
0x60d: {  	v4 =	vperm.xlane v3, v0;
	_ =	sdelay $0x1  }
0x60e: {  	v3 =	vperm.xlane v3, v2;
	v4 =	vadd.s32 v1, v4;
	_ =	sdelay $0x1  }
0x60f: {  	v3 =	vadd.s32 v1, v3;
	_ =	sdelay $0x1  }
0x610: {  	s20 =	simm.s32 $0x2A00  }
0x611: {  	[tilespmem:s20], [sflag:$0x1] =	stream.indirect_vreg.gather [hbm4b:s4+s2], $0x80, v4, vm0, $0xb8;
	[tilespmem:$0x10A00] =	vst v63  }
0x612: {  	s22 =	simm.s32 $0x3200  }
0x613: {  	[tilespmem:s22], [sflag:$0x1] =	stream.indirect_vreg.gather [hbm4b:s4+s2], $0x80, v3, vm0, $0xb8;
	[tilespmem:$0x10A00] =	vst v63  }
0x614: {  	v3 =	vld [tilespmem:$0x830];
	_ =	sdelay $0x4  }
0x615: {  	v35 =	vshll.u32 v3, $0x1  }
0x616: {  	v3 =	vand.u32 $0x7, v3;
	v4 =	vand.u32 $0xFFFFFFF0, v35  }
0x617: {  	v3 =	vor.u32 v3, v4  }
0x618: {  	v4 =	vperm.xlane v3, v0;
	_ =	sdelay $0x1  }
0x619: {  	v3 =	vperm.xlane v3, v2;
	v4 =	vadd.s32 v1, v4;
	_ =	sdelay $0x1  }
0x61a: {  	v3 =	vadd.s32 v1, v3;
	_ =	sdelay $0x1  }
0x61b: {  	s21 =	simm.s32 $0x3A00  }
0x61c: {  	[tilespmem:s21], [sflag:$0x1] =	stream.indirect_vreg.gather [hbm4b:s4+s2], $0x80, v4, vm0, $0xb8;
	[tilespmem:$0x10A00] =	vst v63  }
0x61d: {  	s21 =	simm.s32 $0x4200  }
0x61e: {  	[tilespmem:s21], [sflag:$0x1] =	stream.indirect_vreg.gather [hbm4b:s4+s2], $0x80, v3, vm0, $0xb8;
	[tilespmem:$0x10A00] =	vst v63  }
0x61f: {  	v3 =	vld [tilespmem:$0x840];
	_ =	sdelay $0x4  }
0x620: {  	v36 =	vshll.u32 v3, $0x1  }
0x621: {  	v3 =	vand.u32 $0x7, v3;
	v4 =	vand.u32 $0xFFFFFFF0, v36  }
0x622: {  	v3 =	vor.u32 v3, v4  }
0x623: {  	v4 =	vperm.xlane v3, v0;
	_ =	sdelay $0x1  }
0x624: {  	v3 =	vperm.xlane v3, v2;
	v4 =	vadd.s32 v1, v4;
	_ =	sdelay $0x1  }
0x625: {  	v3 =	vadd.s32 v1, v3;
	_ =	sdelay $0x1  }
0x626: {  	s24 =	simm.s32 $0x4A00  }
0x627: {  	[tilespmem:s24], [sflag:$0x1] =	stream.indirect_vreg.gather [hbm4b:s4+s2], $0x80, v4, vm0, $0xb8;
	[tilespmem:$0x10A00] =	vst v63  }
0x628: {  	s26 =	simm.s32 $0x5200  }
0x629: {  	[tilespmem:s26], [sflag:$0x1] =	stream.indirect_vreg.gather [hbm4b:s4+s2], $0x80, v3, vm0, $0xb8;
	[tilespmem:$0x10A00] =	vst v63  }
0x62a: {  	v3 =	vld [tilespmem:$0x850];
	_ =	sdelay $0x4  }
0x62b: {  	v37 =	vshll.u32 v3, $0x1  }
0x62c: {  	v3 =	vand.u32 $0x7, v3;
	v4 =	vand.u32 $0xFFFFFFF0, v37  }
0x62d: {  	v3 =	vor.u32 v3, v4  }
0x62e: {  	v4 =	vperm.xlane v3, v0;
	_ =	sdelay $0x1  }
0x62f: {  	v3 =	vperm.xlane v3, v2;
	v4 =	vadd.s32 v1, v4;
	_ =	sdelay $0x1  }
0x630: {  	v3 =	vadd.s32 v1, v3;
	_ =	sdelay $0x1  }
0x631: {  	s22 =	simm.s32 $0x5A00  }
0x632: {  	[tilespmem:s22], [sflag:$0x1] =	stream.indirect_vreg.gather [hbm4b:s4+s2], $0x80, v4, vm0, $0xb8;
	[tilespmem:$0x10A00] =	vst v63  }
0x633: {  	s28 =	simm.s32 $0x6200  }
0x634: {  	[tilespmem:s28], [sflag:$0x1] =	stream.indirect_vreg.gather [hbm4b:s4+s2], $0x80, v3, vm0, $0xb8;
	[tilespmem:$0x10A00] =	vst v63  }
0x635: {  	v3 =	vld [tilespmem:$0x860];
	_ =	sdelay $0x4  }
0x636: {  	v38 =	vshll.u32 v3, $0x1  }
0x637: {  	v3 =	vand.u32 $0x7, v3;
	v4 =	vand.u32 $0xFFFFFFF0, v38  }
0x638: {  	v3 =	vor.u32 v3, v4  }
0x639: {  	v4 =	vperm.xlane v3, v0;
	_ =	sdelay $0x1  }
0x63a: {  	v3 =	vperm.xlane v3, v2;
	v4 =	vadd.s32 v1, v4;
	_ =	sdelay $0x1  }
0x63b: {  	v3 =	vadd.s32 v1, v3;
	_ =	sdelay $0x1  }
0x63c: {  	s29 =	simm.s32 $0x6A00  }
0x63d: {  	[tilespmem:s29], [sflag:$0x1] =	stream.indirect_vreg.gather [hbm4b:s4+s2], $0x80, v4, vm0, $0xb8;
	[tilespmem:$0x10A00] =	vst v63  }
0x63e: {  	s30 =	simm.s32 $0x7200  }
0x63f: {  	[tilespmem:s30], [sflag:$0x1] =	stream.indirect_vreg.gather [hbm4b:s4+s2], $0x80, v3, vm0, $0xb8;
	[tilespmem:$0x10A00] =	vst v63  }
0x640: {  	v3 =	vld [tilespmem:$0x870];
	_ =	sdelay $0x4  }
0x641: {  	v39 =	vshll.u32 v3, $0x1  }
0x642: {  	v3 =	vand.u32 $0x7, v3;
	v4 =	vand.u32 $0xFFFFFFF0, v39  }
0x643: {  	v3 =	vor.u32 v3, v4  }
0x644: {  	v4 =	vperm.xlane v3, v0;
	_ =	sdelay $0x1  }
0x645: {  	v3 =	vperm.xlane v3, v2;
	v4 =	vadd.s32 v1, v4;
	_ =	sdelay $0x1  }
0x646: {  	v3 =	vadd.s32 v1, v3;
	_ =	sdelay $0x1  }
0x647: {  	s31 =	simm.s32 $0x7A00  }
0x648: {  	[tilespmem:s31], [sflag:$0x1] =	stream.indirect_vreg.gather [hbm4b:s4+s2], $0x80, v4, vm0, $0xb8;
	[tilespmem:$0x10A00] =	vst v63  }
0x649: {  	s25 =	simm.s32 $0x8200  }
0x64a: {  	[tilespmem:s25], [sflag:$0x1] =	stream.indirect_vreg.gather [hbm4b:s4+s2], $0x80, v3, vm0, $0xb8;
	[tilespmem:$0x10A00] =	vst v63  }
0x64b: {  	_ =	swait.ge [sflag:s14], $0x8000  }
0x64c: {  	[sflag:s14] =	ssyncset.done $0x0  }
0x64d: {  	s25 =	rddreg [dreg:$0x12];
	[sflag:s14] =	ssyncadd.s32 $0xFFFF8000  }
0x64e: {  	[hbm4b:s25+s2] =	stream.linear.scatter [tilespmem:s23], [sflag:$0x3], $0x8000, $0x38;
	[tilespmem:$0x10A00] =	vst v63  }
0x64f: {  	_ =	swait.ge [sflag:s6], $0x8000  }
0x650: {  	[sflag:s6] =	ssyncset.done $0x0  }
0x651: {  	[sflag:s6] =	ssyncadd.s32 $0xFFFF8000  }
0x652: {  	v3 =	vld [tilespmem:$0x880];
	_ =	sdelay $0x4  }
0x653: {  	v40 =	vshll.u32 v3, $0x1  }
0x654: {  	v3 =	vand.u32 $0x7, v3;
	v4 =	vand.u32 $0xFFFFFFF0, v40  }
0x655: {  	v3 =	vor.u32 v3, v4  }
0x656: {  	v4 =	vperm.xlane v3, v0;
	_ =	sdelay $0x1  }
0x657: {  	v3 =	vperm.xlane v3, v2;
	v4 =	vadd.s32 v1, v4;
	_ =	sdelay $0x1  }
0x658: {  	v3 =	vadd.s32 v1, v3;
	_ =	sdelay $0x2  }
0x659: {  	[tilespmem:s23], [sflag:$0x2] =	stream.indirect_vreg.gather [hbm4b:s4+s2], $0x80, v4, vm0, $0xb8;
	[tilespmem:$0x10A00] =	vst v63  }
0x65a: {  	s31 =	simm.s32 $0x9200  }
0x65b: {  	[tilespmem:s31], [sflag:$0x2] =	stream.indirect_vreg.gather [hbm4b:s4+s2], $0x80, v3, vm0, $0xb8;
	[tilespmem:$0x10A00] =	vst v63  }
0x65c: {  	v3 =	vld [tilespmem:$0x890];
	_ =	sdelay $0x4  }
0x65d: {  	v41 =	vshll.u32 v3, $0x1  }
0x65e: {  	v3 =	vand.u32 $0x7, v3;
	v4 =	vand.u32 $0xFFFFFFF0, v41  }
0x65f: {  	v3 =	vor.u32 v3, v4  }
0x660: {  	v4 =	vperm.xlane v3, v0;
	_ =	sdelay $0x1  }
0x661: {  	v3 =	vperm.xlane v3, v2;
	v4 =	vadd.s32 v1, v4;
	_ =	sdelay $0x1  }
0x662: {  	v3 =	vadd.s32 v1, v3;
	_ =	sdelay $0x1  }
0x663: {  	s9 =	simm.s32 $0x9A00  }
0x664: {  	[tilespmem:s9], [sflag:$0x2] =	stream.indirect_vreg.gather [hbm4b:s4+s2], $0x80, v4, vm0, $0xb8;
	[tilespmem:$0x10A00] =	vst v63  }
0x665: {  	s15 =	simm.s32 $0xA200  }
0x666: {  	[tilespmem:s15], [sflag:$0x2] =	stream.indirect_vreg.gather [hbm4b:s4+s2], $0x80, v3, vm0, $0xb8;
	[tilespmem:$0x10A00] =	vst v63  }
0x667: {  	v3 =	vld [tilespmem:$0x8A0];
	_ =	sdelay $0x4  }
0x668: {  	v42 =	vshll.u32 v3, $0x1  }
0x669: {  	v3 =	vand.u32 $0x7, v3;
	v4 =	vand.u32 $0xFFFFFFF0, v42  }
0x66a: {  	v3 =	vor.u32 v3, v4  }
0x66b: {  	v4 =	vperm.xlane v3, v0;
	_ =	sdelay $0x1  }
0x66c: {  	v3 =	vperm.xlane v3, v2;
	v4 =	vadd.s32 v1, v4;
	_ =	sdelay $0x1  }
0x66d: {  	v3 =	vadd.s32 v1, v3;
	_ =	sdelay $0x1  }
0x66e: {  	s10 =	simm.s32 $0xAA00  }
0x66f: {  	[tilespmem:s10], [sflag:$0x2] =	stream.indirect_vreg.gather [hbm4b:s4+s2], $0x80, v4, vm0, $0xb8;
	[tilespmem:$0x10A00] =	vst v63  }
0x670: {  	s18 =	simm.s32 $0xB200  }
0x671: {  	[tilespmem:s18], [sflag:$0x2] =	stream.indirect_vreg.gather [hbm4b:s4+s2], $0x80, v3, vm0, $0xb8;
	[tilespmem:$0x10A00] =	vst v63  }
0x672: {  	v3 =	vld [tilespmem:$0x8B0];
	_ =	sdelay $0x4  }
0x673: {  	v43 =	vshll.u32 v3, $0x1  }
0x674: {  	v3 =	vand.u32 $0x7, v3;
	v4 =	vand.u32 $0xFFFFFFF0, v43  }
0x675: {  	v3 =	vor.u32 v3, v4  }
0x676: {  	v4 =	vperm.xlane v3, v0;
	_ =	sdelay $0x1  }
0x677: {  	v3 =	vperm.xlane v3, v2;
	v4 =	vadd.s32 v1, v4;
	_ =	sdelay $0x1  }
0x678: {  	v3 =	vadd.s32 v1, v3;
	_ =	sdelay $0x1  }
0x679: {  	s8 =	simm.s32 $0xBA00  }
0x67a: {  	[tilespmem:s8], [sflag:$0x2] =	stream.indirect_vreg.gather [hbm4b:s4+s2], $0x80, v4, vm0, $0xb8;
	[tilespmem:$0x10A00] =	vst v63  }
0x67b: {  	s18 =	simm.s32 $0xC200  }
0x67c: {  	[tilespmem:s18], [sflag:$0x2] =	stream.indirect_vreg.gather [hbm4b:s4+s2], $0x80, v3, vm0, $0xb8;
	[tilespmem:$0x10A00] =	vst v63  }
0x67d: {  	v3 =	vld [tilespmem:$0x8C0];
	_ =	sdelay $0x4  }
0x67e: {  	v44 =	vshll.u32 v3, $0x1  }
0x67f: {  	v3 =	vand.u32 $0x7, v3;
	v4 =	vand.u32 $0xFFFFFFF0, v44  }
0x680: {  	v3 =	vor.u32 v3, v4  }
0x681: {  	v4 =	vperm.xlane v3, v0;
	_ =	sdelay $0x1  }
0x682: {  	v3 =	vperm.xlane v3, v2;
	v4 =	vadd.s32 v1, v4;
	_ =	sdelay $0x1  }
0x683: {  	v3 =	vadd.s32 v1, v3;
	_ =	sdelay $0x1  }
0x684: {  	s0 =	simm.s32 $0xCA00  }
0x685: {  	[tilespmem:s0], [sflag:$0x2] =	stream.indirect_vreg.gather [hbm4b:s4+s2], $0x80, v4, vm0, $0xb8;
	[tilespmem:$0x10A00] =	vst v63  }
0x686: {  	s11 =	simm.s32 $0xD200  }
0x687: {  	[tilespmem:s11], [sflag:$0x2] =	stream.indirect_vreg.gather [hbm4b:s4+s2], $0x80, v3, vm0, $0xb8;
	[tilespmem:$0x10A00] =	vst v63  }
0x688: {  	v3 =	vld [tilespmem:$0x8D0];
	_ =	sdelay $0x4  }
0x689: {  	v45 =	vshll.u32 v3, $0x1  }
0x68a: {  	v3 =	vand.u32 $0x7, v3;
	v4 =	vand.u32 $0xFFFFFFF0, v45  }
0x68b: {  	v3 =	vor.u32 v3, v4  }
0x68c: {  	v4 =	vperm.xlane v3, v0;
	_ =	sdelay $0x1  }
0x68d: {  	v3 =	vperm.xlane v3, v2;
	v4 =	vadd.s32 v1, v4;
	_ =	sdelay $0x1  }
0x68e: {  	v3 =	vadd.s32 v1, v3;
	_ =	sdelay $0x1  }
0x68f: {  	s1 =	simm.s32 $0xDA00  }
0x690: {  	[tilespmem:s1], [sflag:$0x2] =	stream.indirect_vreg.gather [hbm4b:s4+s2], $0x80, v4, vm0, $0xb8;
	[tilespmem:$0x10A00] =	vst v63  }
0x691: {  	s12 =	simm.s32 $0xE200  }
0x692: {  	[tilespmem:s12], [sflag:$0x2] =	stream.indirect_vreg.gather [hbm4b:s4+s2], $0x80, v3, vm0, $0xb8;
	[tilespmem:$0x10A00] =	vst v63  }
0x693: {  	v3 =	vld [tilespmem:$0x8E0];
	_ =	sdelay $0x4  }
0x694: {  	v46 =	vshll.u32 v3, $0x1  }
0x695: {  	v3 =	vand.u32 $0x7, v3;
	v4 =	vand.u32 $0xFFFFFFF0, v46  }
0x696: {  	v3 =	vor.u32 v3, v4  }
0x697: {  	v4 =	vperm.xlane v3, v0;
	_ =	sdelay $0x1  }
0x698: {  	v3 =	vperm.xlane v3, v2;
	v4 =	vadd.s32 v1, v4;
	_ =	sdelay $0x1  }
0x699: {  	v3 =	vadd.s32 v1, v3;
	_ =	sdelay $0x1  }
0x69a: {  	s3 =	simm.s32 $0xEA00  }
0x69b: {  	[tilespmem:s3], [sflag:$0x2] =	stream.indirect_vreg.gather [hbm4b:s4+s2], $0x80, v4, vm0, $0xb8;
	[tilespmem:$0x10A00] =	vst v63  }
0x69c: {  	s12 =	simm.s32 $0xF200  }
0x69d: {  	[tilespmem:s12], [sflag:$0x2] =	stream.indirect_vreg.gather [hbm4b:s4+s2], $0x80, v3, vm0, $0xb8;
	[tilespmem:$0x10A00] =	vst v63  }
0x69e: {  	v3 =	vld [tilespmem:$0x8F0];
	_ =	sdelay $0x4  }
0x69f: {  	v47 =	vshll.u32 v3, $0x1  }
0x6a0: {  	v3 =	vand.u32 $0x7, v3;
	v4 =	vand.u32 $0xFFFFFFF0, v47  }
0x6a1: {  	v3 =	vor.u32 v3, v4  }
0x6a2: {  	v4 =	vperm.xlane v3, v0;
	_ =	sdelay $0x1  }
0x6a3: {  	v3 =	vperm.xlane v3, v2;
	v4 =	vadd.s32 v1, v4;
	_ =	sdelay $0x1  }
0x6a4: {  	v3 =	vadd.s32 v1, v3;
	_ =	sdelay $0x1  }
0x6a5: {  	s5 =	simm.s32 $0xFA00  }
0x6a6: {  	[tilespmem:s5], [sflag:$0x2] =	stream.indirect_vreg.gather [hbm4b:s4+s2], $0x80, v4, vm0, $0xb8;
	[tilespmem:$0x10A00] =	vst v63  }
0x6a7: {  	s15 =	simm.s32 $0x10200  }
0x6a8: {  	[tilespmem:s15], [sflag:$0x2] =	stream.indirect_vreg.gather [hbm4b:s4+s2], $0x80, v3, vm0, $0xb8;
	[tilespmem:$0x10A00] =	vst v63  }
0x6a9: {  	_ =	swait.ge [sflag:s13], $0x8000  }
0x6aa: {  	[sflag:s13] =	ssyncset.done $0x0  }
0x6ab: {  	s15 =	rddreg [dreg:$0x13];
	[sflag:s13] =	ssyncadd.s32 $0xFFFF8000  }
0x6ac: {  	[hbm4b:s15+s2] =	stream.linear.scatter [tilespmem:s7], [sflag:$0x3], $0x8000, $0x38;
	[tilespmem:$0x10A00] =	vst v63  }
0x6ad: {  	_ =	swait.ge [sflag:s6], $0x8000  }
0x6ae: {  	[sflag:s6] =	ssyncset.done $0x0  }
0x6af: {  	[sflag:s6] =	ssyncadd.s32 $0xFFFF8000  }
0x6b0: {  	v3 =	vld [tilespmem:$0x900];
	_ =	sdelay $0x4  }
0x6b1: {  	v48 =	vshll.u32 v3, $0x1  }
0x6b2: {  	v3 =	vand.u32 $0x7, v3;
	v4 =	vand.u32 $0xFFFFFFF0, v48  }
0x6b3: {  	v3 =	vor.u32 v3, v4  }
0x6b4: {  	v4 =	vperm.xlane v3, v0;
	_ =	sdelay $0x1  }
0x6b5: {  	v3 =	vperm.xlane v3, v2;
	v4 =	vadd.s32 v1, v4;
	_ =	sdelay $0x1  }
0x6b6: {  	v3 =	vadd.s32 v1, v3;
	_ =	sdelay $0x2  }
0x6b7: {  	[tilespmem:s7], [sflag:$0x1] =	stream.indirect_vreg.gather [hbm4b:s4+s2], $0x80, v4, vm0, $0xb8;
	[tilespmem:$0x10A00] =	vst v63  }
0x6b8: {  	s15 =	simm.s32 $0x1200  }
0x6b9: {  	[tilespmem:s15], [sflag:$0x1] =	stream.indirect_vreg.gather [hbm4b:s4+s2], $0x80, v3, vm0, $0xb8;
	[tilespmem:$0x10A00] =	vst v63  }
0x6ba: {  	v3 =	vld [tilespmem:$0x910];
	_ =	sdelay $0x4  }
0x6bb: {  	v49 =	vshll.u32 v3, $0x1  }
0x6bc: {  	v3 =	vand.u32 $0x7, v3;
	v4 =	vand.u32 $0xFFFFFFF0, v49  }
0x6bd: {  	v3 =	vor.u32 v3, v4  }
0x6be: {  	v4 =	vperm.xlane v3, v0;
	_ =	sdelay $0x1  }
0x6bf: {  	v3 =	vperm.xlane v3, v2;
	v4 =	vadd.s32 v1, v4;
	_ =	sdelay $0x1  }
0x6c0: {  	v3 =	vadd.s32 v1, v3;
	_ =	sdelay $0x1  }
0x6c1: {  	s15 =	simm.s32 $0x1A00  }
0x6c2: {  	[tilespmem:s15], [sflag:$0x1] =	stream.indirect_vreg.gather [hbm4b:s4+s2], $0x80, v4, vm0, $0xb8;
	[tilespmem:$0x10A00] =	vst v63  }
0x6c3: {  	s15 =	simm.s32 $0x2200  }
0x6c4: {  	[tilespmem:s15], [sflag:$0x1] =	stream.indirect_vreg.gather [hbm4b:s4+s2], $0x80, v3, vm0, $0xb8;
	[tilespmem:$0x10A00] =	vst v63  }
0x6c5: {  	v3 =	vld [tilespmem:$0x920];
	_ =	sdelay $0x4  }
0x6c6: {  	v50 =	vshll.u32 v3, $0x1  }
0x6c7: {  	v3 =	vand.u32 $0x7, v3;
	v4 =	vand.u32 $0xFFFFFFF0, v50  }
0x6c8: {  	v3 =	vor.u32 v3, v4  }
0x6c9: {  	v4 =	vperm.xlane v3, v0;
	_ =	sdelay $0x1  }
0x6ca: {  	v3 =	vperm.xlane v3, v2;
	v4 =	vadd.s32 v1, v4;
	_ =	sdelay $0x1  }
0x6cb: {  	v3 =	vadd.s32 v1, v3;
	_ =	sdelay $0x1  }
0x6cc: {  	s16 =	simm.s32 $0x2A00  }
0x6cd: {  	[tilespmem:s16], [sflag:$0x1] =	stream.indirect_vreg.gather [hbm4b:s4+s2], $0x80, v4, vm0, $0xb8;
	[tilespmem:$0x10A00] =	vst v63  }
0x6ce: {  	s19 =	simm.s32 $0x3200  }
0x6cf: {  	[tilespmem:s19], [sflag:$0x1] =	stream.indirect_vreg.gather [hbm4b:s4+s2], $0x80, v3, vm0, $0xb8;
	[tilespmem:$0x10A00] =	vst v63  }
0x6d0: {  	v3 =	vld [tilespmem:$0x930];
	_ =	sdelay $0x4  }
0x6d1: {  	v51 =	vshll.u32 v3, $0x1  }
0x6d2: {  	v3 =	vand.u32 $0x7, v3;
	v4 =	vand.u32 $0xFFFFFFF0, v51  }
0x6d3: {  	v3 =	vor.u32 v3, v4  }
0x6d4: {  	v4 =	vperm.xlane v3, v0;
	_ =	sdelay $0x1  }
0x6d5: {  	v3 =	vperm.xlane v3, v2;
	v4 =	vadd.s32 v1, v4;
	_ =	sdelay $0x1  }
0x6d6: {  	v3 =	vadd.s32 v1, v3;
	_ =	sdelay $0x1  }
0x6d7: {  	s17 =	simm.s32 $0x3A00  }
0x6d8: {  	[tilespmem:s17], [sflag:$0x1] =	stream.indirect_vreg.gather [hbm4b:s4+s2], $0x80, v4, vm0, $0xb8;
	[tilespmem:$0x10A00] =	vst v63  }
0x6d9: {  	s19 =	simm.s32 $0x4200  }
0x6da: {  	[tilespmem:s19], [sflag:$0x1] =	stream.indirect_vreg.gather [hbm4b:s4+s2], $0x80, v3, vm0, $0xb8;
	[tilespmem:$0x10A00] =	vst v63  }
0x6db: {  	v3 =	vld [tilespmem:$0x940];
	_ =	sdelay $0x4  }
0x6dc: {  	v52 =	vshll.u32 v3, $0x1  }
0x6dd: {  	v3 =	vand.u32 $0x7, v3;
	v4 =	vand.u32 $0xFFFFFFF0, v52  }
0x6de: {  	v3 =	vor.u32 v3, v4  }
0x6df: {  	v4 =	vperm.xlane v3, v0;
	_ =	sdelay $0x1  }
0x6e0: {  	v3 =	vperm.xlane v3, v2;
	v4 =	vadd.s32 v1, v4;
	_ =	sdelay $0x1  }
0x6e1: {  	v3 =	vadd.s32 v1, v3;
	_ =	sdelay $0x1  }
0x6e2: {  	s20 =	simm.s32 $0x4A00  }
0x6e3: {  	[tilespmem:s20], [sflag:$0x1] =	stream.indirect_vreg.gather [hbm4b:s4+s2], $0x80, v4, vm0, $0xb8;
	[tilespmem:$0x10A00] =	vst v63  }
0x6e4: {  	s24 =	simm.s32 $0x5200  }
0x6e5: {  	[tilespmem:s24], [sflag:$0x1] =	stream.indirect_vreg.gather [hbm4b:s4+s2], $0x80, v3, vm0, $0xb8;
	[tilespmem:$0x10A00] =	vst v63  }
0x6e6: {  	v3 =	vld [tilespmem:$0x950];
	_ =	sdelay $0x4  }
0x6e7: {  	v53 =	vshll.u32 v3, $0x1  }
0x6e8: {  	v3 =	vand.u32 $0x7, v3;
	v4 =	vand.u32 $0xFFFFFFF0, v53  }
0x6e9: {  	v3 =	vor.u32 v3, v4  }
0x6ea: {  	v4 =	vperm.xlane v3, v0;
	_ =	sdelay $0x1  }
0x6eb: {  	v3 =	vperm.xlane v3, v2;
	v4 =	vadd.s32 v1, v4;
	_ =	sdelay $0x1  }
0x6ec: {  	v3 =	vadd.s32 v1, v3;
	_ =	sdelay $0x1  }
0x6ed: {  	s20 =	simm.s32 $0x5A00  }
0x6ee: {  	[tilespmem:s20], [sflag:$0x1] =	stream.indirect_vreg.gather [hbm4b:s4+s2], $0x80, v4, vm0, $0xb8;
	[tilespmem:$0x10A00] =	vst v63  }
0x6ef: {  	s26 =	simm.s32 $0x6200  }
0x6f0: {  	[tilespmem:s26], [sflag:$0x1] =	stream.indirect_vreg.gather [hbm4b:s4+s2], $0x80, v3, vm0, $0xb8;
	[tilespmem:$0x10A00] =	vst v63  }
0x6f1: {  	v3 =	vld [tilespmem:$0x960];
	_ =	sdelay $0x4  }
0x6f2: {  	v54 =	vshll.u32 v3, $0x1  }
0x6f3: {  	v3 =	vand.u32 $0x7, v3;
	v4 =	vand.u32 $0xFFFFFFF0, v54  }
0x6f4: {  	v3 =	vor.u32 v3, v4  }
0x6f5: {  	v4 =	vperm.xlane v3, v0;
	_ =	sdelay $0x1  }
0x6f6: {  	v3 =	vperm.xlane v3, v2;
	v4 =	vadd.s32 v1, v4;
	_ =	sdelay $0x1  }
0x6f7: {  	v3 =	vadd.s32 v1, v3;
	_ =	sdelay $0x1  }
0x6f8: {  	s28 =	simm.s32 $0x6A00  }
0x6f9: {  	[tilespmem:s28], [sflag:$0x1] =	stream.indirect_vreg.gather [hbm4b:s4+s2], $0x80, v4, vm0, $0xb8;
	[tilespmem:$0x10A00] =	vst v63  }
0x6fa: {  	s29 =	simm.s32 $0x7200  }
0x6fb: {  	[tilespmem:s29], [sflag:$0x1] =	stream.indirect_vreg.gather [hbm4b:s4+s2], $0x80, v3, vm0, $0xb8;
	[tilespmem:$0x10A00] =	vst v63  }
0x6fc: {  	v3 =	vld [tilespmem:$0x970];
	_ =	sdelay $0x4  }
0x6fd: {  	v55 =	vshll.u32 v3, $0x1  }
0x6fe: {  	v3 =	vand.u32 $0x7, v3;
	v4 =	vand.u32 $0xFFFFFFF0, v55  }
0x6ff: {  	v3 =	vor.u32 v3, v4  }
0x700: {  	v4 =	vperm.xlane v3, v0;
	_ =	sdelay $0x1  }
0x701: {  	v3 =	vperm.xlane v3, v2;
	v4 =	vadd.s32 v1, v4;
	_ =	sdelay $0x1  }
0x702: {  	v3 =	vadd.s32 v1, v3;
	_ =	sdelay $0x1  }
0x703: {  	s30 =	simm.s32 $0x7A00  }
0x704: {  	[tilespmem:s30], [sflag:$0x1] =	stream.indirect_vreg.gather [hbm4b:s4+s2], $0x80, v4, vm0, $0xb8;
	[tilespmem:$0x10A00] =	vst v63  }
0x705: {  	s21 =	simm.s32 $0x8200  }
0x706: {  	[tilespmem:s21], [sflag:$0x1] =	stream.indirect_vreg.gather [hbm4b:s4+s2], $0x80, v3, vm0, $0xb8;
	[tilespmem:$0x10A00] =	vst v63  }
0x707: {  	_ =	swait.ge [sflag:s14], $0x8000  }
0x708: {  	[sflag:s14] =	ssyncset.done $0x0  }
0x709: {  	s24 =	rddreg [dreg:$0x14];
	[sflag:s14] =	ssyncadd.s32 $0xFFFF8000  }
0x70a: {  	[hbm4b:s24+s2] =	stream.linear.scatter [tilespmem:s23], [sflag:$0x3], $0x8000, $0x38;
	[tilespmem:$0x10A00] =	vst v63  }
0x70b: {  	_ =	swait.ge [sflag:s6], $0x8000  }
0x70c: {  	[sflag:s6] =	ssyncset.done $0x0  }
0x70d: {  	[sflag:s6] =	ssyncadd.s32 $0xFFFF8000  }
0x70e: {  	v3 =	vld [tilespmem:$0x980];
	_ =	sdelay $0x4  }
0x70f: {  	v56 =	vshll.u32 v3, $0x1  }
0x710: {  	v3 =	vand.u32 $0x7, v3;
	v4 =	vand.u32 $0xFFFFFFF0, v56  }
0x711: {  	v3 =	vor.u32 v3, v4  }
0x712: {  	v4 =	vperm.xlane v3, v0;
	_ =	sdelay $0x1  }
0x713: {  	v3 =	vperm.xlane v3, v2;
	v4 =	vadd.s32 v1, v4;
	_ =	sdelay $0x1  }
0x714: {  	v3 =	vadd.s32 v1, v3;
	_ =	sdelay $0x2  }
0x715: {  	[tilespmem:s23], [sflag:$0x2] =	stream.indirect_vreg.gather [hbm4b:s4+s2], $0x80, v4, vm0, $0xb8;
	[tilespmem:$0x10A00] =	vst v63  }
0x716: {  	s31 =	simm.s32 $0x9200  }
0x717: {  	[tilespmem:s31], [sflag:$0x2] =	stream.indirect_vreg.gather [hbm4b:s4+s2], $0x80, v3, vm0, $0xb8;
	[tilespmem:$0x10A00] =	vst v63  }
0x718: {  	v3 =	vld [tilespmem:$0x990];
	_ =	sdelay $0x4  }
0x719: {  	v57 =	vshll.u32 v3, $0x1  }
0x71a: {  	v3 =	vand.u32 $0x7, v3;
	v4 =	vand.u32 $0xFFFFFFF0, v57  }
0x71b: {  	v3 =	vor.u32 v3, v4  }
0x71c: {  	v4 =	vperm.xlane v3, v0;
	_ =	sdelay $0x1  }
0x71d: {  	v3 =	vperm.xlane v3, v2;
	v4 =	vadd.s32 v1, v4;
	_ =	sdelay $0x1  }
0x71e: {  	v3 =	vadd.s32 v1, v3;
	_ =	sdelay $0x1  }
0x71f: {  	s22 =	simm.s32 $0x9A00  }
0x720: {  	[tilespmem:s22], [sflag:$0x2] =	stream.indirect_vreg.gather [hbm4b:s4+s2], $0x80, v4, vm0, $0xb8;
	[tilespmem:$0x10A00] =	vst v63  }
0x721: {  	s26 =	simm.s32 $0xA200  }
0x722: {  	[tilespmem:s26], [sflag:$0x2] =	stream.indirect_vreg.gather [hbm4b:s4+s2], $0x80, v3, vm0, $0xb8;
	[tilespmem:$0x10A00] =	vst v63  }
0x723: {  	v3 =	vld [tilespmem:$0x9A0];
	_ =	sdelay $0x4  }
0x724: {  	v58 =	vshll.u32 v3, $0x1  }
0x725: {  	v3 =	vand.u32 $0x7, v3;
	v4 =	vand.u32 $0xFFFFFFF0, v58  }
0x726: {  	v3 =	vor.u32 v3, v4  }
0x727: {  	v4 =	vperm.xlane v3, v0;
	_ =	sdelay $0x1  }
0x728: {  	v3 =	vperm.xlane v3, v2;
	v4 =	vadd.s32 v1, v4;
	_ =	sdelay $0x1  }
0x729: {  	v3 =	vadd.s32 v1, v3;
	_ =	sdelay $0x1  }
0x72a: {  	s9 =	simm.s32 $0xAA00  }
0x72b: {  	[tilespmem:s9], [sflag:$0x2] =	stream.indirect_vreg.gather [hbm4b:s4+s2], $0x80, v4, vm0, $0xb8;
	[tilespmem:$0x10A00] =	vst v63  }
0x72c: {  	s10 =	simm.s32 $0xB200  }
0x72d: {  	[tilespmem:s10], [sflag:$0x2] =	stream.indirect_vreg.gather [hbm4b:s4+s2], $0x80, v3, vm0, $0xb8;
	[tilespmem:$0x10A00] =	vst v63  }
0x72e: {  	v3 =	vld [tilespmem:$0x9B0];
	_ =	sdelay $0x4  }
0x72f: {  	v59 =	vshll.u32 v3, $0x1  }
0x730: {  	v3 =	vand.u32 $0x7, v3;
	v4 =	vand.u32 $0xFFFFFFF0, v59  }
0x731: {  	v3 =	vor.u32 v3, v4  }
0x732: {  	v4 =	vperm.xlane v3, v0;
	_ =	sdelay $0x1  }
0x733: {  	v3 =	vperm.xlane v3, v2;
	v4 =	vadd.s32 v1, v4;
	_ =	sdelay $0x1  }
0x734: {  	v3 =	vadd.s32 v1, v3;
	_ =	sdelay $0x1  }
0x735: {  	s25 =	simm.s32 $0xBA00  }
0x736: {  	[tilespmem:s25], [sflag:$0x2] =	stream.indirect_vreg.gather [hbm4b:s4+s2], $0x80, v4, vm0, $0xb8;
	[tilespmem:$0x10A00] =	vst v63  }
0x737: {  	s28 =	simm.s32 $0xC200  }
0x738: {  	[tilespmem:s28], [sflag:$0x2] =	stream.indirect_vreg.gather [hbm4b:s4+s2], $0x80, v3, vm0, $0xb8;
	[tilespmem:$0x10A00] =	vst v63  }
0x739: {  	v3 =	vld [tilespmem:$0x9C0];
	_ =	sdelay $0x4  }
0x73a: {  	v60 =	vshll.u32 v3, $0x1  }
0x73b: {  	v3 =	vand.u32 $0x7, v3;
	v4 =	vand.u32 $0xFFFFFFF0, v60  }
0x73c: {  	v3 =	vor.u32 v3, v4  }
0x73d: {  	v4 =	vperm.xlane v3, v0;
	_ =	sdelay $0x1  }
0x73e: {  	v3 =	vperm.xlane v3, v2;
	v4 =	vadd.s32 v1, v4;
	_ =	sdelay $0x1  }
0x73f: {  	v3 =	vadd.s32 v1, v3;
	_ =	sdelay $0x1  }
0x740: {  	s18 =	simm.s32 $0xCA00  }
0x741: {  	[tilespmem:s18], [sflag:$0x2] =	stream.indirect_vreg.gather [hbm4b:s4+s2], $0x80, v4, vm0, $0xb8;
	[tilespmem:$0x10A00] =	vst v63  }
0x742: {  	s8 =	simm.s32 $0xD200  }
0x743: {  	[tilespmem:s8], [sflag:$0x2] =	stream.indirect_vreg.gather [hbm4b:s4+s2], $0x80, v3, vm0, $0xb8;
	[tilespmem:$0x10A00] =	vst v63  }
0x744: {  	v3 =	vld [tilespmem:$0x9D0];
	_ =	sdelay $0x4  }
0x745: {  	v61 =	vshll.u32 v3, $0x1  }
0x746: {  	v3 =	vand.u32 $0x7, v3;
	v4 =	vand.u32 $0xFFFFFFF0, v61  }
0x747: {  	v3 =	vor.u32 v3, v4  }
0x748: {  	v4 =	vperm.xlane v3, v0;
	_ =	sdelay $0x1  }
0x749: {  	v3 =	vperm.xlane v3, v2;
	v4 =	vadd.s32 v1, v4;
	_ =	sdelay $0x1  }
0x74a: {  	v3 =	vadd.s32 v1, v3;
	_ =	sdelay $0x1  }
0x74b: {  	s0 =	simm.s32 $0xDA00  }
0x74c: {  	[tilespmem:s0], [sflag:$0x2] =	stream.indirect_vreg.gather [hbm4b:s4+s2], $0x80, v4, vm0, $0xb8;
	[tilespmem:$0x10A00] =	vst v63  }
0x74d: {  	s11 =	simm.s32 $0xE200  }
0x74e: {  	[tilespmem:s11], [sflag:$0x2] =	stream.indirect_vreg.gather [hbm4b:s4+s2], $0x80, v3, vm0, $0xb8;
	[tilespmem:$0x10A00] =	vst v63  }
0x74f: {  	v3 =	vld [tilespmem:$0x9E0];
	_ =	sdelay $0x4  }
0x750: {  	v62 =	vshll.u32 v3, $0x1  }
0x751: {  	v3 =	vand.u32 $0x7, v3;
	v4 =	vand.u32 $0xFFFFFFF0, v62  }
0x752: {  	v3 =	vor.u32 v3, v4  }
0x753: {  	v4 =	vperm.xlane v3, v0;
	_ =	sdelay $0x1  }
0x754: {  	v3 =	vperm.xlane v3, v2;
	v4 =	vadd.s32 v1, v4;
	_ =	sdelay $0x1  }
0x755: {  	v3 =	vadd.s32 v1, v3;
	_ =	sdelay $0x1  }
0x756: {  	s1 =	simm.s32 $0xEA00  }
0x757: {  	[tilespmem:s1], [sflag:$0x2] =	stream.indirect_vreg.gather [hbm4b:s4+s2], $0x80, v4, vm0, $0xb8;
	[tilespmem:$0x10A00] =	vst v63  }
0x758: {  	s12 =	simm.s32 $0xF200  }
0x759: {  	[tilespmem:s12], [sflag:$0x2] =	stream.indirect_vreg.gather [hbm4b:s4+s2], $0x80, v3, vm0, $0xb8;
	[tilespmem:$0x10A00] =	vst v63  }
0x75a: {  	v3 =	vld [tilespmem:$0x9F0];
	_ =	sdelay $0x4  }
0x75b: {  	v63 =	vshll.u32 v3, $0x1  }
0x75c: {  	v3 =	vand.u32 $0x7, v3;
	v4 =	vand.u32 $0xFFFFFFF0, v63  }
0x75d: {  	v3 =	vor.u32 v3, v4  }
0x75e: {  	v4 =	vperm.xlane v3, v0;
	_ =	sdelay $0x1  }
0x75f: {  	v3 =	vperm.xlane v3, v2;
	v4 =	vadd.s32 v1, v4;
	_ =	sdelay $0x1  }
0x760: {  	v3 =	vadd.s32 v1, v3;
	_ =	sdelay $0x1  }
0x761: {  	s3 =	simm.s32 $0xFA00  }
0x762: {  	[tilespmem:s3], [sflag:$0x2] =	stream.indirect_vreg.gather [hbm4b:s4+s2], $0x80, v4, vm0, $0xb8;
	[tilespmem:$0x10A00] =	vst v63  }
0x763: {  	s5 =	simm.s32 $0x10200  }
0x764: {  	[tilespmem:s5], [sflag:$0x2] =	stream.indirect_vreg.gather [hbm4b:s4+s2], $0x80, v3, vm0, $0xb8;
	[tilespmem:$0x10A00] =	vst v63  }
0x765: {  	s29 =	rddreg [dreg:$0x18];
	_ =	swait.ge [sflag:s13], $0x8000  }
0x766: {  	[sflag:s13] =	ssyncset.done $0x0  }
0x767: {  	s30 =	rddreg [dreg:$0x15];
	[sflag:s13] =	ssyncadd.s32 $0xFFFF8000  }
0x768: {  	[hbm4b:s30+s2] =	stream.linear.scatter [tilespmem:s7], [sflag:$0x3], $0x8000, $0x38;
	[tilespmem:$0x10A00] =	vst v63  }
0x769: {  	_ =	swait.ge [sflag:s6], $0x8000  }
0x76a: {  	[sflag:s6] =	ssyncset.done $0x0  }
0x76b: {  	[sflag:s6] =	ssyncadd.s32 $0xFFFF8000  }
0x76c: {  	_ =	swait.ge [sflag:s14], $0x8000  }
0x76d: {  	p0 =	sne.s32 s29, $0x1;
	[sflag:s14] =	ssyncset.done $0x0  }
.Ltmp0:
0x76e: {  	s31 =	rddreg [dreg:$0x16];
	[sflag:s14] =	ssyncadd.s32 $0xFFFF8000;
	(pc) =	sbr.rel @p0 .LBB2_1-.Ltmp0, $4  }
0x76f: {  	[hbm4b:s31+s2] =	stream.linear.scatter [tilespmem:s23], [sflag:$0x3], $0x8000, $0x38;
	[tilespmem:$0x10A00] =	vst v63  }
0x770: {  	_ =	swait.ge [sflag:s6], $0x8000  }
0x771: {  	[sflag:s6] =	ssyncset.done $0x0  }
0x772: {  	s0 =	sadd.s32 $0xFFFFFFFF, s29;
	[sflag:s6] =	ssyncadd.s32 $0xFFFF8000  }
0x773: {  	_ =	sfence.sel $0x180000  }
0x774: {  	[bflag:$0x0] =	sbarrier.arrive $0xFFFF  }
0x775: {  	_ =	strace $0x90000047  }
0x776: {  	s0 =	stileid.u32;
	[bflag:$0x2] =	sbarrier.arrive $0xFFFF  }
0x777: {  	p0 =	sne.s32 s0, $0x0;
	s0 =	rddreg [dreg:$0x2]  }
0x778: {  	s0 =	sadd.s32 @!p0 $0x100000, s0  }
0x779: {  	[sflag:s0] =	ssyncadd.tile.s32 @!p0 $0x1;
	_ =	shalt  }
.Lfunc_end2:
_tile_overlayer_lowered:
.L_overlay_start_2:
0x77a: {  	(tag) =	ssettag $0x2  }
0x77b: {  	s0 =	rddreg [dreg:$0x0];
	s2 =	stileid.u32  }
0x77c: {  	s1 =	rddreg [dreg:$0x1];
	p0 =	sne.s32 s2, $0x0  }
0x77d: {  	s3 =	rddreg [dreg:$0x2];
	[bflag:$0x3] =	sbarrier.arrive $0xFFFF;
	s2 =	simm.s32 @!p0 $0x1C03  }
0x77e: {  	[timem:s3], [sflag:s2] =	dma.local @!p0 [hbm:s0], s1  }
0x77f: {  	s0 =	simm.s32 @!p0 $0x3  }
0x780: {  	_ =	swait.ge @!p0 [sflag:s0], s1  }
0x781: {  	s1 =	ssub.s32 @!p0 $0x0, s1;
	[sflag:s0] =	ssyncset.done @!p0 $0x0  }
0x782: {  	[sflag:s0] =	ssyncadd.s32 @!p0 s1  }
0x783: {  	[bflag:$0x3] =	sbarrier.arrive $0xFFFF  }
0x784: {  	_ =	shalt  }

</sc_bundles>
